<compile_context>
chip_gen: v7x
topology: tpu7x:2x2x1
jax: 0.10.2.dev20260603
libtpu: 0.0.44.dev20260713+nightly
codegen_flags: <defaults>
</compile_context>

<pallas_src>
import functools

import jax
import jax.numpy as jnp
from jax import lax
from jax.experimental import pallas as pl
from jax.experimental.pallas import tpu as pltpu
from jax.experimental.pallas import tpu_sc as plsc

N = 10000
E = 320000
D = 128
H = 512

SC_CORES = 2
SC_SUBCORES = 16
NW = SC_CORES * SC_SUBCORES
NP = 10240
KI = 128
NCH = E // KI
NCH2 = 2504
CH_W = NCH // NW
CH_X = NCH - CH_W * NW
CH_A = 40
CH_B = CH_W - CH_A
CH_STG = 48
CH_DEG = NCH // SC_SUBCORES
DEG_X = NCH - CH_DEG * SC_SUBCORES
DEG_STG = 168
RPT = NP // SC_SUBCORES

BR = 1024
GRID = (N + BR - 1) // BR


def _deg_body(src_hbm, dst_hbm, zeros_hbm, ones_hbm, out_hbm,
              idx_v, ones_v, deg_sp):
    c = lax.axis_index("c")
    s = lax.axis_index("s")
    pltpu.sync_copy(zeros_hbm.at[pl.ds(s * RPT, RPT)],
                    deg_sp.at[pl.ds(s * RPT, RPT)])
    pltpu.sync_copy(ones_hbm, ones_v)
    start = s * CH_DEG
    stg = pl.multiple_of(jnp.minimum((start // 8) * 8, NCH2 - DEG_STG), 8)
    dlt = start - stg

    @pl.when(c == 0)
    def _():
        pltpu.sync_copy(src_hbm.at[pl.ds(stg, DEG_STG)], idx_v)

    @pl.when(c == 1)
    def _():
        pltpu.sync_copy(dst_hbm.at[pl.ds(stg, DEG_STG)], idx_v)

    plsc.subcore_barrier()

    def body(j, carry):
        pltpu.sync_copy(ones_v, deg_sp.at[idx_v.at[dlt + j]], add=True)
        return carry

    lax.fori_loop(0, CH_DEG, body, 0)

    @pl.when(s < DEG_X)
    def _():
        tail = CH_DEG * SC_SUBCORES - (NCH2 - 8)

        @pl.when(c == 0)
        def _():
            pltpu.sync_copy(src_hbm.at[pl.ds(NCH2 - 8, 8)],
                            idx_v.at[pl.ds(0, 8)])

        @pl.when(c == 1)
        def _():
            pltpu.sync_copy(dst_hbm.at[pl.ds(NCH2 - 8, 8)],
                            idx_v.at[pl.ds(0, 8)])

        pltpu.sync_copy(ones_v, deg_sp.at[idx_v.at[tail + s]], add=True)

    plsc.subcore_barrier()
    pltpu.sync_copy(deg_sp.at[pl.ds(s * RPT, RPT)],
                    out_hbm.at[c, pl.ds(s * RPT, RPT)])


@functools.cache
def _sc_mesh():
    return plsc.VectorSubcoreMesh(
        core_axis_name="c", subcore_axis_name="s",
        num_cores=SC_CORES, num_subcores=SC_SUBCORES)


@functools.cache
def _deg_kernel_build():
    return pl.kernel(
        _deg_body,
        out_type=jax.ShapeDtypeStruct((2, NP), jnp.float32),
        mesh=_sc_mesh(),
        scratch_types=[
            pltpu.VMEM((DEG_STG, KI), jnp.int32),
            pltpu.VMEM((KI,), jnp.float32),
            pltpu.VMEM_SHARED((NP,), jnp.float32),
        ],
    )


def _deg_kernel(*args):
    return _deg_kernel_build()(*args)


def _spmm_body(p_hbm, src_hbm, dst_hbm, zeros_hbm, out_hbm,
               sidx_v, didx_v, rows0_v, rows1_v, agg_sp, sem0, sem1):
    c = lax.axis_index("c")
    s = lax.axis_index("s")
    pltpu.sync_copy(zeros_hbm.at[pl.ds(s * RPT, RPT)],
                    agg_sp.at[pl.ds(s * RPT, RPT)])
    wid = c * SC_SUBCORES + s
    base = wid * CH_W

    def drain(rows_v, sem):
        pltpu.make_async_copy(p_hbm.at[pl.ds(0, KI)], rows_v, sem).wait()

    def half(start, nch, first):
        stg = pl.multiple_of(jnp.minimum((start // 8) * 8, NCH2 - CH_STG), 8)
        dlt = start - stg
        pltpu.sync_copy(src_hbm.at[pl.ds(stg, CH_STG)], sidx_v)
        pltpu.sync_copy(dst_hbm.at[pl.ds(stg, CH_STG)], didx_v)
        if first:
            plsc.subcore_barrier()
        pltpu.async_copy(p_hbm.at[sidx_v.at[dlt]], rows0_v, sem0)
        pltpu.async_copy(p_hbm.at[sidx_v.at[dlt + 1]], rows1_v, sem1)

        def body(g, carry):
            drain(rows0_v, sem0)
            pltpu.sync_copy(rows0_v, agg_sp.at[didx_v.at[dlt + 2 * g]],
                            add=True)
            nxt0 = jnp.minimum(2 * g + 2, nch - 1)
            pltpu.async_copy(p_hbm.at[sidx_v.at[dlt + nxt0]], rows0_v, sem0)
            drain(rows1_v, sem1)
            pltpu.sync_copy(rows1_v, agg_sp.at[didx_v.at[dlt + 2 * g + 1]],
                            add=True)
            nxt1 = jnp.minimum(2 * g + 3, nch - 1)
            pltpu.async_copy(p_hbm.at[sidx_v.at[dlt + nxt1]], rows1_v, sem1)
            return carry

        lax.fori_loop(0, nch // 2, body, 0)
        drain(rows0_v, sem0)
        drain(rows1_v, sem1)

    half(base, CH_A, True)
    half(base + CH_A, CH_B, False)

    @pl.when(wid < CH_X)
    def _():
        tail = CH_W * NW - (NCH2 - 8)
        pltpu.sync_copy(src_hbm.at[pl.ds(NCH2 - 8, 8)], sidx_v.at[pl.ds(0, 8)])
        pltpu.sync_copy(dst_hbm.at[pl.ds(NCH2 - 8, 8)], didx_v.at[pl.ds(0, 8)])
        pltpu.sync_copy(p_hbm.at[sidx_v.at[tail + wid]], rows0_v)
        pltpu.sync_copy(rows0_v, agg_sp.at[didx_v.at[tail + wid]], add=True)

    plsc.subcore_barrier()
    pltpu.sync_copy(agg_sp.at[pl.ds(s * RPT, RPT)],
                    out_hbm.at[c, pl.ds(s * RPT, RPT)])


@functools.cache
def _spmm_kernel_build():
    return pl.kernel(
        _spmm_body,
        out_type=jax.ShapeDtypeStruct((2, NP, D), jnp.float32),
        mesh=_sc_mesh(),
        scratch_types=[
            pltpu.VMEM((CH_STG, KI), jnp.int32),
            pltpu.VMEM((CH_STG, KI), jnp.int32),
            pltpu.VMEM((KI, D), jnp.float32),
            pltpu.VMEM((KI, D), jnp.float32),
            pltpu.VMEM_SHARED((NP, D), jnp.float32),
            pltpu.SemaphoreType.DMA,
            pltpu.SemaphoreType.DMA,
        ],
    )


def _spmm_kernel(*args):
    return _spmm_kernel_build()(*args)



def _mlp_block(feat_ref, lab_ref, tab_ref, w1a_ref, w1b_ref, b1_ref,
               g_ref, bln_ref, w2_ref, b2_ref, out_ref):
    lab = lab_ref[...]
    oh = (lax.broadcasted_iota(jnp.int32, (BR, 128), 1) == lab)
    emb = jnp.dot(oh.astype(jnp.float32), tab_ref[...],
                  preferred_element_type=jnp.float32)
    h = (jnp.dot(feat_ref[...], w1a_ref[...], preferred_element_type=jnp.float32)
         + jnp.dot(emb, w1b_ref[...], preferred_element_type=jnp.float32)
         + b1_ref[...])
    mu = jnp.mean(h, axis=-1, keepdims=True)
    hc = h - mu
    var = jnp.mean(hc * hc, axis=-1, keepdims=True)
    h = hc * lax.rsqrt(var + 1e-5) * g_ref[...] + bln_ref[...]
    h = jnp.maximum(h, 0.0)
    out_ref[...] = (jnp.dot(h, w2_ref[...], preferred_element_type=jnp.float32)
                    + b2_ref[...])


_mlp_call = pl.pallas_call(
    _mlp_block,
    grid=(GRID,),
    in_specs=[
        pl.BlockSpec((BR, D), lambda i: (i, 0)),
        pl.BlockSpec((BR, 1), lambda i: (i, 0)),
        pl.BlockSpec((128, D), lambda i: (0, 0)),
        pl.BlockSpec((D, H), lambda i: (0, 0)),
        pl.BlockSpec((D, H), lambda i: (0, 0)),
        pl.BlockSpec((1, H), lambda i: (0, 0)),
        pl.BlockSpec((1, H), lambda i: (0, 0)),
        pl.BlockSpec((1, H), lambda i: (0, 0)),
        pl.BlockSpec((H, D), lambda i: (0, 0)),
        pl.BlockSpec((1, D), lambda i: (0, 0)),
    ],
    out_specs=pl.BlockSpec((BR, D), lambda i: (i, 0)),
    out_shape=jax.ShapeDtypeStruct((N, D), jnp.float32),
)


def _scale_block(h_ref, deg_ref, out_ref):
    nsrc = lax.rsqrt(jnp.maximum(deg_ref[...][:, 0:1], 1.0))
    out_ref[...] = h_ref[...] * nsrc


_scale_call = pl.pallas_call(
    _scale_block,
    grid=(GRID,),
    in_specs=[
        pl.BlockSpec((BR, D), lambda i: (i, 0)),
        pl.BlockSpec((BR, 2), lambda i: (i, 0)),
    ],
    out_specs=pl.BlockSpec((BR, D), lambda i: (i, 0)),
    out_shape=jax.ShapeDtypeStruct((N, D), jnp.float32),
)


def _conv_mid_block(agg_ref, deg_ref, w_ref, b_ref, pn_ref):
    a = agg_ref[0] + agg_ref[1]
    dd = deg_ref[...]
    ndst = lax.rsqrt(jnp.maximum(dd[:, 1:2], 1.0))
    nsrc = lax.rsqrt(jnp.maximum(dd[:, 0:1], 1.0))
    h = jnp.dot(a * ndst, w_ref[...], preferred_element_type=jnp.float32)
    pn_ref[...] = jnp.maximum(h + b_ref[...], 0.0) * nsrc


def _conv_out_block(agg_ref, deg_ref, w_ref, b_ref, h_ref):
    a = agg_ref[0] + agg_ref[1]
    ndst = lax.rsqrt(jnp.maximum(deg_ref[...][:, 1:2], 1.0))
    h = jnp.dot(a * ndst, w_ref[...], preferred_element_type=jnp.float32)
    h_ref[...] = jnp.maximum(h + b_ref[...], 0.0)


def _conv_call(body):
    return pl.pallas_call(
        body,
        grid=(GRID,),
        in_specs=[
            pl.BlockSpec((2, BR, D), lambda i: (0, i, 0)),
            pl.BlockSpec((BR, 2), lambda i: (i, 0)),
            pl.BlockSpec((D, D), lambda i: (0, 0)),
            pl.BlockSpec((1, D), lambda i: (0, 0)),
        ],
        out_specs=pl.BlockSpec((BR, D), lambda i: (i, 0)),
        out_shape=jax.ShapeDtypeStruct((N, D), jnp.float32),
    )


_conv_mid = _conv_call(_conv_mid_block)
_conv_out = _conv_call(_conv_out_block)



def kernel(features, edge_index, input_labels, label_table,
           W1, b1, ln_g, ln_b, W2, b2, Wc0, bc0, Wc1, bc1):
    f32 = jnp.float32
    labc = input_labels[:, None]
    tabp = jnp.pad(label_table, ((0, 128 - label_table.shape[0]), (0, 0)))
    w1a, w1b = W1[:D], W1[D:]
    b1r, gr, blnr = b1[None, :], ln_g[None, :], ln_b[None, :]
    b2r, bc0r, bc1r = b2[None, :], bc0[None, :], bc1[None, :]

    src2d = jnp.pad(edge_index[0].reshape(NCH, KI), ((0, NCH2 - NCH), (0, 0)))
    dst2d = jnp.pad(edge_index[1].reshape(NCH, KI), ((0, NCH2 - NCH), (0, 0)))

    zeros_nd = jnp.zeros((NP, D), f32)
    zeros_n = jnp.zeros((NP,), f32)
    ones_k = jnp.ones((KI,), f32)

    deg2 = _deg_kernel(src2d, dst2d, zeros_n, ones_k)
    deg = deg2.T

    h0 = _mlp_call(features, labc, tabp, w1a, w1b, b1r, gr, blnr, W2, b2r)
    p = _scale_call(h0, deg)

    agg = _spmm_kernel(p, src2d, dst2d, zeros_nd)
    p = _conv_mid(agg, deg, Wc0, bc0r)
    agg = _spmm_kernel(p, src2d, dst2d, zeros_nd)
    return _conv_out(agg, deg, Wc1, bc1r)

# --- scband reference (transcript-rebuilt; emitter-appended) ---
"""Pipeline reference for scband-graph-conv-encoder-6150393168617 (READ-ONLY COPY).

The authoritative reference and input builder live on the scoring server;
editing this copy changes nothing except your own understanding.
"""

import jax, jax.numpy as jnp
import numpy as np

N = 10000
E = 320000
D = 128
H = 4 * D
NC = 40


def setup_inputs(seed: int = 0) -> dict:
    key = jax.random.key(seed)
    ks = jax.random.split(key, 16)
    features = jax.random.normal(ks[0], (N, D), dtype=jnp.float32)
    edge_index = jax.random.randint(ks[1], (2, E), 0, N, dtype=jnp.int32)
    input_labels = jax.random.randint(ks[2], (N,), 0, NC + 1, dtype=jnp.int32)
    # label embedding table; padding_idx = NC row is zeroed (matches nn.Embedding padding_idx)
    label_table = (jax.random.normal(ks[3], (NC + 1, D), dtype=jnp.float32) * 0.02).at[NC].set(0.0)
    # label_embed_layer: Linear(2D->4D), LayerNorm(4D), ReLU, Linear(4D->D)
    W1 = jax.random.normal(ks[4], (2 * D, H), dtype=jnp.float32) * 0.02
    b1 = jnp.zeros((H,), dtype=jnp.float32)
    ln_g = jnp.ones((H,), dtype=jnp.float32)
    ln_b = jnp.zeros((H,), dtype=jnp.float32)
    W2 = jax.random.normal(ks[5], (H, D), dtype=jnp.float32) * 0.02
    b2 = jnp.zeros((D,), dtype=jnp.float32)
    # GraphConv layer weights (n_layers = 2, in=out=D)
    Wc0 = jax.random.normal(ks[6], (D, D), dtype=jnp.float32) * 0.05
    bc0 = jnp.zeros((D,), dtype=jnp.float32)
    Wc1 = jax.random.normal(ks[7], (D, D), dtype=jnp.float32) * 0.05
    bc1 = jnp.zeros((D,), dtype=jnp.float32)
    return {
        "features": features,
        "edge_index": edge_index,
        "input_labels": input_labels,
        "label_table": label_table,
        "W1": W1, "b1": b1, "ln_g": ln_g, "ln_b": ln_b,
        "W2": W2, "b2": b2,
        "Wc0": Wc0, "bc0": bc0, "Wc1": Wc1, "bc1": bc1,
    }


def reference(features, edge_index, input_labels, label_table, W1, b1, ln_g, ln_b, W2, b2, Wc0, bc0, Wc1, bc1):
    # label embedding + label_embed_layer MLP (dropouts are p=0 / eval -> identity)
    emb = jnp.take(label_table, input_labels, axis=0)
    h = jnp.concatenate([features, emb], axis=-1)
    h = h @ W1 + b1
    mu = jnp.mean(h, axis=-1, keepdims=True)
    var = jnp.mean((h - mu) ** 2, axis=-1, keepdims=True)
    h = (h - mu) / jnp.sqrt(var + 1e-5) * ln_g + ln_b
    h = jax.nn.relu(h)
    h = h @ W2 + b2

    # DGL GraphConv with norm='both': D_out^{-1/2} on src, sum-aggregate, D_in^{-1/2} on dst
    src = edge_index[0]
    dst = edge_index[1]
    ones = jnp.ones((E,), dtype=jnp.float32)
    deg_out = jnp.clip(jax.ops.segment_sum(ones, src, num_segments=N), 1.0, None)
    deg_in = jnp.clip(jax.ops.segment_sum(ones, dst, num_segments=N), 1.0, None)
    norm_src = (deg_out ** -0.5)[:, None]
    norm_dst = (deg_in ** -0.5)[:, None]

    for (W, b) in ((Wc0, bc0), (Wc1, bc1)):
        hn = h * norm_src
        msg = jnp.take(hn, src, axis=0)
        agg = jax.ops.segment_sum(msg, dst, num_segments=N)
        agg = agg * norm_dst
        h = jax.nn.relu(agg @ W + b)
    return h

if __name__ == "__main__":
    import jax
    _d = setup_inputs()
    print(jax.jit(kernel)(*tuple(_d.values())))

</pallas_src>

<mosaic_0001>
#map = affine_map<(d0, d1) -> (0, 0)>
#map1 = affine_map<(d0, d1) -> (0)>
module attributes {stable_mosaic.version = 14 : i64} {
  func.func @_deg_body(%arg0: i32, %arg1: i32, %arg2: memref<2504x128xi32, #tpu.memory_space<hbm>>, %arg3: memref<2504x128xi32, #tpu.memory_space<hbm>>, %arg4: memref<10240xf32, #tpu.memory_space<hbm>>, %arg5: memref<128xf32, #tpu.memory_space<hbm>>, %arg6: memref<2x10240xf32, #tpu.memory_space<hbm>>, %arg7: memref<168x128xi32, #tpu.memory_space<vmem>>, %arg8: memref<128xf32, #tpu.memory_space<vmem>>, %arg9: memref<10240xf32, #tpu.memory_space<vmem_shared>>) attributes {dimension_semantics = [#tpu.dimension_semantics<core_parallel>, #tpu.dimension_semantics<subcore_parallel>], iteration_bounds = array<i64: 2, 16>, scalar_prefetch = 0 : i64, scratch_operands = 3 : i64, tpu.core_type = #tpu.core_type<sc_vector_subcore>, window_params = [{transform_indices = #map}, {transform_indices = #map}, {transform_indices = #map1}, {transform_indices = #map1}, {transform_indices = #map}]} {
    %mul3A = arith.constant 640 : i32
    %mul3A_0 = arith.muli %arg1, %mul3A : i32
    %mul3A_1 = arith.constant 640 : i32
    %mul3A_2 = arith.muli %arg1, %mul3A_1 : i32
    "tpu.region"() ({
      %run_scoped3A = tpu.sem_alloc : memref<!tpu.dma_semaphore, #tpu.memory_space<semaphore_mem>>
      %dma_start3A = tpu.memref_slice %arg9[%mul3A_2] : memref<10240xf32, #tpu.memory_space<vmem_shared>> -> memref<640xf32, #tpu.memory_space<vmem_shared>>
      %dma_start3A_46 = tpu.memref_slice %arg4[%mul3A_0] : memref<10240xf32, #tpu.memory_space<hbm>> -> memref<640xf32, #tpu.memory_space<hbm>>
      tpu.enqueue_dma source(%dma_start3A_46 : memref<640xf32, #tpu.memory_space<hbm>>) target(%dma_start3A : memref<640xf32, #tpu.memory_space<vmem_shared>>) target_semaphore(%run_scoped3A : memref<!tpu.dma_semaphore, #tpu.memory_space<semaphore_mem>>)
      %dma_wait3A = tpu.memref_slice %arg9[%mul3A_2] : memref<10240xf32, #tpu.memory_space<vmem_shared>> -> memref<640xf32, #tpu.memory_space<vmem_shared>>
      %dma_wait3A_47 = tpu.memref_slice %arg4[%mul3A_0] : memref<10240xf32, #tpu.memory_space<hbm>> -> memref<640xf32, #tpu.memory_space<hbm>>
      tpu.wait_dma2 semaphore(%run_scoped3A : memref<!tpu.dma_semaphore, #tpu.memory_space<semaphore_mem>>) src(%dma_wait3A_47 : memref<640xf32, #tpu.memory_space<hbm>>) dst(%dma_wait3A : memref<640xf32, #tpu.memory_space<vmem_shared>>)
      tpu.yield
    }) : () -> ()
    "tpu.region"() ({
      %run_scoped3A = tpu.sem_alloc : memref<!tpu.dma_semaphore, #tpu.memory_space<semaphore_mem>>
      tpu.enqueue_dma source(%arg5 : memref<128xf32, #tpu.memory_space<hbm>>) target(%arg8 : memref<128xf32, #tpu.memory_space<vmem>>) target_semaphore(%run_scoped3A : memref<!tpu.dma_semaphore, #tpu.memory_space<semaphore_mem>>)
      tpu.wait_dma2 semaphore(%run_scoped3A : memref<!tpu.dma_semaphore, #tpu.memory_space<semaphore_mem>>) src(%arg5 : memref<128xf32, #tpu.memory_space<hbm>>) dst(%arg8 : memref<128xf32, #tpu.memory_space<vmem>>)
      tpu.yield
    }) : () -> ()
    %mul3A_3 = arith.constant 156 : i32
    %mul3A_4 = arith.muli %arg1, %mul3A_3 : i32
    %jit3A = arith.constant 8 : i32
    %div3A = arith.divsi %mul3A_4, %jit3A : i32
    %sign3A = arith.constant 0 : i32
    %sign3A_5 = arith.cmpi sgt, %mul3A_4, %sign3A : i32
    %sign3A_6 = arith.extui %sign3A_5 : i1 to i32
    %sign3A_7 = arith.constant 0 : i32
    %sign3A_8 = arith.cmpi slt, %mul3A_4, %sign3A_7 : i32
    %sign3A_9 = arith.extui %sign3A_8 : i1 to i32
    %sign3A_10 = arith.subi %sign3A_6, %sign3A_9 : i32
    %sign3A_11 = arith.constant 0 : i32
    %sign3A_12 = arith.cmpi sgt, %jit3A, %sign3A_11 : i32
    %sign3A_13 = arith.extui %sign3A_12 : i1 to i32
    %sign3A_14 = arith.constant 0 : i32
    %sign3A_15 = arith.cmpi slt, %jit3A, %sign3A_14 : i32
    %sign3A_16 = arith.extui %sign3A_15 : i1 to i32
    %sign3A_17 = arith.subi %sign3A_13, %sign3A_16 : i32
    %ne3A = arith.cmpi ne, %sign3A_10, %sign3A_17 : i32
    %rem3A = arith.remsi %mul3A_4, %jit3A : i32
    %ne3A_18 = arith.constant 0 : i32
    %ne3A_19 = arith.cmpi ne, %rem3A, %ne3A_18 : i32
    %and3A = arith.andi %ne3A, %ne3A_19 : i1
    %sub3A = arith.constant 1 : i32
    %sub3A_20 = arith.subi %div3A, %sub3A : i32
    %select_n3A = arith.select %and3A, %sub3A_20, %div3A : i32
    %mul3A_21 = arith.constant 8 : i32
    %mul3A_22 = arith.muli %select_n3A, %mul3A_21 : i32
    %min3A = arith.constant 2336 : i32
    %min3A_23 = arith.minsi %mul3A_22, %min3A : i32
    %multiple_of3A = tpu.assume_multiple %min3A_23, 8 : i32
    %sub3A_24 = arith.subi %mul3A_4, %multiple_of3A : i32
    %eq3A = arith.constant 0 : i32
    %eq3A_25 = arith.cmpi eq, %arg0, %eq3A : i32
    %convert_element_type3A = arith.extui %eq3A_25 : i1 to i32
    %cond3A = arith.constant 0 : i32
    %cond3A_26 = arith.cmpi ne, %convert_element_type3A, %cond3A : i32
    scf.if %cond3A_26 {
      "tpu.region"() ({
        %run_scoped3A = tpu.sem_alloc : memref<!tpu.dma_semaphore, #tpu.memory_space<semaphore_mem>>
        %dma_start3A = arith.constant 0 : i32
        %dma_start3A_46 = tpu.memref_slice %arg2[%multiple_of3A, %dma_start3A] : memref<2504x128xi32, #tpu.memory_space<hbm>> -> memref<168x128xi32, #tpu.memory_space<hbm>>
        %dma_start3A_47 = arith.constant 0 : i32
        %dma_start3A_48 = tpu.memref_slice %arg2[%multiple_of3A, %dma_start3A_47] : memref<2504x128xi32, #tpu.memory_space<hbm>> -> memref<168x128xi32, #tpu.memory_space<hbm>>
        tpu.enqueue_dma source(%dma_start3A_48 : memref<168x128xi32, #tpu.memory_space<hbm>>) target(%arg7 : memref<168x128xi32, #tpu.memory_space<vmem>>) target_semaphore(%run_scoped3A : memref<!tpu.dma_semaphore, #tpu.memory_space<semaphore_mem>>)
        %dma_wait3A = arith.constant 0 : i32
        %dma_wait3A_49 = tpu.memref_slice %arg2[%multiple_of3A, %dma_wait3A] : memref<2504x128xi32, #tpu.memory_space<hbm>> -> memref<168x128xi32, #tpu.memory_space<hbm>>
        %dma_wait3A_50 = arith.constant 0 : i32
        %dma_wait3A_51 = tpu.memref_slice %arg2[%multiple_of3A, %dma_wait3A_50] : memref<2504x128xi32, #tpu.memory_space<hbm>> -> memref<168x128xi32, #tpu.memory_space<hbm>>
        tpu.wait_dma2 semaphore(%run_scoped3A : memref<!tpu.dma_semaphore, #tpu.memory_space<semaphore_mem>>) src(%dma_wait3A_51 : memref<168x128xi32, #tpu.memory_space<hbm>>) dst(%arg7 : memref<168x128xi32, #tpu.memory_space<vmem>>)
        tpu.yield
      }) : () -> ()
    } else {
    }
    %eq3A_27 = arith.constant 1 : i32
    %eq3A_28 = arith.cmpi eq, %arg0, %eq3A_27 : i32
    %convert_element_type3A_29 = arith.extui %eq3A_28 : i1 to i32
    %cond3A_30 = arith.constant 0 : i32
    %cond3A_31 = arith.cmpi ne, %convert_element_type3A_29, %cond3A_30 : i32
    scf.if %cond3A_31 {
      "tpu.region"() ({
        %run_scoped3A = tpu.sem_alloc : memref<!tpu.dma_semaphore, #tpu.memory_space<semaphore_mem>>
        %dma_start3A = arith.constant 0 : i32
        %dma_start3A_46 = tpu.memref_slice %arg3[%multiple_of3A, %dma_start3A] : memref<2504x128xi32, #tpu.memory_space<hbm>> -> memref<168x128xi32, #tpu.memory_space<hbm>>
        %dma_start3A_47 = arith.constant 0 : i32
        %dma_start3A_48 = tpu.memref_slice %arg3[%multiple_of3A, %dma_start3A_47] : memref<2504x128xi32, #tpu.memory_space<hbm>> -> memref<168x128xi32, #tpu.memory_space<hbm>>
        tpu.enqueue_dma source(%dma_start3A_48 : memref<168x128xi32, #tpu.memory_space<hbm>>) target(%arg7 : memref<168x128xi32, #tpu.memory_space<vmem>>) target_semaphore(%run_scoped3A : memref<!tpu.dma_semaphore, #tpu.memory_space<semaphore_mem>>)
        %dma_wait3A = arith.constant 0 : i32
        %dma_wait3A_49 = tpu.memref_slice %arg3[%multiple_of3A, %dma_wait3A] : memref<2504x128xi32, #tpu.memory_space<hbm>> -> memref<168x128xi32, #tpu.memory_space<hbm>>
        %dma_wait3A_50 = arith.constant 0 : i32
        %dma_wait3A_51 = tpu.memref_slice %arg3[%multiple_of3A, %dma_wait3A_50] : memref<2504x128xi32, #tpu.memory_space<hbm>> -> memref<168x128xi32, #tpu.memory_space<hbm>>
        tpu.wait_dma2 semaphore(%run_scoped3A : memref<!tpu.dma_semaphore, #tpu.memory_space<semaphore_mem>>) src(%dma_wait3A_51 : memref<168x128xi32, #tpu.memory_space<hbm>>) dst(%arg7 : memref<168x128xi32, #tpu.memory_space<vmem>>)
        tpu.yield
      }) : () -> ()
    } else {
    }
    %barrier3A = arith.constant 0 : index
    tpu.barrier barrier_id(%barrier3A)
    %scan3A = arith.constant 0 : i32
    %scan3A_32 = arith.constant 0 : i32
    %scan3A_33 = arith.constant 156 : i32
    %scan3A_34 = arith.addi %scan3A_32, %scan3A_33 : i32
    %scan3A_35 = arith.constant 1 : i32
    scf.for %scan3A_46 = %scan3A_32 to %scan3A_34 step %scan3A_35  : i32 {
      %add3A = arith.addi %sub3A_24, %scan3A_46 : i32
      "tpu.region"() ({
        %run_scoped3A = tpu.sem_alloc : memref<!tpu.dma_semaphore, #tpu.memory_space<semaphore_mem>>
        %dma_start3A = arith.constant 0 : i32
        %dma_start3A_47 = tpu.memref_slice %arg7[%add3A, %dma_start3A] : memref<168x128xi32, #tpu.memory_space<vmem>> -> memref<1x128xi32, #tpu.memory_space<vmem>>
        %dma_start3A_48 = tpu.memref_squeeze %dma_start3A_47 : memref<1x128xi32, #tpu.memory_space<vmem>> -> memref<128xi32, #tpu.memory_space<vmem>>
        %dma_start3A_49 = arith.constant 0 : i32
        %dma_start3A_50 = tpu.memref_slice %arg9[%dma_start3A_49] : memref<10240xf32, #tpu.memory_space<vmem_shared>> -> memref<10240xf32, #tpu.memory_space<vmem_shared>>
        tpu.enqueue_indirect_dma source(%arg8 : memref<128xf32, #tpu.memory_space<vmem>>) target(%dma_start3A_50 : memref<10240xf32, #tpu.memory_space<vmem_shared>>) offsets(%dma_start3A_48 : memref<128xi32, #tpu.memory_space<vmem>>) semaphore(%run_scoped3A : memref<!tpu.dma_semaphore, #tpu.memory_space<semaphore_mem>>) {add = true}
        %dma_wait3A = arith.constant 0 : i32
        %dma_wait3A_51 = tpu.memref_slice %arg7[%add3A, %dma_wait3A] : memref<168x128xi32, #tpu.memory_space<vmem>> -> memref<1x128xi32, #tpu.memory_space<vmem>>
        %dma_wait3A_52 = tpu.memref_squeeze %dma_wait3A_51 : memref<1x128xi32, #tpu.memory_space<vmem>> -> memref<128xi32, #tpu.memory_space<vmem>>
        %dma_wait3A_53 = arith.constant 0 : i32
        %dma_wait3A_54 = tpu.memref_slice %arg9[%dma_wait3A_53] : memref<10240xf32, #tpu.memory_space<vmem_shared>> -> memref<10240xf32, #tpu.memory_space<vmem_shared>>
        tpu.wait_indirect_dma semaphore(%run_scoped3A : memref<!tpu.dma_semaphore, #tpu.memory_space<semaphore_mem>>) src(%arg8 : memref<128xf32, #tpu.memory_space<vmem>>) dst(%dma_wait3A_54 : memref<10240xf32, #tpu.memory_space<vmem_shared>>)
        tpu.yield
      }) : () -> ()
    }
    %scan3A_36 = arith.constant 156 : i32
    %lt3A = arith.constant 4 : i32
    %lt3A_37 = arith.cmpi slt, %arg1, %lt3A : i32
    %convert_element_type3A_38 = arith.extui %lt3A_37 : i1 to i32
    %cond3A_39 = arith.constant 0 : i32
    %cond3A_40 = arith.cmpi ne, %convert_element_type3A_38, %cond3A_39 : i32
    scf.if %cond3A_40 {
      %eq3A_46 = arith.constant 0 : i32
      %eq3A_47 = arith.cmpi eq, %arg0, %eq3A_46 : i32
      %convert_element_type3A_48 = arith.extui %eq3A_47 : i1 to i32
      %cond3A_49 = arith.constant 0 : i32
      %cond3A_50 = arith.cmpi ne, %convert_element_type3A_48, %cond3A_49 : i32
      scf.if %cond3A_50 {
        "tpu.region"() ({
          %run_scoped3A = tpu.sem_alloc : memref<!tpu.dma_semaphore, #tpu.memory_space<semaphore_mem>>
          %dma_start3A = arith.constant 0 : i32
          %dma_start3A_57 = arith.constant 0 : i32
          %dma_start3A_58 = tpu.memref_slice %arg7[%dma_start3A, %dma_start3A_57] : memref<168x128xi32, #tpu.memory_space<vmem>> -> memref<8x128xi32, #tpu.memory_space<vmem>>
          %dma_start3A_59 = arith.constant 2496 : i32
          %dma_start3A_60 = arith.constant 0 : i32
          %dma_start3A_61 = tpu.memref_slice %arg2[%dma_start3A_59, %dma_start3A_60] : memref<2504x128xi32, #tpu.memory_space<hbm>> -> memref<8x128xi32, #tpu.memory_space<hbm>>
          %dma_start3A_62 = arith.constant 0 : i32
          %dma_start3A_63 = arith.constant 0 : i32
          %dma_start3A_64 = tpu.memref_slice %arg7[%dma_start3A_62, %dma_start3A_63] : memref<168x128xi32, #tpu.memory_space<vmem>> -> memref<8x128xi32, #tpu.memory_space<vmem>>
          %dma_start3A_65 = arith.constant 2496 : i32
          %dma_start3A_66 = arith.constant 0 : i32
          %dma_start3A_67 = tpu.memref_slice %arg2[%dma_start3A_65, %dma_start3A_66] : memref<2504x128xi32, #tpu.memory_space<hbm>> -> memref<8x128xi32, #tpu.memory_space<hbm>>
          tpu.enqueue_dma source(%dma_start3A_67 : memref<8x128xi32, #tpu.memory_space<hbm>>) target(%dma_start3A_64 : memref<8x128xi32, #tpu.memory_space<vmem>>) target_semaphore(%run_scoped3A : memref<!tpu.dma_semaphore, #tpu.memory_space<semaphore_mem>>)
          %dma_wait3A = arith.constant 0 : i32
          %dma_wait3A_68 = arith.constant 0 : i32
          %dma_wait3A_69 = tpu.memref_slice %arg7[%dma_wait3A, %dma_wait3A_68] : memref<168x128xi32, #tpu.memory_space<vmem>> -> memref<8x128xi32, #tpu.memory_space<vmem>>
          %dma_wait3A_70 = arith.constant 2496 : i32
          %dma_wait3A_71 = arith.constant 0 : i32
          %dma_wait3A_72 = tpu.memref_slice %arg2[%dma_wait3A_70, %dma_wait3A_71] : memref<2504x128xi32, #tpu.memory_space<hbm>> -> memref<8x128xi32, #tpu.memory_space<hbm>>
          %dma_wait3A_73 = arith.constant 0 : i32
          %dma_wait3A_74 = arith.constant 0 : i32
          %dma_wait3A_75 = tpu.memref_slice %arg7[%dma_wait3A_73, %dma_wait3A_74] : memref<168x128xi32, #tpu.memory_space<vmem>> -> memref<8x128xi32, #tpu.memory_space<vmem>>
          %dma_wait3A_76 = arith.constant 2496 : i32
          %dma_wait3A_77 = arith.constant 0 : i32
          %dma_wait3A_78 = tpu.memref_slice %arg2[%dma_wait3A_76, %dma_wait3A_77] : memref<2504x128xi32, #tpu.memory_space<hbm>> -> memref<8x128xi32, #tpu.memory_space<hbm>>
          tpu.wait_dma2 semaphore(%run_scoped3A : memref<!tpu.dma_semaphore, #tpu.memory_space<semaphore_mem>>) src(%dma_wait3A_78 : memref<8x128xi32, #tpu.memory_space<hbm>>) dst(%dma_wait3A_75 : memref<8x128xi32, #tpu.memory_space<vmem>>)
          tpu.yield
        }) : () -> ()
      } else {
      }
      %eq3A_51 = arith.constant 1 : i32
      %eq3A_52 = arith.cmpi eq, %arg0, %eq3A_51 : i32
      %convert_element_type3A_53 = arith.extui %eq3A_52 : i1 to i32
      %cond3A_54 = arith.constant 0 : i32
      %cond3A_55 = arith.cmpi ne, %convert_element_type3A_53, %cond3A_54 : i32
      scf.if %cond3A_55 {
        "tpu.region"() ({
          %run_scoped3A = tpu.sem_alloc : memref<!tpu.dma_semaphore, #tpu.memory_space<semaphore_mem>>
          %dma_start3A = arith.constant 0 : i32
          %dma_start3A_57 = arith.constant 0 : i32
          %dma_start3A_58 = tpu.memref_slice %arg7[%dma_start3A, %dma_start3A_57] : memref<168x128xi32, #tpu.memory_space<vmem>> -> memref<8x128xi32, #tpu.memory_space<vmem>>
          %dma_start3A_59 = arith.constant 2496 : i32
          %dma_start3A_60 = arith.constant 0 : i32
          %dma_start3A_61 = tpu.memref_slice %arg3[%dma_start3A_59, %dma_start3A_60] : memref<2504x128xi32, #tpu.memory_space<hbm>> -> memref<8x128xi32, #tpu.memory_space<hbm>>
          %dma_start3A_62 = arith.constant 0 : i32
          %dma_start3A_63 = arith.constant 0 : i32
          %dma_start3A_64 = tpu.memref_slice %arg7[%dma_start3A_62, %dma_start3A_63] : memref<168x128xi32, #tpu.memory_space<vmem>> -> memref<8x128xi32, #tpu.memory_space<vmem>>
          %dma_start3A_65 = arith.constant 2496 : i32
          %dma_start3A_66 = arith.constant 0 : i32
          %dma_start3A_67 = tpu.memref_slice %arg3[%dma_start3A_65, %dma_start3A_66] : memref<2504x128xi32, #tpu.memory_space<hbm>> -> memref<8x128xi32, #tpu.memory_space<hbm>>
          tpu.enqueue_dma source(%dma_start3A_67 : memref<8x128xi32, #tpu.memory_space<hbm>>) target(%dma_start3A_64 : memref<8x128xi32, #tpu.memory_space<vmem>>) target_semaphore(%run_scoped3A : memref<!tpu.dma_semaphore, #tpu.memory_space<semaphore_mem>>)
          %dma_wait3A = arith.constant 0 : i32
          %dma_wait3A_68 = arith.constant 0 : i32
          %dma_wait3A_69 = tpu.memref_slice %arg7[%dma_wait3A, %dma_wait3A_68] : memref<168x128xi32, #tpu.memory_space<vmem>> -> memref<8x128xi32, #tpu.memory_space<vmem>>
          %dma_wait3A_70 = arith.constant 2496 : i32
          %dma_wait3A_71 = arith.constant 0 : i32
          %dma_wait3A_72 = tpu.memref_slice %arg3[%dma_wait3A_70, %dma_wait3A_71] : memref<2504x128xi32, #tpu.memory_space<hbm>> -> memref<8x128xi32, #tpu.memory_space<hbm>>
          %dma_wait3A_73 = arith.constant 0 : i32
          %dma_wait3A_74 = arith.constant 0 : i32
          %dma_wait3A_75 = tpu.memref_slice %arg7[%dma_wait3A_73, %dma_wait3A_74] : memref<168x128xi32, #tpu.memory_space<vmem>> -> memref<8x128xi32, #tpu.memory_space<vmem>>
          %dma_wait3A_76 = arith.constant 2496 : i32
          %dma_wait3A_77 = arith.constant 0 : i32
          %dma_wait3A_78 = tpu.memref_slice %arg3[%dma_wait3A_76, %dma_wait3A_77] : memref<2504x128xi32, #tpu.memory_space<hbm>> -> memref<8x128xi32, #tpu.memory_space<hbm>>
          tpu.wait_dma2 semaphore(%run_scoped3A : memref<!tpu.dma_semaphore, #tpu.memory_space<semaphore_mem>>) src(%dma_wait3A_78 : memref<8x128xi32, #tpu.memory_space<hbm>>) dst(%dma_wait3A_75 : memref<8x128xi32, #tpu.memory_space<vmem>>)
          tpu.yield
        }) : () -> ()
      } else {
      }
      %add3A = arith.constant 0 : i32
      %add3A_56 = arith.addi %add3A, %arg1 : i32
      "tpu.region"() ({
        %run_scoped3A = tpu.sem_alloc : memref<!tpu.dma_semaphore, #tpu.memory_space<semaphore_mem>>
        %dma_start3A = arith.constant 0 : i32
        %dma_start3A_57 = tpu.memref_slice %arg7[%add3A_56, %dma_start3A] : memref<168x128xi32, #tpu.memory_space<vmem>> -> memref<1x128xi32, #tpu.memory_space<vmem>>
        %dma_start3A_58 = tpu.memref_squeeze %dma_start3A_57 : memref<1x128xi32, #tpu.memory_space<vmem>> -> memref<128xi32, #tpu.memory_space<vmem>>
        %dma_start3A_59 = arith.constant 0 : i32
        %dma_start3A_60 = tpu.memref_slice %arg9[%dma_start3A_59] : memref<10240xf32, #tpu.memory_space<vmem_shared>> -> memref<10240xf32, #tpu.memory_space<vmem_shared>>
        tpu.enqueue_indirect_dma source(%arg8 : memref<128xf32, #tpu.memory_space<vmem>>) target(%dma_start3A_60 : memref<10240xf32, #tpu.memory_space<vmem_shared>>) offsets(%dma_start3A_58 : memref<128xi32, #tpu.memory_space<vmem>>) semaphore(%run_scoped3A : memref<!tpu.dma_semaphore, #tpu.memory_space<semaphore_mem>>) {add = true}
        %dma_wait3A = arith.constant 0 : i32
        %dma_wait3A_61 = tpu.memref_slice %arg7[%add3A_56, %dma_wait3A] : memref<168x128xi32, #tpu.memory_space<vmem>> -> memref<1x128xi32, #tpu.memory_space<vmem>>
        %dma_wait3A_62 = tpu.memref_squeeze %dma_wait3A_61 : memref<1x128xi32, #tpu.memory_space<vmem>> -> memref<128xi32, #tpu.memory_space<vmem>>
        %dma_wait3A_63 = arith.constant 0 : i32
        %dma_wait3A_64 = tpu.memref_slice %arg9[%dma_wait3A_63] : memref<10240xf32, #tpu.memory_space<vmem_shared>> -> memref<10240xf32, #tpu.memory_space<vmem_shared>>
        tpu.wait_indirect_dma semaphore(%run_scoped3A : memref<!tpu.dma_semaphore, #tpu.memory_space<semaphore_mem>>) src(%arg8 : memref<128xf32, #tpu.memory_space<vmem>>) dst(%dma_wait3A_64 : memref<10240xf32, #tpu.memory_space<vmem_shared>>)
        tpu.yield
      }) : () -> ()
    } else {
    }
    %barrier3A_41 = arith.constant 0 : index
    tpu.barrier barrier_id(%barrier3A_41)
    %mul3A_42 = arith.constant 640 : i32
    %mul3A_43 = arith.muli %arg1, %mul3A_42 : i32
    %mul3A_44 = arith.constant 640 : i32
    %mul3A_45 = arith.muli %arg1, %mul3A_44 : i32
    "tpu.region"() ({
      %run_scoped3A = tpu.sem_alloc : memref<!tpu.dma_semaphore, #tpu.memory_space<semaphore_mem>>
      %dma_start3A = tpu.memref_slice %arg6[%arg0, %mul3A_45] : memref<2x10240xf32, #tpu.memory_space<hbm>> -> memref<1x640xf32, #tpu.memory_space<hbm>>
      %dma_start3A_46 = tpu.memref_squeeze %dma_start3A : memref<1x640xf32, #tpu.memory_space<hbm>> -> memref<640xf32, #tpu.memory_space<hbm>>
      %dma_start3A_47 = tpu.memref_slice %arg9[%mul3A_43] : memref<10240xf32, #tpu.memory_space<vmem_shared>> -> memref<640xf32, #tpu.memory_space<vmem_shared>>
      tpu.enqueue_dma source(%dma_start3A_47 : memref<640xf32, #tpu.memory_space<vmem_shared>>) target(%dma_start3A_46 : memref<640xf32, #tpu.memory_space<hbm>>) target_semaphore(%run_scoped3A : memref<!tpu.dma_semaphore, #tpu.memory_space<semaphore_mem>>)
      %dma_wait3A = tpu.memref_slice %arg6[%arg0, %mul3A_45] : memref<2x10240xf32, #tpu.memory_space<hbm>> -> memref<1x640xf32, #tpu.memory_space<hbm>>
      %dma_wait3A_48 = tpu.memref_squeeze %dma_wait3A : memref<1x640xf32, #tpu.memory_space<hbm>> -> memref<640xf32, #tpu.memory_space<hbm>>
      %dma_wait3A_49 = tpu.memref_slice %arg9[%mul3A_43] : memref<10240xf32, #tpu.memory_space<vmem_shared>> -> memref<640xf32, #tpu.memory_space<vmem_shared>>
      tpu.wait_dma2 semaphore(%run_scoped3A : memref<!tpu.dma_semaphore, #tpu.memory_space<semaphore_mem>>) src(%dma_wait3A_49 : memref<640xf32, #tpu.memory_space<vmem_shared>>) dst(%dma_wait3A_48 : memref<640xf32, #tpu.memory_space<hbm>>)
      tpu.yield
    }) : () -> ()
    return
  }
}

#map = affine_map<(d0, d1) -> (0, 0)>
#map1 = affine_map<(d0, d1) -> (0, 0, 0)>
module attributes {stable_mosaic.version = 14 : i64} {
  func.func @_spmm_body(%arg0: i32, %arg1: i32, %arg2: memref<10000x128xf32, #tpu.memory_space<hbm>>, %arg3: memref<2504x128xi32, #tpu.memory_space<hbm>>, %arg4: memref<2504x128xi32, #tpu.memory_space<hbm>>, %arg5: memref<10240x128xf32, #tpu.memory_space<hbm>>, %arg6: memref<2x10240x128xf32, #tpu.memory_space<hbm>>, %arg7: memref<48x128xi32, #tpu.memory_space<vmem>>, %arg8: memref<48x128xi32, #tpu.memory_space<vmem>>, %arg9: memref<128x128xf32, #tpu.memory_space<vmem>>, %arg10: memref<128x128xf32, #tpu.memory_space<vmem>>, %arg11: memref<10240x128xf32, #tpu.memory_space<vmem_shared>>, %arg12: memref<!tpu.dma_semaphore, #tpu.memory_space<semaphore_mem>>, %arg13: memref<!tpu.dma_semaphore, #tpu.memory_space<semaphore_mem>>) attributes {dimension_semantics = [#tpu.dimension_semantics<core_parallel>, #tpu.dimension_semantics<subcore_parallel>], iteration_bounds = array<i64: 2, 16>, scalar_prefetch = 0 : i64, scratch_operands = 7 : i64, tpu.core_type = #tpu.core_type<sc_vector_subcore>, window_params = [{transform_indices = #map}, {transform_indices = #map}, {transform_indices = #map}, {transform_indices = #map}, {transform_indices = #map1}]} {
    %mul3A = arith.constant 640 : i32
    %mul3A_0 = arith.muli %arg1, %mul3A : i32
    %mul3A_1 = arith.constant 640 : i32
    %mul3A_2 = arith.muli %arg1, %mul3A_1 : i32
    "tpu.region"() ({
      %run_scoped3A = tpu.sem_alloc : memref<!tpu.dma_semaphore, #tpu.memory_space<semaphore_mem>>
      %dma_start3A_127 = arith.constant 0 : i32
      %dma_start3A_128 = tpu.memref_slice %arg11[%mul3A_2, %dma_start3A_127] : memref<10240x128xf32, #tpu.memory_space<vmem_shared>> -> memref<640x128xf32, #tpu.memory_space<vmem_shared>>
      %dma_start3A_129 = arith.constant 0 : i32
      %dma_start3A_130 = tpu.memref_slice %arg5[%mul3A_0, %dma_start3A_129] : memref<10240x128xf32, #tpu.memory_space<hbm>> -> memref<640x128xf32, #tpu.memory_space<hbm>>
      tpu.enqueue_dma source(%dma_start3A_130 : memref<640x128xf32, #tpu.memory_space<hbm>>) target(%dma_start3A_128 : memref<640x128xf32, #tpu.memory_space<vmem_shared>>) target_semaphore(%run_scoped3A : memref<!tpu.dma_semaphore, #tpu.memory_space<semaphore_mem>>)
      %dma_wait3A_131 = arith.constant 0 : i32
      %dma_wait3A_132 = tpu.memref_slice %arg11[%mul3A_2, %dma_wait3A_131] : memref<10240x128xf32, #tpu.memory_space<vmem_shared>> -> memref<640x128xf32, #tpu.memory_space<vmem_shared>>
      %dma_wait3A_133 = arith.constant 0 : i32
      %dma_wait3A_134 = tpu.memref_slice %arg5[%mul3A_0, %dma_wait3A_133] : memref<10240x128xf32, #tpu.memory_space<hbm>> -> memref<640x128xf32, #tpu.memory_space<hbm>>
      tpu.wait_dma2 semaphore(%run_scoped3A : memref<!tpu.dma_semaphore, #tpu.memory_space<semaphore_mem>>) src(%dma_wait3A_134 : memref<640x128xf32, #tpu.memory_space<hbm>>) dst(%dma_wait3A_132 : memref<640x128xf32, #tpu.memory_space<vmem_shared>>)
      tpu.yield
    }) : () -> ()
    %mul3A_3 = arith.constant 16 : i32
    %mul3A_4 = arith.muli %arg0, %mul3A_3 : i32
    %add3A = arith.addi %mul3A_4, %arg1 : i32
    %mul3A_5 = arith.constant 78 : i32
    %mul3A_6 = arith.muli %add3A, %mul3A_5 : i32
    %jit3A = arith.constant 8 : i32
    %div3A = arith.divsi %mul3A_6, %jit3A : i32
    %sign3A = arith.constant 0 : i32
    %sign3A_7 = arith.cmpi sgt, %mul3A_6, %sign3A : i32
    %sign3A_8 = arith.extui %sign3A_7 : i1 to i32
    %sign3A_9 = arith.constant 0 : i32
    %sign3A_10 = arith.cmpi slt, %mul3A_6, %sign3A_9 : i32
    %sign3A_11 = arith.extui %sign3A_10 : i1 to i32
    %sign3A_12 = arith.subi %sign3A_8, %sign3A_11 : i32
    %sign3A_13 = arith.constant 0 : i32
    %sign3A_14 = arith.cmpi sgt, %jit3A, %sign3A_13 : i32
    %sign3A_15 = arith.extui %sign3A_14 : i1 to i32
    %sign3A_16 = arith.constant 0 : i32
    %sign3A_17 = arith.cmpi slt, %jit3A, %sign3A_16 : i32
    %sign3A_18 = arith.extui %sign3A_17 : i1 to i32
    %sign3A_19 = arith.subi %sign3A_15, %sign3A_18 : i32
    %ne3A = arith.cmpi ne, %sign3A_12, %sign3A_19 : i32
    %rem3A = arith.remsi %mul3A_6, %jit3A : i32
    %ne3A_20 = arith.constant 0 : i32
    %ne3A_21 = arith.cmpi ne, %rem3A, %ne3A_20 : i32
    %and3A = arith.andi %ne3A, %ne3A_21 : i1
    %sub3A = arith.constant 1 : i32
    %sub3A_22 = arith.subi %div3A, %sub3A : i32
    %select_n3A = arith.select %and3A, %sub3A_22, %div3A : i32
    %mul3A_23 = arith.constant 8 : i32
    %mul3A_24 = arith.muli %select_n3A, %mul3A_23 : i32
    %min3A = arith.constant 2456 : i32
    %min3A_25 = arith.minsi %mul3A_24, %min3A : i32
    %multiple_of3A = tpu.assume_multiple %min3A_25, 8 : i32
    %sub3A_26 = arith.subi %mul3A_6, %multiple_of3A : i32
    "tpu.region"() ({
      %run_scoped3A = tpu.sem_alloc : memref<!tpu.dma_semaphore, #tpu.memory_space<semaphore_mem>>
      %dma_start3A_127 = arith.constant 0 : i32
      %dma_start3A_128 = tpu.memref_slice %arg3[%multiple_of3A, %dma_start3A_127] : memref<2504x128xi32, #tpu.memory_space<hbm>> -> memref<48x128xi32, #tpu.memory_space<hbm>>
      %dma_start3A_129 = arith.constant 0 : i32
      %dma_start3A_130 = tpu.memref_slice %arg3[%multiple_of3A, %dma_start3A_129] : memref<2504x128xi32, #tpu.memory_space<hbm>> -> memref<48x128xi32, #tpu.memory_space<hbm>>
      tpu.enqueue_dma source(%dma_start3A_130 : memref<48x128xi32, #tpu.memory_space<hbm>>) target(%arg7 : memref<48x128xi32, #tpu.memory_space<vmem>>) target_semaphore(%run_scoped3A : memref<!tpu.dma_semaphore, #tpu.memory_space<semaphore_mem>>)
      %dma_wait3A_131 = arith.constant 0 : i32
      %dma_wait3A_132 = tpu.memref_slice %arg3[%multiple_of3A, %dma_wait3A_131] : memref<2504x128xi32, #tpu.memory_space<hbm>> -> memref<48x128xi32, #tpu.memory_space<hbm>>
      %dma_wait3A_133 = arith.constant 0 : i32
      %dma_wait3A_134 = tpu.memref_slice %arg3[%multiple_of3A, %dma_wait3A_133] : memref<2504x128xi32, #tpu.memory_space<hbm>> -> memref<48x128xi32, #tpu.memory_space<hbm>>
      tpu.wait_dma2 semaphore(%run_scoped3A : memref<!tpu.dma_semaphore, #tpu.memory_space<semaphore_mem>>) src(%dma_wait3A_134 : memref<48x128xi32, #tpu.memory_space<hbm>>) dst(%arg7 : memref<48x128xi32, #tpu.memory_space<vmem>>)
      tpu.yield
    }) : () -> ()
    "tpu.region"() ({
      %run_scoped3A = tpu.sem_alloc : memref<!tpu.dma_semaphore, #tpu.memory_space<semaphore_mem>>
      %dma_start3A_127 = arith.constant 0 : i32
      %dma_start3A_128 = tpu.memref_slice %arg4[%multiple_of3A, %dma_start3A_127] : memref<2504x128xi32, #tpu.memory_space<hbm>> -> memref<48x128xi32, #tpu.memory_space<hbm>>
      %dma_start3A_129 = arith.constant 0 : i32
      %dma_start3A_130 = tpu.memref_slice %arg4[%multiple_of3A, %dma_start3A_129] : memref<2504x128xi32, #tpu.memory_space<hbm>> -> memref<48x128xi32, #tpu.memory_space<hbm>>
      tpu.enqueue_dma source(%dma_start3A_130 : memref<48x128xi32, #tpu.memory_space<hbm>>) target(%arg8 : memref<48x128xi32, #tpu.memory_space<vmem>>) target_semaphore(%run_scoped3A : memref<!tpu.dma_semaphore, #tpu.memory_space<semaphore_mem>>)
      %dma_wait3A_131 = arith.constant 0 : i32
      %dma_wait3A_132 = tpu.memref_slice %arg4[%multiple_of3A, %dma_wait3A_131] : memref<2504x128xi32, #tpu.memory_space<hbm>> -> memref<48x128xi32, #tpu.memory_space<hbm>>
      %dma_wait3A_133 = arith.constant 0 : i32
      %dma_wait3A_134 = tpu.memref_slice %arg4[%multiple_of3A, %dma_wait3A_133] : memref<2504x128xi32, #tpu.memory_space<hbm>> -> memref<48x128xi32, #tpu.memory_space<hbm>>
      tpu.wait_dma2 semaphore(%run_scoped3A : memref<!tpu.dma_semaphore, #tpu.memory_space<semaphore_mem>>) src(%dma_wait3A_134 : memref<48x128xi32, #tpu.memory_space<hbm>>) dst(%arg8 : memref<48x128xi32, #tpu.memory_space<vmem>>)
      tpu.yield
    }) : () -> ()
    %barrier3A = arith.constant 0 : index
    tpu.barrier barrier_id(%barrier3A)
    %dma_start3A = arith.constant 0 : i32
    %dma_start3A_27 = tpu.memref_slice %arg7[%sub3A_26, %dma_start3A] : memref<48x128xi32, #tpu.memory_space<vmem>> -> memref<1x128xi32, #tpu.memory_space<vmem>>
    %dma_start3A_28 = tpu.memref_squeeze %dma_start3A_27 : memref<1x128xi32, #tpu.memory_space<vmem>> -> memref<128xi32, #tpu.memory_space<vmem>>
    %dma_start3A_29 = arith.constant 0 : i32
    %dma_start3A_30 = arith.constant 0 : i32
    %dma_start3A_31 = tpu.memref_slice %arg2[%dma_start3A_29, %dma_start3A_30] : memref<10000x128xf32, #tpu.memory_space<hbm>> -> memref<10000x128xf32, #tpu.memory_space<hbm>>
    tpu.enqueue_indirect_dma source(%dma_start3A_31 : memref<10000x128xf32, #tpu.memory_space<hbm>>) target(%arg9 : memref<128x128xf32, #tpu.memory_space<vmem>>) offsets(%dma_start3A_28 : memref<128xi32, #tpu.memory_space<vmem>>) semaphore(%arg12 : memref<!tpu.dma_semaphore, #tpu.memory_space<semaphore_mem>>)
    %add3A_32 = arith.constant 1 : i32
    %add3A_33 = arith.addi %sub3A_26, %add3A_32 : i32
    %dma_start3A_34 = arith.constant 0 : i32
    %dma_start3A_35 = tpu.memref_slice %arg7[%add3A_33, %dma_start3A_34] : memref<48x128xi32, #tpu.memory_space<vmem>> -> memref<1x128xi32, #tpu.memory_space<vmem>>
    %dma_start3A_36 = tpu.memref_squeeze %dma_start3A_35 : memref<1x128xi32, #tpu.memory_space<vmem>> -> memref<128xi32, #tpu.memory_space<vmem>>
    %dma_start3A_37 = arith.constant 0 : i32
    %dma_start3A_38 = arith.constant 0 : i32
    %dma_start3A_39 = tpu.memref_slice %arg2[%dma_start3A_37, %dma_start3A_38] : memref<10000x128xf32, #tpu.memory_space<hbm>> -> memref<10000x128xf32, #tpu.memory_space<hbm>>
    tpu.enqueue_indirect_dma source(%dma_start3A_39 : memref<10000x128xf32, #tpu.memory_space<hbm>>) target(%arg10 : memref<128x128xf32, #tpu.memory_space<vmem>>) offsets(%dma_start3A_36 : memref<128xi32, #tpu.memory_space<vmem>>) semaphore(%arg13 : memref<!tpu.dma_semaphore, #tpu.memory_space<semaphore_mem>>)
    %scan3A = arith.constant 0 : i32
    %scan3A_40 = arith.constant 0 : i32
    %scan3A_41 = arith.constant 20 : i32
    %scan3A_42 = arith.addi %scan3A_40, %scan3A_41 : i32
    %scan3A_43 = arith.constant 1 : i32
    scf.for %scan3A_127 = %scan3A_40 to %scan3A_42 step %scan3A_43  : i32 {
      %dma_wait3A_128 = arith.constant 0 : i32
      %dma_wait3A_129 = arith.constant 0 : i32
      %dma_wait3A_130 = tpu.memref_slice %arg2[%dma_wait3A_128, %dma_wait3A_129] : memref<10000x128xf32, #tpu.memory_space<hbm>> -> memref<128x128xf32, #tpu.memory_space<hbm>>
      %dma_wait3A_131 = arith.constant 0 : i32
      %dma_wait3A_132 = arith.constant 0 : i32
      %dma_wait3A_133 = tpu.memref_slice %arg2[%dma_wait3A_131, %dma_wait3A_132] : memref<10000x128xf32, #tpu.memory_space<hbm>> -> memref<128x128xf32, #tpu.memory_space<hbm>>
      tpu.wait_dma2 semaphore(%arg12 : memref<!tpu.dma_semaphore, #tpu.memory_space<semaphore_mem>>) src(%dma_wait3A_133 : memref<128x128xf32, #tpu.memory_space<hbm>>) dst(%arg9 : memref<128x128xf32, #tpu.memory_space<vmem>>)
      %mul3A_134 = arith.constant 2 : i32
      %mul3A_135 = arith.muli %mul3A_134, %scan3A_127 : i32
      %add3A_136 = arith.addi %sub3A_26, %mul3A_135 : i32
      "tpu.region"() ({
        %run_scoped3A = tpu.sem_alloc : memref<!tpu.dma_semaphore, #tpu.memory_space<semaphore_mem>>
        %dma_start3A_174 = arith.constant 0 : i32
        %dma_start3A_175 = tpu.memref_slice %arg8[%add3A_136, %dma_start3A_174] : memref<48x128xi32, #tpu.memory_space<vmem>> -> memref<1x128xi32, #tpu.memory_space<vmem>>
        %dma_start3A_176 = tpu.memref_squeeze %dma_start3A_175 : memref<1x128xi32, #tpu.memory_space<vmem>> -> memref<128xi32, #tpu.memory_space<vmem>>
        %dma_start3A_177 = arith.constant 0 : i32
        %dma_start3A_178 = arith.constant 0 : i32
        %dma_start3A_179 = tpu.memref_slice %arg11[%dma_start3A_177, %dma_start3A_178] : memref<10240x128xf32, #tpu.memory_space<vmem_shared>> -> memref<10240x128xf32, #tpu.memory_space<vmem_shared>>
        tpu.enqueue_indirect_dma source(%arg9 : memref<128x128xf32, #tpu.memory_space<vmem>>) target(%dma_start3A_179 : memref<10240x128xf32, #tpu.memory_space<vmem_shared>>) offsets(%dma_start3A_176 : memref<128xi32, #tpu.memory_space<vmem>>) semaphore(%run_scoped3A : memref<!tpu.dma_semaphore, #tpu.memory_space<semaphore_mem>>) {add = true}
        %dma_wait3A_180 = arith.constant 0 : i32
        %dma_wait3A_181 = tpu.memref_slice %arg8[%add3A_136, %dma_wait3A_180] : memref<48x128xi32, #tpu.memory_space<vmem>> -> memref<1x128xi32, #tpu.memory_space<vmem>>
        %dma_wait3A_182 = tpu.memref_squeeze %dma_wait3A_181 : memref<1x128xi32, #tpu.memory_space<vmem>> -> memref<128xi32, #tpu.memory_space<vmem>>
        %dma_wait3A_183 = arith.constant 0 : i32
        %dma_wait3A_184 = arith.constant 0 : i32
        %dma_wait3A_185 = tpu.memref_slice %arg11[%dma_wait3A_183, %dma_wait3A_184] : memref<10240x128xf32, #tpu.memory_space<vmem_shared>> -> memref<10240x128xf32, #tpu.memory_space<vmem_shared>>
        tpu.wait_indirect_dma semaphore(%run_scoped3A : memref<!tpu.dma_semaphore, #tpu.memory_space<semaphore_mem>>) src(%arg9 : memref<128x128xf32, #tpu.memory_space<vmem>>) dst(%dma_wait3A_185 : memref<10240x128xf32, #tpu.memory_space<vmem_shared>>)
        tpu.yield
      }) : () -> ()
      %mul3A_137 = arith.constant 2 : i32
      %mul3A_138 = arith.muli %mul3A_137, %scan3A_127 : i32
      %add3A_139 = arith.constant 2 : i32
      %add3A_140 = arith.addi %mul3A_138, %add3A_139 : i32
      %min3A_141 = arith.constant 39 : i32
      %min3A_142 = arith.minsi %add3A_140, %min3A_141 : i32
      %add3A_143 = arith.addi %sub3A_26, %min3A_142 : i32
      %dma_start3A_144 = arith.constant 0 : i32
      %dma_start3A_145 = tpu.memref_slice %arg7[%add3A_143, %dma_start3A_144] : memref<48x128xi32, #tpu.memory_space<vmem>> -> memref<1x128xi32, #tpu.memory_space<vmem>>
      %dma_start3A_146 = tpu.memref_squeeze %dma_start3A_145 : memref<1x128xi32, #tpu.memory_space<vmem>> -> memref<128xi32, #tpu.memory_space<vmem>>
      %dma_start3A_147 = arith.constant 0 : i32
      %dma_start3A_148 = arith.constant 0 : i32
      %dma_start3A_149 = tpu.memref_slice %arg2[%dma_start3A_147, %dma_start3A_148] : memref<10000x128xf32, #tpu.memory_space<hbm>> -> memref<10000x128xf32, #tpu.memory_space<hbm>>
      tpu.enqueue_indirect_dma source(%dma_start3A_149 : memref<10000x128xf32, #tpu.memory_space<hbm>>) target(%arg9 : memref<128x128xf32, #tpu.memory_space<vmem>>) offsets(%dma_start3A_146 : memref<128xi32, #tpu.memory_space<vmem>>) semaphore(%arg12 : memref<!tpu.dma_semaphore, #tpu.memory_space<semaphore_mem>>)
      %dma_wait3A_150 = arith.constant 0 : i32
      %dma_wait3A_151 = arith.constant 0 : i32
      %dma_wait3A_152 = tpu.memref_slice %arg2[%dma_wait3A_150, %dma_wait3A_151] : memref<10000x128xf32, #tpu.memory_space<hbm>> -> memref<128x128xf32, #tpu.memory_space<hbm>>
      %dma_wait3A_153 = arith.constant 0 : i32
      %dma_wait3A_154 = arith.constant 0 : i32
      %dma_wait3A_155 = tpu.memref_slice %arg2[%dma_wait3A_153, %dma_wait3A_154] : memref<10000x128xf32, #tpu.memory_space<hbm>> -> memref<128x128xf32, #tpu.memory_space<hbm>>
      tpu.wait_dma2 semaphore(%arg13 : memref<!tpu.dma_semaphore, #tpu.memory_space<semaphore_mem>>) src(%dma_wait3A_155 : memref<128x128xf32, #tpu.memory_space<hbm>>) dst(%arg10 : memref<128x128xf32, #tpu.memory_space<vmem>>)
      %mul3A_156 = arith.constant 2 : i32
      %mul3A_157 = arith.muli %mul3A_156, %scan3A_127 : i32
      %add3A_158 = arith.addi %sub3A_26, %mul3A_157 : i32
      %add3A_159 = arith.constant 1 : i32
      %add3A_160 = arith.addi %add3A_158, %add3A_159 : i32
      "tpu.region"() ({
        %run_scoped3A = tpu.sem_alloc : memref<!tpu.dma_semaphore, #tpu.memory_space<semaphore_mem>>
        %dma_start3A_174 = arith.constant 0 : i32
        %dma_start3A_175 = tpu.memref_slice %arg8[%add3A_160, %dma_start3A_174] : memref<48x128xi32, #tpu.memory_space<vmem>> -> memref<1x128xi32, #tpu.memory_space<vmem>>
        %dma_start3A_176 = tpu.memref_squeeze %dma_start3A_175 : memref<1x128xi32, #tpu.memory_space<vmem>> -> memref<128xi32, #tpu.memory_space<vmem>>
        %dma_start3A_177 = arith.constant 0 : i32
        %dma_start3A_178 = arith.constant 0 : i32
        %dma_start3A_179 = tpu.memref_slice %arg11[%dma_start3A_177, %dma_start3A_178] : memref<10240x128xf32, #tpu.memory_space<vmem_shared>> -> memref<10240x128xf32, #tpu.memory_space<vmem_shared>>
        tpu.enqueue_indirect_dma source(%arg10 : memref<128x128xf32, #tpu.memory_space<vmem>>) target(%dma_start3A_179 : memref<10240x128xf32, #tpu.memory_space<vmem_shared>>) offsets(%dma_start3A_176 : memref<128xi32, #tpu.memory_space<vmem>>) semaphore(%run_scoped3A : memref<!tpu.dma_semaphore, #tpu.memory_space<semaphore_mem>>) {add = true}
        %dma_wait3A_180 = arith.constant 0 : i32
        %dma_wait3A_181 = tpu.memref_slice %arg8[%add3A_160, %dma_wait3A_180] : memref<48x128xi32, #tpu.memory_space<vmem>> -> memref<1x128xi32, #tpu.memory_space<vmem>>
        %dma_wait3A_182 = tpu.memref_squeeze %dma_wait3A_181 : memref<1x128xi32, #tpu.memory_space<vmem>> -> memref<128xi32, #tpu.memory_space<vmem>>
        %dma_wait3A_183 = arith.constant 0 : i32
        %dma_wait3A_184 = arith.constant 0 : i32
        %dma_wait3A_185 = tpu.memref_slice %arg11[%dma_wait3A_183, %dma_wait3A_184] : memref<10240x128xf32, #tpu.memory_space<vmem_shared>> -> memref<10240x128xf32, #tpu.memory_space<vmem_shared>>
        tpu.wait_indirect_dma semaphore(%run_scoped3A : memref<!tpu.dma_semaphore, #tpu.memory_space<semaphore_mem>>) src(%arg10 : memref<128x128xf32, #tpu.memory_space<vmem>>) dst(%dma_wait3A_185 : memref<10240x128xf32, #tpu.memory_space<vmem_shared>>)
        tpu.yield
      }) : () -> ()
      %mul3A_161 = arith.constant 2 : i32
      %mul3A_162 = arith.muli %mul3A_161, %scan3A_127 : i32
      %add3A_163 = arith.constant 3 : i32
      %add3A_164 = arith.addi %mul3A_162, %add3A_163 : i32
      %min3A_165 = arith.constant 39 : i32
      %min3A_166 = arith.minsi %add3A_164, %min3A_165 : i32
      %add3A_167 = arith.addi %sub3A_26, %min3A_166 : i32
      %dma_start3A_168 = arith.constant 0 : i32
      %dma_start3A_169 = tpu.memref_slice %arg7[%add3A_167, %dma_start3A_168] : memref<48x128xi32, #tpu.memory_space<vmem>> -> memref<1x128xi32, #tpu.memory_space<vmem>>
      %dma_start3A_170 = tpu.memref_squeeze %dma_start3A_169 : memref<1x128xi32, #tpu.memory_space<vmem>> -> memref<128xi32, #tpu.memory_space<vmem>>
      %dma_start3A_171 = arith.constant 0 : i32
      %dma_start3A_172 = arith.constant 0 : i32
      %dma_start3A_173 = tpu.memref_slice %arg2[%dma_start3A_171, %dma_start3A_172] : memref<10000x128xf32, #tpu.memory_space<hbm>> -> memref<10000x128xf32, #tpu.memory_space<hbm>>
      tpu.enqueue_indirect_dma source(%dma_start3A_173 : memref<10000x128xf32, #tpu.memory_space<hbm>>) target(%arg10 : memref<128x128xf32, #tpu.memory_space<vmem>>) offsets(%dma_start3A_170 : memref<128xi32, #tpu.memory_space<vmem>>) semaphore(%arg13 : memref<!tpu.dma_semaphore, #tpu.memory_space<semaphore_mem>>)
    }
    %scan3A_44 = arith.constant 20 : i32
    %dma_wait3A = arith.constant 0 : i32
    %dma_wait3A_45 = arith.constant 0 : i32
    %dma_wait3A_46 = tpu.memref_slice %arg2[%dma_wait3A, %dma_wait3A_45] : memref<10000x128xf32, #tpu.memory_space<hbm>> -> memref<128x128xf32, #tpu.memory_space<hbm>>
    %dma_wait3A_47 = arith.constant 0 : i32
    %dma_wait3A_48 = arith.constant 0 : i32
    %dma_wait3A_49 = tpu.memref_slice %arg2[%dma_wait3A_47, %dma_wait3A_48] : memref<10000x128xf32, #tpu.memory_space<hbm>> -> memref<128x128xf32, #tpu.memory_space<hbm>>
    tpu.wait_dma2 semaphore(%arg12 : memref<!tpu.dma_semaphore, #tpu.memory_space<semaphore_mem>>) src(%dma_wait3A_49 : memref<128x128xf32, #tpu.memory_space<hbm>>) dst(%arg9 : memref<128x128xf32, #tpu.memory_space<vmem>>)
    %dma_wait3A_50 = arith.constant 0 : i32
    %dma_wait3A_51 = arith.constant 0 : i32
    %dma_wait3A_52 = tpu.memref_slice %arg2[%dma_wait3A_50, %dma_wait3A_51] : memref<10000x128xf32, #tpu.memory_space<hbm>> -> memref<128x128xf32, #tpu.memory_space<hbm>>
    %dma_wait3A_53 = arith.constant 0 : i32
    %dma_wait3A_54 = arith.constant 0 : i32
    %dma_wait3A_55 = tpu.memref_slice %arg2[%dma_wait3A_53, %dma_wait3A_54] : memref<10000x128xf32, #tpu.memory_space<hbm>> -> memref<128x128xf32, #tpu.memory_space<hbm>>
    tpu.wait_dma2 semaphore(%arg13 : memref<!tpu.dma_semaphore, #tpu.memory_space<semaphore_mem>>) src(%dma_wait3A_55 : memref<128x128xf32, #tpu.memory_space<hbm>>) dst(%arg10 : memref<128x128xf32, #tpu.memory_space<vmem>>)
    %add3A_56 = arith.constant 40 : i32
    %add3A_57 = arith.addi %mul3A_6, %add3A_56 : i32
    %jit3A_58 = arith.constant 8 : i32
    %div3A_59 = arith.divsi %add3A_57, %jit3A_58 : i32
    %sign3A_60 = arith.constant 0 : i32
    %sign3A_61 = arith.cmpi sgt, %add3A_57, %sign3A_60 : i32
    %sign3A_62 = arith.extui %sign3A_61 : i1 to i32
    %sign3A_63 = arith.constant 0 : i32
    %sign3A_64 = arith.cmpi slt, %add3A_57, %sign3A_63 : i32
    %sign3A_65 = arith.extui %sign3A_64 : i1 to i32
    %sign3A_66 = arith.subi %sign3A_62, %sign3A_65 : i32
    %sign3A_67 = arith.constant 0 : i32
    %sign3A_68 = arith.cmpi sgt, %jit3A_58, %sign3A_67 : i32
    %sign3A_69 = arith.extui %sign3A_68 : i1 to i32
    %sign3A_70 = arith.constant 0 : i32
    %sign3A_71 = arith.cmpi slt, %jit3A_58, %sign3A_70 : i32
    %sign3A_72 = arith.extui %sign3A_71 : i1 to i32
    %sign3A_73 = arith.subi %sign3A_69, %sign3A_72 : i32
    %ne3A_74 = arith.cmpi ne, %sign3A_66, %sign3A_73 : i32
    %rem3A_75 = arith.remsi %add3A_57, %jit3A_58 : i32
    %ne3A_76 = arith.constant 0 : i32
    %ne3A_77 = arith.cmpi ne, %rem3A_75, %ne3A_76 : i32
    %and3A_78 = arith.andi %ne3A_74, %ne3A_77 : i1
    %sub3A_79 = arith.constant 1 : i32
    %sub3A_80 = arith.subi %div3A_59, %sub3A_79 : i32
    %select_n3A_81 = arith.select %and3A_78, %sub3A_80, %div3A_59 : i32
    %mul3A_82 = arith.constant 8 : i32
    %mul3A_83 = arith.muli %select_n3A_81, %mul3A_82 : i32
    %min3A_84 = arith.constant 2456 : i32
    %min3A_85 = arith.minsi %mul3A_83, %min3A_84 : i32
    %multiple_of3A_86 = tpu.assume_multiple %min3A_85, 8 : i32
    %sub3A_87 = arith.subi %add3A_57, %multiple_of3A_86 : i32
    "tpu.region"() ({
      %run_scoped3A = tpu.sem_alloc : memref<!tpu.dma_semaphore, #tpu.memory_space<semaphore_mem>>
      %dma_start3A_127 = arith.constant 0 : i32
      %dma_start3A_128 = tpu.memref_slice %arg3[%multiple_of3A_86, %dma_start3A_127] : memref<2504x128xi32, #tpu.memory_space<hbm>> -> memref<48x128xi32, #tpu.memory_space<hbm>>
      %dma_start3A_129 = arith.constant 0 : i32
      %dma_start3A_130 = tpu.memref_slice %arg3[%multiple_of3A_86, %dma_start3A_129] : memref<2504x128xi32, #tpu.memory_space<hbm>> -> memref<48x128xi32, #tpu.memory_space<hbm>>
      tpu.enqueue_dma source(%dma_start3A_130 : memref<48x128xi32, #tpu.memory_space<hbm>>) target(%arg7 : memref<48x128xi32, #tpu.memory_space<vmem>>) target_semaphore(%run_scoped3A : memref<!tpu.dma_semaphore, #tpu.memory_space<semaphore_mem>>)
      %dma_wait3A_131 = arith.constant 0 : i32
      %dma_wait3A_132 = tpu.memref_slice %arg3[%multiple_of3A_86, %dma_wait3A_131] : memref<2504x128xi32, #tpu.memory_space<hbm>> -> memref<48x128xi32, #tpu.memory_space<hbm>>
      %dma_wait3A_133 = arith.constant 0 : i32
      %dma_wait3A_134 = tpu.memref_slice %arg3[%multiple_of3A_86, %dma_wait3A_133] : memref<2504x128xi32, #tpu.memory_space<hbm>> -> memref<48x128xi32, #tpu.memory_space<hbm>>
      tpu.wait_dma2 semaphore(%run_scoped3A : memref<!tpu.dma_semaphore, #tpu.memory_space<semaphore_mem>>) src(%dma_wait3A_134 : memref<48x128xi32, #tpu.memory_space<hbm>>) dst(%arg7 : memref<48x128xi32, #tpu.memory_space<vmem>>)
      tpu.yield
    }) : () -> ()
    "tpu.region"() ({
      %run_scoped3A = tpu.sem_alloc : memref<!tpu.dma_semaphore, #tpu.memory_space<semaphore_mem>>
      %dma_start3A_127 = arith.constant 0 : i32
      %dma_start3A_128 = tpu.memref_slice %arg4[%multiple_of3A_86, %dma_start3A_127] : memref<2504x128xi32, #tpu.memory_space<hbm>> -> memref<48x128xi32, #tpu.memory_space<hbm>>
      %dma_start3A_129 = arith.constant 0 : i32
      %dma_start3A_130 = tpu.memref_slice %arg4[%multiple_of3A_86, %dma_start3A_129] : memref<2504x128xi32, #tpu.memory_space<hbm>> -> memref<48x128xi32, #tpu.memory_space<hbm>>
      tpu.enqueue_dma source(%dma_start3A_130 : memref<48x128xi32, #tpu.memory_space<hbm>>) target(%arg8 : memref<48x128xi32, #tpu.memory_space<vmem>>) target_semaphore(%run_scoped3A : memref<!tpu.dma_semaphore, #tpu.memory_space<semaphore_mem>>)
      %dma_wait3A_131 = arith.constant 0 : i32
      %dma_wait3A_132 = tpu.memref_slice %arg4[%multiple_of3A_86, %dma_wait3A_131] : memref<2504x128xi32, #tpu.memory_space<hbm>> -> memref<48x128xi32, #tpu.memory_space<hbm>>
      %dma_wait3A_133 = arith.constant 0 : i32
      %dma_wait3A_134 = tpu.memref_slice %arg4[%multiple_of3A_86, %dma_wait3A_133] : memref<2504x128xi32, #tpu.memory_space<hbm>> -> memref<48x128xi32, #tpu.memory_space<hbm>>
      tpu.wait_dma2 semaphore(%run_scoped3A : memref<!tpu.dma_semaphore, #tpu.memory_space<semaphore_mem>>) src(%dma_wait3A_134 : memref<48x128xi32, #tpu.memory_space<hbm>>) dst(%arg8 : memref<48x128xi32, #tpu.memory_space<vmem>>)
      tpu.yield
    }) : () -> ()
    %dma_start3A_88 = arith.constant 0 : i32
    %dma_start3A_89 = tpu.memref_slice %arg7[%sub3A_87, %dma_start3A_88] : memref<48x128xi32, #tpu.memory_space<vmem>> -> memref<1x128xi32, #tpu.memory_space<vmem>>
    %dma_start3A_90 = tpu.memref_squeeze %dma_start3A_89 : memref<1x128xi32, #tpu.memory_space<vmem>> -> memref<128xi32, #tpu.memory_space<vmem>>
    %dma_start3A_91 = arith.constant 0 : i32
    %dma_start3A_92 = arith.constant 0 : i32
    %dma_start3A_93 = tpu.memref_slice %arg2[%dma_start3A_91, %dma_start3A_92] : memref<10000x128xf32, #tpu.memory_space<hbm>> -> memref<10000x128xf32, #tpu.memory_space<hbm>>
    tpu.enqueue_indirect_dma source(%dma_start3A_93 : memref<10000x128xf32, #tpu.memory_space<hbm>>) target(%arg9 : memref<128x128xf32, #tpu.memory_space<vmem>>) offsets(%dma_start3A_90 : memref<128xi32, #tpu.memory_space<vmem>>) semaphore(%arg12 : memref<!tpu.dma_semaphore, #tpu.memory_space<semaphore_mem>>)
    %add3A_94 = arith.constant 1 : i32
    %add3A_95 = arith.addi %sub3A_87, %add3A_94 : i32
    %dma_start3A_96 = arith.constant 0 : i32
    %dma_start3A_97 = tpu.memref_slice %arg7[%add3A_95, %dma_start3A_96] : memref<48x128xi32, #tpu.memory_space<vmem>> -> memref<1x128xi32, #tpu.memory_space<vmem>>
    %dma_start3A_98 = tpu.memref_squeeze %dma_start3A_97 : memref<1x128xi32, #tpu.memory_space<vmem>> -> memref<128xi32, #tpu.memory_space<vmem>>
    %dma_start3A_99 = arith.constant 0 : i32
    %dma_start3A_100 = arith.constant 0 : i32
    %dma_start3A_101 = tpu.memref_slice %arg2[%dma_start3A_99, %dma_start3A_100] : memref<10000x128xf32, #tpu.memory_space<hbm>> -> memref<10000x128xf32, #tpu.memory_space<hbm>>
    tpu.enqueue_indirect_dma source(%dma_start3A_101 : memref<10000x128xf32, #tpu.memory_space<hbm>>) target(%arg10 : memref<128x128xf32, #tpu.memory_space<vmem>>) offsets(%dma_start3A_98 : memref<128xi32, #tpu.memory_space<vmem>>) semaphore(%arg13 : memref<!tpu.dma_semaphore, #tpu.memory_space<semaphore_mem>>)
    %scan3A_102 = arith.constant 0 : i32
    %scan3A_103 = arith.constant 0 : i32
    %scan3A_104 = arith.constant 19 : i32
    %scan3A_105 = arith.addi %scan3A_103, %scan3A_104 : i32
    %scan3A_106 = arith.constant 1 : i32
    scf.for %scan3A_127 = %scan3A_103 to %scan3A_105 step %scan3A_106  : i32 {
      %dma_wait3A_128 = arith.constant 0 : i32
      %dma_wait3A_129 = arith.constant 0 : i32
      %dma_wait3A_130 = tpu.memref_slice %arg2[%dma_wait3A_128, %dma_wait3A_129] : memref<10000x128xf32, #tpu.memory_space<hbm>> -> memref<128x128xf32, #tpu.memory_space<hbm>>
      %dma_wait3A_131 = arith.constant 0 : i32
      %dma_wait3A_132 = arith.constant 0 : i32
      %dma_wait3A_133 = tpu.memref_slice %arg2[%dma_wait3A_131, %dma_wait3A_132] : memref<10000x128xf32, #tpu.memory_space<hbm>> -> memref<128x128xf32, #tpu.memory_space<hbm>>
      tpu.wait_dma2 semaphore(%arg12 : memref<!tpu.dma_semaphore, #tpu.memory_space<semaphore_mem>>) src(%dma_wait3A_133 : memref<128x128xf32, #tpu.memory_space<hbm>>) dst(%arg9 : memref<128x128xf32, #tpu.memory_space<vmem>>)
      %mul3A_134 = arith.constant 2 : i32
      %mul3A_135 = arith.muli %mul3A_134, %scan3A_127 : i32
      %add3A_136 = arith.addi %sub3A_87, %mul3A_135 : i32
      "tpu.region"() ({
        %run_scoped3A = tpu.sem_alloc : memref<!tpu.dma_semaphore, #tpu.memory_space<semaphore_mem>>
        %dma_start3A_174 = arith.constant 0 : i32
        %dma_start3A_175 = tpu.memref_slice %arg8[%add3A_136, %dma_start3A_174] : memref<48x128xi32, #tpu.memory_space<vmem>> -> memref<1x128xi32, #tpu.memory_space<vmem>>
        %dma_start3A_176 = tpu.memref_squeeze %dma_start3A_175 : memref<1x128xi32, #tpu.memory_space<vmem>> -> memref<128xi32, #tpu.memory_space<vmem>>
        %dma_start3A_177 = arith.constant 0 : i32
        %dma_start3A_178 = arith.constant 0 : i32
        %dma_start3A_179 = tpu.memref_slice %arg11[%dma_start3A_177, %dma_start3A_178] : memref<10240x128xf32, #tpu.memory_space<vmem_shared>> -> memref<10240x128xf32, #tpu.memory_space<vmem_shared>>
        tpu.enqueue_indirect_dma source(%arg9 : memref<128x128xf32, #tpu.memory_space<vmem>>) target(%dma_start3A_179 : memref<10240x128xf32, #tpu.memory_space<vmem_shared>>) offsets(%dma_start3A_176 : memref<128xi32, #tpu.memory_space<vmem>>) semaphore(%run_scoped3A : memref<!tpu.dma_semaphore, #tpu.memory_space<semaphore_mem>>) {add = true}
        %dma_wait3A_180 = arith.constant 0 : i32
        %dma_wait3A_181 = tpu.memref_slice %arg8[%add3A_136, %dma_wait3A_180] : memref<48x128xi32, #tpu.memory_space<vmem>> -> memref<1x128xi32, #tpu.memory_space<vmem>>
        %dma_wait3A_182 = tpu.memref_squeeze %dma_wait3A_181 : memref<1x128xi32, #tpu.memory_space<vmem>> -> memref<128xi32, #tpu.memory_space<vmem>>
        %dma_wait3A_183 = arith.constant 0 : i32
        %dma_wait3A_184 = arith.constant 0 : i32
        %dma_wait3A_185 = tpu.memref_slice %arg11[%dma_wait3A_183, %dma_wait3A_184] : memref<10240x128xf32, #tpu.memory_space<vmem_shared>> -> memref<10240x128xf32, #tpu.memory_space<vmem_shared>>
        tpu.wait_indirect_dma semaphore(%run_scoped3A : memref<!tpu.dma_semaphore, #tpu.memory_space<semaphore_mem>>) src(%arg9 : memref<128x128xf32, #tpu.memory_space<vmem>>) dst(%dma_wait3A_185 : memref<10240x128xf32, #tpu.memory_space<vmem_shared>>)
        tpu.yield
      }) : () -> ()
      %mul3A_137 = arith.constant 2 : i32
      %mul3A_138 = arith.muli %mul3A_137, %scan3A_127 : i32
      %add3A_139 = arith.constant 2 : i32
      %add3A_140 = arith.addi %mul3A_138, %add3A_139 : i32
      %min3A_141 = arith.constant 37 : i32
      %min3A_142 = arith.minsi %add3A_140, %min3A_141 : i32
      %add3A_143 = arith.addi %sub3A_87, %min3A_142 : i32
      %dma_start3A_144 = arith.constant 0 : i32
      %dma_start3A_145 = tpu.memref_slice %arg7[%add3A_143, %dma_start3A_144] : memref<48x128xi32, #tpu.memory_space<vmem>> -> memref<1x128xi32, #tpu.memory_space<vmem>>
      %dma_start3A_146 = tpu.memref_squeeze %dma_start3A_145 : memref<1x128xi32, #tpu.memory_space<vmem>> -> memref<128xi32, #tpu.memory_space<vmem>>
      %dma_start3A_147 = arith.constant 0 : i32
      %dma_start3A_148 = arith.constant 0 : i32
      %dma_start3A_149 = tpu.memref_slice %arg2[%dma_start3A_147, %dma_start3A_148] : memref<10000x128xf32, #tpu.memory_space<hbm>> -> memref<10000x128xf32, #tpu.memory_space<hbm>>
      tpu.enqueue_indirect_dma source(%dma_start3A_149 : memref<10000x128xf32, #tpu.memory_space<hbm>>) target(%arg9 : memref<128x128xf32, #tpu.memory_space<vmem>>) offsets(%dma_start3A_146 : memref<128xi32, #tpu.memory_space<vmem>>) semaphore(%arg12 : memref<!tpu.dma_semaphore, #tpu.memory_space<semaphore_mem>>)
      %dma_wait3A_150 = arith.constant 0 : i32
      %dma_wait3A_151 = arith.constant 0 : i32
      %dma_wait3A_152 = tpu.memref_slice %arg2[%dma_wait3A_150, %dma_wait3A_151] : memref<10000x128xf32, #tpu.memory_space<hbm>> -> memref<128x128xf32, #tpu.memory_space<hbm>>
      %dma_wait3A_153 = arith.constant 0 : i32
      %dma_wait3A_154 = arith.constant 0 : i32
      %dma_wait3A_155 = tpu.memref_slice %arg2[%dma_wait3A_153, %dma_wait3A_154] : memref<10000x128xf32, #tpu.memory_space<hbm>> -> memref<128x128xf32, #tpu.memory_space<hbm>>
      tpu.wait_dma2 semaphore(%arg13 : memref<!tpu.dma_semaphore, #tpu.memory_space<semaphore_mem>>) src(%dma_wait3A_155 : memref<128x128xf32, #tpu.memory_space<hbm>>) dst(%arg10 : memref<128x128xf32, #tpu.memory_space<vmem>>)
      %mul3A_156 = arith.constant 2 : i32
      %mul3A_157 = arith.muli %mul3A_156, %scan3A_127 : i32
      %add3A_158 = arith.addi %sub3A_87, %mul3A_157 : i32
      %add3A_159 = arith.constant 1 : i32
      %add3A_160 = arith.addi %add3A_158, %add3A_159 : i32
      "tpu.region"() ({
        %run_scoped3A = tpu.sem_alloc : memref<!tpu.dma_semaphore, #tpu.memory_space<semaphore_mem>>
        %dma_start3A_174 = arith.constant 0 : i32
        %dma_start3A_175 = tpu.memref_slice %arg8[%add3A_160, %dma_start3A_174] : memref<48x128xi32, #tpu.memory_space<vmem>> -> memref<1x128xi32, #tpu.memory_space<vmem>>
        %dma_start3A_176 = tpu.memref_squeeze %dma_start3A_175 : memref<1x128xi32, #tpu.memory_space<vmem>> -> memref<128xi32, #tpu.memory_space<vmem>>
        %dma_start3A_177 = arith.constant 0 : i32
        %dma_start3A_178 = arith.constant 0 : i32
        %dma_start3A_179 = tpu.memref_slice %arg11[%dma_start3A_177, %dma_start3A_178] : memref<10240x128xf32, #tpu.memory_space<vmem_shared>> -> memref<10240x128xf32, #tpu.memory_space<vmem_shared>>
        tpu.enqueue_indirect_dma source(%arg10 : memref<128x128xf32, #tpu.memory_space<vmem>>) target(%dma_start3A_179 : memref<10240x128xf32, #tpu.memory_space<vmem_shared>>) offsets(%dma_start3A_176 : memref<128xi32, #tpu.memory_space<vmem>>) semaphore(%run_scoped3A : memref<!tpu.dma_semaphore, #tpu.memory_space<semaphore_mem>>) {add = true}
        %dma_wait3A_180 = arith.constant 0 : i32
        %dma_wait3A_181 = tpu.memref_slice %arg8[%add3A_160, %dma_wait3A_180] : memref<48x128xi32, #tpu.memory_space<vmem>> -> memref<1x128xi32, #tpu.memory_space<vmem>>
        %dma_wait3A_182 = tpu.memref_squeeze %dma_wait3A_181 : memref<1x128xi32, #tpu.memory_space<vmem>> -> memref<128xi32, #tpu.memory_space<vmem>>
        %dma_wait3A_183 = arith.constant 0 : i32
        %dma_wait3A_184 = arith.constant 0 : i32
        %dma_wait3A_185 = tpu.memref_slice %arg11[%dma_wait3A_183, %dma_wait3A_184] : memref<10240x128xf32, #tpu.memory_space<vmem_shared>> -> memref<10240x128xf32, #tpu.memory_space<vmem_shared>>
        tpu.wait_indirect_dma semaphore(%run_scoped3A : memref<!tpu.dma_semaphore, #tpu.memory_space<semaphore_mem>>) src(%arg10 : memref<128x128xf32, #tpu.memory_space<vmem>>) dst(%dma_wait3A_185 : memref<10240x128xf32, #tpu.memory_space<vmem_shared>>)
        tpu.yield
      }) : () -> ()
      %mul3A_161 = arith.constant 2 : i32
      %mul3A_162 = arith.muli %mul3A_161, %scan3A_127 : i32
      %add3A_163 = arith.constant 3 : i32
      %add3A_164 = arith.addi %mul3A_162, %add3A_163 : i32
      %min3A_165 = arith.constant 37 : i32
      %min3A_166 = arith.minsi %add3A_164, %min3A_165 : i32
      %add3A_167 = arith.addi %sub3A_87, %min3A_166 : i32
      %dma_start3A_168 = arith.constant 0 : i32
      %dma_start3A_169 = tpu.memref_slice %arg7[%add3A_167, %dma_start3A_168] : memref<48x128xi32, #tpu.memory_space<vmem>> -> memref<1x128xi32, #tpu.memory_space<vmem>>
      %dma_start3A_170 = tpu.memref_squeeze %dma_start3A_169 : memref<1x128xi32, #tpu.memory_space<vmem>> -> memref<128xi32, #tpu.memory_space<vmem>>
      %dma_start3A_171 = arith.constant 0 : i32
      %dma_start3A_172 = arith.constant 0 : i32
      %dma_start3A_173 = tpu.memref_slice %arg2[%dma_start3A_171, %dma_start3A_172] : memref<10000x128xf32, #tpu.memory_space<hbm>> -> memref<10000x128xf32, #tpu.memory_space<hbm>>
      tpu.enqueue_indirect_dma source(%dma_start3A_173 : memref<10000x128xf32, #tpu.memory_space<hbm>>) target(%arg10 : memref<128x128xf32, #tpu.memory_space<vmem>>) offsets(%dma_start3A_170 : memref<128xi32, #tpu.memory_space<vmem>>) semaphore(%arg13 : memref<!tpu.dma_semaphore, #tpu.memory_space<semaphore_mem>>)
    }
    %scan3A_107 = arith.constant 19 : i32
    %dma_wait3A_108 = arith.constant 0 : i32
    %dma_wait3A_109 = arith.constant 0 : i32
    %dma_wait3A_110 = tpu.memref_slice %arg2[%dma_wait3A_108, %dma_wait3A_109] : memref<10000x128xf32, #tpu.memory_space<hbm>> -> memref<128x128xf32, #tpu.memory_space<hbm>>
    %dma_wait3A_111 = arith.constant 0 : i32
    %dma_wait3A_112 = arith.constant 0 : i32
    %dma_wait3A_113 = tpu.memref_slice %arg2[%dma_wait3A_111, %dma_wait3A_112] : memref<10000x128xf32, #tpu.memory_space<hbm>> -> memref<128x128xf32, #tpu.memory_space<hbm>>
    tpu.wait_dma2 semaphore(%arg12 : memref<!tpu.dma_semaphore, #tpu.memory_space<semaphore_mem>>) src(%dma_wait3A_113 : memref<128x128xf32, #tpu.memory_space<hbm>>) dst(%arg9 : memref<128x128xf32, #tpu.memory_space<vmem>>)
    %dma_wait3A_114 = arith.constant 0 : i32
    %dma_wait3A_115 = arith.constant 0 : i32
    %dma_wait3A_116 = tpu.memref_slice %arg2[%dma_wait3A_114, %dma_wait3A_115] : memref<10000x128xf32, #tpu.memory_space<hbm>> -> memref<128x128xf32, #tpu.memory_space<hbm>>
    %dma_wait3A_117 = arith.constant 0 : i32
    %dma_wait3A_118 = arith.constant 0 : i32
    %dma_wait3A_119 = tpu.memref_slice %arg2[%dma_wait3A_117, %dma_wait3A_118] : memref<10000x128xf32, #tpu.memory_space<hbm>> -> memref<128x128xf32, #tpu.memory_space<hbm>>
    tpu.wait_dma2 semaphore(%arg13 : memref<!tpu.dma_semaphore, #tpu.memory_space<semaphore_mem>>) src(%dma_wait3A_119 : memref<128x128xf32, #tpu.memory_space<hbm>>) dst(%arg10 : memref<128x128xf32, #tpu.memory_space<vmem>>)
    %lt3A = arith.constant 4 : i32
    %lt3A_120 = arith.cmpi slt, %add3A, %lt3A : i32
    %convert_element_type3A = arith.extui %lt3A_120 : i1 to i32
    %cond3A = arith.constant 0 : i32
    %cond3A_121 = arith.cmpi ne, %convert_element_type3A, %cond3A : i32
    scf.if %cond3A_121 {
      "tpu.region"() ({
        %run_scoped3A = tpu.sem_alloc : memref<!tpu.dma_semaphore, #tpu.memory_space<semaphore_mem>>
        %dma_start3A_131 = arith.constant 0 : i32
        %dma_start3A_132 = arith.constant 0 : i32
        %dma_start3A_133 = tpu.memref_slice %arg7[%dma_start3A_131, %dma_start3A_132] : memref<48x128xi32, #tpu.memory_space<vmem>> -> memref<8x128xi32, #tpu.memory_space<vmem>>
        %dma_start3A_134 = arith.constant 2496 : i32
        %dma_start3A_135 = arith.constant 0 : i32
        %dma_start3A_136 = tpu.memref_slice %arg3[%dma_start3A_134, %dma_start3A_135] : memref<2504x128xi32, #tpu.memory_space<hbm>> -> memref<8x128xi32, #tpu.memory_space<hbm>>
        %dma_start3A_137 = arith.constant 0 : i32
        %dma_start3A_138 = arith.constant 0 : i32
        %dma_start3A_139 = tpu.memref_slice %arg7[%dma_start3A_137, %dma_start3A_138] : memref<48x128xi32, #tpu.memory_space<vmem>> -> memref<8x128xi32, #tpu.memory_space<vmem>>
        %dma_start3A_140 = arith.constant 2496 : i32
        %dma_start3A_141 = arith.constant 0 : i32
        %dma_start3A_142 = tpu.memref_slice %arg3[%dma_start3A_140, %dma_start3A_141] : memref<2504x128xi32, #tpu.memory_space<hbm>> -> memref<8x128xi32, #tpu.memory_space<hbm>>
        tpu.enqueue_dma source(%dma_start3A_142 : memref<8x128xi32, #tpu.memory_space<hbm>>) target(%dma_start3A_139 : memref<8x128xi32, #tpu.memory_space<vmem>>) target_semaphore(%run_scoped3A : memref<!tpu.dma_semaphore, #tpu.memory_space<semaphore_mem>>)
        %dma_wait3A_143 = arith.constant 0 : i32
        %dma_wait3A_144 = arith.constant 0 : i32
        %dma_wait3A_145 = tpu.memref_slice %arg7[%dma_wait3A_143, %dma_wait3A_144] : memref<48x128xi32, #tpu.memory_space<vmem>> -> memref<8x128xi32, #tpu.memory_space<vmem>>
        %dma_wait3A_146 = arith.constant 2496 : i32
        %dma_wait3A_147 = arith.constant 0 : i32
        %dma_wait3A_148 = tpu.memref_slice %arg3[%dma_wait3A_146, %dma_wait3A_147] : memref<2504x128xi32, #tpu.memory_space<hbm>> -> memref<8x128xi32, #tpu.memory_space<hbm>>
        %dma_wait3A_149 = arith.constant 0 : i32
        %dma_wait3A_150 = arith.constant 0 : i32
        %dma_wait3A_151 = tpu.memref_slice %arg7[%dma_wait3A_149, %dma_wait3A_150] : memref<48x128xi32, #tpu.memory_space<vmem>> -> memref<8x128xi32, #tpu.memory_space<vmem>>
        %dma_wait3A_152 = arith.constant 2496 : i32
        %dma_wait3A_153 = arith.constant 0 : i32
        %dma_wait3A_154 = tpu.memref_slice %arg3[%dma_wait3A_152, %dma_wait3A_153] : memref<2504x128xi32, #tpu.memory_space<hbm>> -> memref<8x128xi32, #tpu.memory_space<hbm>>
        tpu.wait_dma2 semaphore(%run_scoped3A : memref<!tpu.dma_semaphore, #tpu.memory_space<semaphore_mem>>) src(%dma_wait3A_154 : memref<8x128xi32, #tpu.memory_space<hbm>>) dst(%dma_wait3A_151 : memref<8x128xi32, #tpu.memory_space<vmem>>)
        tpu.yield
      }) : () -> ()
      "tpu.region"() ({
        %run_scoped3A = tpu.sem_alloc : memref<!tpu.dma_semaphore, #tpu.memory_space<semaphore_mem>>
        %dma_start3A_131 = arith.constant 0 : i32
        %dma_start3A_132 = arith.constant 0 : i32
        %dma_start3A_133 = tpu.memref_slice %arg8[%dma_start3A_131, %dma_start3A_132] : memref<48x128xi32, #tpu.memory_space<vmem>> -> memref<8x128xi32, #tpu.memory_space<vmem>>
        %dma_start3A_134 = arith.constant 2496 : i32
        %dma_start3A_135 = arith.constant 0 : i32
        %dma_start3A_136 = tpu.memref_slice %arg4[%dma_start3A_134, %dma_start3A_135] : memref<2504x128xi32, #tpu.memory_space<hbm>> -> memref<8x128xi32, #tpu.memory_space<hbm>>
        %dma_start3A_137 = arith.constant 0 : i32
        %dma_start3A_138 = arith.constant 0 : i32
        %dma_start3A_139 = tpu.memref_slice %arg8[%dma_start3A_137, %dma_start3A_138] : memref<48x128xi32, #tpu.memory_space<vmem>> -> memref<8x128xi32, #tpu.memory_space<vmem>>
        %dma_start3A_140 = arith.constant 2496 : i32
        %dma_start3A_141 = arith.constant 0 : i32
        %dma_start3A_142 = tpu.memref_slice %arg4[%dma_start3A_140, %dma_start3A_141] : memref<2504x128xi32, #tpu.memory_space<hbm>> -> memref<8x128xi32, #tpu.memory_space<hbm>>
        tpu.enqueue_dma source(%dma_start3A_142 : memref<8x128xi32, #tpu.memory_space<hbm>>) target(%dma_start3A_139 : memref<8x128xi32, #tpu.memory_space<vmem>>) target_semaphore(%run_scoped3A : memref<!tpu.dma_semaphore, #tpu.memory_space<semaphore_mem>>)
        %dma_wait3A_143 = arith.constant 0 : i32
        %dma_wait3A_144 = arith.constant 0 : i32
        %dma_wait3A_145 = tpu.memref_slice %arg8[%dma_wait3A_143, %dma_wait3A_144] : memref<48x128xi32, #tpu.memory_space<vmem>> -> memref<8x128xi32, #tpu.memory_space<vmem>>
        %dma_wait3A_146 = arith.constant 2496 : i32
        %dma_wait3A_147 = arith.constant 0 : i32
        %dma_wait3A_148 = tpu.memref_slice %arg4[%dma_wait3A_146, %dma_wait3A_147] : memref<2504x128xi32, #tpu.memory_space<hbm>> -> memref<8x128xi32, #tpu.memory_space<hbm>>
        %dma_wait3A_149 = arith.constant 0 : i32
        %dma_wait3A_150 = arith.constant 0 : i32
        %dma_wait3A_151 = tpu.memref_slice %arg8[%dma_wait3A_149, %dma_wait3A_150] : memref<48x128xi32, #tpu.memory_space<vmem>> -> memref<8x128xi32, #tpu.memory_space<vmem>>
        %dma_wait3A_152 = arith.constant 2496 : i32
        %dma_wait3A_153 = arith.constant 0 : i32
        %dma_wait3A_154 = tpu.memref_slice %arg4[%dma_wait3A_152, %dma_wait3A_153] : memref<2504x128xi32, #tpu.memory_space<hbm>> -> memref<8x128xi32, #tpu.memory_space<hbm>>
        tpu.wait_dma2 semaphore(%run_scoped3A : memref<!tpu.dma_semaphore, #tpu.memory_space<semaphore_mem>>) src(%dma_wait3A_154 : memref<8x128xi32, #tpu.memory_space<hbm>>) dst(%dma_wait3A_151 : memref<8x128xi32, #tpu.memory_space<vmem>>)
        tpu.yield
      }) : () -> ()
      %add3A_127 = arith.constant 0 : i32
      %add3A_128 = arith.addi %add3A_127, %add3A : i32
      "tpu.region"() ({
        %run_scoped3A = tpu.sem_alloc : memref<!tpu.dma_semaphore, #tpu.memory_space<semaphore_mem>>
        %dma_start3A_131 = arith.constant 0 : i32
        %dma_start3A_132 = tpu.memref_slice %arg7[%add3A_128, %dma_start3A_131] : memref<48x128xi32, #tpu.memory_space<vmem>> -> memref<1x128xi32, #tpu.memory_space<vmem>>
        %dma_start3A_133 = tpu.memref_squeeze %dma_start3A_132 : memref<1x128xi32, #tpu.memory_space<vmem>> -> memref<128xi32, #tpu.memory_space<vmem>>
        %dma_start3A_134 = arith.constant 0 : i32
        %dma_start3A_135 = arith.constant 0 : i32
        %dma_start3A_136 = tpu.memref_slice %arg2[%dma_start3A_134, %dma_start3A_135] : memref<10000x128xf32, #tpu.memory_space<hbm>> -> memref<10000x128xf32, #tpu.memory_space<hbm>>
        tpu.enqueue_indirect_dma source(%dma_start3A_136 : memref<10000x128xf32, #tpu.memory_space<hbm>>) target(%arg9 : memref<128x128xf32, #tpu.memory_space<vmem>>) offsets(%dma_start3A_133 : memref<128xi32, #tpu.memory_space<vmem>>) semaphore(%run_scoped3A : memref<!tpu.dma_semaphore, #tpu.memory_space<semaphore_mem>>)
        %dma_wait3A_137 = arith.constant 0 : i32
        %dma_wait3A_138 = tpu.memref_slice %arg7[%add3A_128, %dma_wait3A_137] : memref<48x128xi32, #tpu.memory_space<vmem>> -> memref<1x128xi32, #tpu.memory_space<vmem>>
        %dma_wait3A_139 = tpu.memref_squeeze %dma_wait3A_138 : memref<1x128xi32, #tpu.memory_space<vmem>> -> memref<128xi32, #tpu.memory_space<vmem>>
        %dma_wait3A_140 = arith.constant 0 : i32
        %dma_wait3A_141 = arith.constant 0 : i32
        %dma_wait3A_142 = tpu.memref_slice %arg2[%dma_wait3A_140, %dma_wait3A_141] : memref<10000x128xf32, #tpu.memory_space<hbm>> -> memref<10000x128xf32, #tpu.memory_space<hbm>>
        tpu.wait_indirect_dma semaphore(%run_scoped3A : memref<!tpu.dma_semaphore, #tpu.memory_space<semaphore_mem>>) src(%dma_wait3A_142 : memref<10000x128xf32, #tpu.memory_space<hbm>>) dst(%arg9 : memref<128x128xf32, #tpu.memory_space<vmem>>)
        tpu.yield
      }) : () -> ()
      %add3A_129 = arith.constant 0 : i32
      %add3A_130 = arith.addi %add3A_129, %add3A : i32
      "tpu.region"() ({
        %run_scoped3A = tpu.sem_alloc : memref<!tpu.dma_semaphore, #tpu.memory_space<semaphore_mem>>
        %dma_start3A_131 = arith.constant 0 : i32
        %dma_start3A_132 = tpu.memref_slice %arg8[%add3A_130, %dma_start3A_131] : memref<48x128xi32, #tpu.memory_space<vmem>> -> memref<1x128xi32, #tpu.memory_space<vmem>>
        %dma_start3A_133 = tpu.memref_squeeze %dma_start3A_132 : memref<1x128xi32, #tpu.memory_space<vmem>> -> memref<128xi32, #tpu.memory_space<vmem>>
        %dma_start3A_134 = arith.constant 0 : i32
        %dma_start3A_135 = arith.constant 0 : i32
        %dma_start3A_136 = tpu.memref_slice %arg11[%dma_start3A_134, %dma_start3A_135] : memref<10240x128xf32, #tpu.memory_space<vmem_shared>> -> memref<10240x128xf32, #tpu.memory_space<vmem_shared>>
        tpu.enqueue_indirect_dma source(%arg9 : memref<128x128xf32, #tpu.memory_space<vmem>>) target(%dma_start3A_136 : memref<10240x128xf32, #tpu.memory_space<vmem_shared>>) offsets(%dma_start3A_133 : memref<128xi32, #tpu.memory_space<vmem>>) semaphore(%run_scoped3A : memref<!tpu.dma_semaphore, #tpu.memory_space<semaphore_mem>>) {add = true}
        %dma_wait3A_137 = arith.constant 0 : i32
        %dma_wait3A_138 = tpu.memref_slice %arg8[%add3A_130, %dma_wait3A_137] : memref<48x128xi32, #tpu.memory_space<vmem>> -> memref<1x128xi32, #tpu.memory_space<vmem>>
        %dma_wait3A_139 = tpu.memref_squeeze %dma_wait3A_138 : memref<1x128xi32, #tpu.memory_space<vmem>> -> memref<128xi32, #tpu.memory_space<vmem>>
        %dma_wait3A_140 = arith.constant 0 : i32
        %dma_wait3A_141 = arith.constant 0 : i32
        %dma_wait3A_142 = tpu.memref_slice %arg11[%dma_wait3A_140, %dma_wait3A_141] : memref<10240x128xf32, #tpu.memory_space<vmem_shared>> -> memref<10240x128xf32, #tpu.memory_space<vmem_shared>>
        tpu.wait_indirect_dma semaphore(%run_scoped3A : memref<!tpu.dma_semaphore, #tpu.memory_space<semaphore_mem>>) src(%arg9 : memref<128x128xf32, #tpu.memory_space<vmem>>) dst(%dma_wait3A_142 : memref<10240x128xf32, #tpu.memory_space<vmem_shared>>)
        tpu.yield
      }) : () -> ()
    } else {
    }
    %barrier3A_122 = arith.constant 0 : index
    tpu.barrier barrier_id(%barrier3A_122)
    %mul3A_123 = arith.constant 640 : i32
    %mul3A_124 = arith.muli %arg1, %mul3A_123 : i32
    %mul3A_125 = arith.constant 640 : i32
    %mul3A_126 = arith.muli %arg1, %mul3A_125 : i32
    "tpu.region"() ({
      %run_scoped3A = tpu.sem_alloc : memref<!tpu.dma_semaphore, #tpu.memory_space<semaphore_mem>>
      %dma_start3A_127 = arith.constant 0 : i32
      %dma_start3A_128 = tpu.memref_slice %arg6[%arg0, %mul3A_126, %dma_start3A_127] : memref<2x10240x128xf32, #tpu.memory_space<hbm>> -> memref<1x640x128xf32, #tpu.memory_space<hbm>>
      %dma_start3A_129 = tpu.memref_squeeze %dma_start3A_128 : memref<1x640x128xf32, #tpu.memory_space<hbm>> -> memref<640x128xf32, #tpu.memory_space<hbm>>
      %dma_start3A_130 = arith.constant 0 : i32
      %dma_start3A_131 = tpu.memref_slice %arg11[%mul3A_124, %dma_start3A_130] : memref<10240x128xf32, #tpu.memory_space<vmem_shared>> -> memref<640x128xf32, #tpu.memory_space<vmem_shared>>
      tpu.enqueue_dma source(%dma_start3A_131 : memref<640x128xf32, #tpu.memory_space<vmem_shared>>) target(%dma_start3A_129 : memref<640x128xf32, #tpu.memory_space<hbm>>) target_semaphore(%run_scoped3A : memref<!tpu.dma_semaphore, #tpu.memory_space<semaphore_mem>>)
      %dma_wait3A_132 = arith.constant 0 : i32
      %dma_wait3A_133 = tpu.memref_slice %arg6[%arg0, %mul3A_126, %dma_wait3A_132] : memref<2x10240x128xf32, #tpu.memory_space<hbm>> -> memref<1x640x128xf32, #tpu.memory_space<hbm>>
      %dma_wait3A_134 = tpu.memref_squeeze %dma_wait3A_133 : memref<1x640x128xf32, #tpu.memory_space<hbm>> -> memref<640x128xf32, #tpu.memory_space<hbm>>
      %dma_wait3A_135 = arith.constant 0 : i32
      %dma_wait3A_136 = tpu.memref_slice %arg11[%mul3A_124, %dma_wait3A_135] : memref<10240x128xf32, #tpu.memory_space<vmem_shared>> -> memref<640x128xf32, #tpu.memory_space<vmem_shared>>
      tpu.wait_dma2 semaphore(%run_scoped3A : memref<!tpu.dma_semaphore, #tpu.memory_space<semaphore_mem>>) src(%dma_wait3A_136 : memref<640x128xf32, #tpu.memory_space<vmem_shared>>) dst(%dma_wait3A_134 : memref<640x128xf32, #tpu.memory_space<hbm>>)
      tpu.yield
    }) : () -> ()
    return
  }
}

#map = affine_map<(d0, d1) -> (0, 0)>
#map1 = affine_map<(d0, d1) -> (0, 0, 0)>
module attributes {stable_mosaic.version = 14 : i64} {
  func.func @_spmm_body(%arg0: i32, %arg1: i32, %arg2: memref<10000x128xf32, #tpu.memory_space<hbm>>, %arg3: memref<2504x128xi32, #tpu.memory_space<hbm>>, %arg4: memref<2504x128xi32, #tpu.memory_space<hbm>>, %arg5: memref<10240x128xf32, #tpu.memory_space<hbm>>, %arg6: memref<2x10240x128xf32, #tpu.memory_space<hbm>>, %arg7: memref<48x128xi32, #tpu.memory_space<vmem>>, %arg8: memref<48x128xi32, #tpu.memory_space<vmem>>, %arg9: memref<128x128xf32, #tpu.memory_space<vmem>>, %arg10: memref<128x128xf32, #tpu.memory_space<vmem>>, %arg11: memref<10240x128xf32, #tpu.memory_space<vmem_shared>>, %arg12: memref<!tpu.dma_semaphore, #tpu.memory_space<semaphore_mem>>, %arg13: memref<!tpu.dma_semaphore, #tpu.memory_space<semaphore_mem>>) attributes {dimension_semantics = [#tpu.dimension_semantics<core_parallel>, #tpu.dimension_semantics<subcore_parallel>], iteration_bounds = array<i64: 2, 16>, scalar_prefetch = 0 : i64, scratch_operands = 7 : i64, tpu.core_type = #tpu.core_type<sc_vector_subcore>, window_params = [{transform_indices = #map}, {transform_indices = #map}, {transform_indices = #map}, {transform_indices = #map}, {transform_indices = #map1}]} {
    %mul3A = arith.constant 640 : i32
    %mul3A_0 = arith.muli %arg1, %mul3A : i32
    %mul3A_1 = arith.constant 640 : i32
    %mul3A_2 = arith.muli %arg1, %mul3A_1 : i32
    "tpu.region"() ({
      %run_scoped3A = tpu.sem_alloc : memref<!tpu.dma_semaphore, #tpu.memory_space<semaphore_mem>>
      %dma_start3A_127 = arith.constant 0 : i32
      %dma_start3A_128 = tpu.memref_slice %arg11[%mul3A_2, %dma_start3A_127] : memref<10240x128xf32, #tpu.memory_space<vmem_shared>> -> memref<640x128xf32, #tpu.memory_space<vmem_shared>>
      %dma_start3A_129 = arith.constant 0 : i32
      %dma_start3A_130 = tpu.memref_slice %arg5[%mul3A_0, %dma_start3A_129] : memref<10240x128xf32, #tpu.memory_space<hbm>> -> memref<640x128xf32, #tpu.memory_space<hbm>>
      tpu.enqueue_dma source(%dma_start3A_130 : memref<640x128xf32, #tpu.memory_space<hbm>>) target(%dma_start3A_128 : memref<640x128xf32, #tpu.memory_space<vmem_shared>>) target_semaphore(%run_scoped3A : memref<!tpu.dma_semaphore, #tpu.memory_space<semaphore_mem>>)
      %dma_wait3A_131 = arith.constant 0 : i32
      %dma_wait3A_132 = tpu.memref_slice %arg11[%mul3A_2, %dma_wait3A_131] : memref<10240x128xf32, #tpu.memory_space<vmem_shared>> -> memref<640x128xf32, #tpu.memory_space<vmem_shared>>
      %dma_wait3A_133 = arith.constant 0 : i32
      %dma_wait3A_134 = tpu.memref_slice %arg5[%mul3A_0, %dma_wait3A_133] : memref<10240x128xf32, #tpu.memory_space<hbm>> -> memref<640x128xf32, #tpu.memory_space<hbm>>
      tpu.wait_dma2 semaphore(%run_scoped3A : memref<!tpu.dma_semaphore, #tpu.memory_space<semaphore_mem>>) src(%dma_wait3A_134 : memref<640x128xf32, #tpu.memory_space<hbm>>) dst(%dma_wait3A_132 : memref<640x128xf32, #tpu.memory_space<vmem_shared>>)
      tpu.yield
    }) : () -> ()
    %mul3A_3 = arith.constant 16 : i32
    %mul3A_4 = arith.muli %arg0, %mul3A_3 : i32
    %add3A = arith.addi %mul3A_4, %arg1 : i32
    %mul3A_5 = arith.constant 78 : i32
    %mul3A_6 = arith.muli %add3A, %mul3A_5 : i32
    %jit3A = arith.constant 8 : i32
    %div3A = arith.divsi %mul3A_6, %jit3A : i32
    %sign3A = arith.constant 0 : i32
    %sign3A_7 = arith.cmpi sgt, %mul3A_6, %sign3A : i32
    %sign3A_8 = arith.extui %sign3A_7 : i1 to i32
    %sign3A_9 = arith.constant 0 : i32
    %sign3A_10 = arith.cmpi slt, %mul3A_6, %sign3A_9 : i32
    %sign3A_11 = arith.extui %sign3A_10 : i1 to i32
    %sign3A_12 = arith.subi %sign3A_8, %sign3A_11 : i32
    %sign3A_13 = arith.constant 0 : i32
    %sign3A_14 = arith.cmpi sgt, %jit3A, %sign3A_13 : i32
    %sign3A_15 = arith.extui %sign3A_14 : i1 to i32
    %sign3A_16 = arith.constant 0 : i32
    %sign3A_17 = arith.cmpi slt, %jit3A, %sign3A_16 : i32
    %sign3A_18 = arith.extui %sign3A_17 : i1 to i32
    %sign3A_19 = arith.subi %sign3A_15, %sign3A_18 : i32
    %ne3A = arith.cmpi ne, %sign3A_12, %sign3A_19 : i32
    %rem3A = arith.remsi %mul3A_6, %jit3A : i32
    %ne3A_20 = arith.constant 0 : i32
    %ne3A_21 = arith.cmpi ne, %rem3A, %ne3A_20 : i32
    %and3A = arith.andi %ne3A, %ne3A_21 : i1
    %sub3A = arith.constant 1 : i32
    %sub3A_22 = arith.subi %div3A, %sub3A : i32
    %select_n3A = arith.select %and3A, %sub3A_22, %div3A : i32
    %mul3A_23 = arith.constant 8 : i32
    %mul3A_24 = arith.muli %select_n3A, %mul3A_23 : i32
    %min3A = arith.constant 2456 : i32
    %min3A_25 = arith.minsi %mul3A_24, %min3A : i32
    %multiple_of3A = tpu.assume_multiple %min3A_25, 8 : i32
    %sub3A_26 = arith.subi %mul3A_6, %multiple_of3A : i32
    "tpu.region"() ({
      %run_scoped3A = tpu.sem_alloc : memref<!tpu.dma_semaphore, #tpu.memory_space<semaphore_mem>>
      %dma_start3A_127 = arith.constant 0 : i32
      %dma_start3A_128 = tpu.memref_slice %arg3[%multiple_of3A, %dma_start3A_127] : memref<2504x128xi32, #tpu.memory_space<hbm>> -> memref<48x128xi32, #tpu.memory_space<hbm>>
      %dma_start3A_129 = arith.constant 0 : i32
      %dma_start3A_130 = tpu.memref_slice %arg3[%multiple_of3A, %dma_start3A_129] : memref<2504x128xi32, #tpu.memory_space<hbm>> -> memref<48x128xi32, #tpu.memory_space<hbm>>
      tpu.enqueue_dma source(%dma_start3A_130 : memref<48x128xi32, #tpu.memory_space<hbm>>) target(%arg7 : memref<48x128xi32, #tpu.memory_space<vmem>>) target_semaphore(%run_scoped3A : memref<!tpu.dma_semaphore, #tpu.memory_space<semaphore_mem>>)
      %dma_wait3A_131 = arith.constant 0 : i32
      %dma_wait3A_132 = tpu.memref_slice %arg3[%multiple_of3A, %dma_wait3A_131] : memref<2504x128xi32, #tpu.memory_space<hbm>> -> memref<48x128xi32, #tpu.memory_space<hbm>>
      %dma_wait3A_133 = arith.constant 0 : i32
      %dma_wait3A_134 = tpu.memref_slice %arg3[%multiple_of3A, %dma_wait3A_133] : memref<2504x128xi32, #tpu.memory_space<hbm>> -> memref<48x128xi32, #tpu.memory_space<hbm>>
      tpu.wait_dma2 semaphore(%run_scoped3A : memref<!tpu.dma_semaphore, #tpu.memory_space<semaphore_mem>>) src(%dma_wait3A_134 : memref<48x128xi32, #tpu.memory_space<hbm>>) dst(%arg7 : memref<48x128xi32, #tpu.memory_space<vmem>>)
      tpu.yield
    }) : () -> ()
    "tpu.region"() ({
      %run_scoped3A = tpu.sem_alloc : memref<!tpu.dma_semaphore, #tpu.memory_space<semaphore_mem>>
      %dma_start3A_127 = arith.constant 0 : i32
      %dma_start3A_128 = tpu.memref_slice %arg4[%multiple_of3A, %dma_start3A_127] : memref<2504x128xi32, #tpu.memory_space<hbm>> -> memref<48x128xi32, #tpu.memory_space<hbm>>
      %dma_start3A_129 = arith.constant 0 : i32
      %dma_start3A_130 = tpu.memref_slice %arg4[%multiple_of3A, %dma_start3A_129] : memref<2504x128xi32, #tpu.memory_space<hbm>> -> memref<48x128xi32, #tpu.memory_space<hbm>>
      tpu.enqueue_dma source(%dma_start3A_130 : memref<48x128xi32, #tpu.memory_space<hbm>>) target(%arg8 : memref<48x128xi32, #tpu.memory_space<vmem>>) target_semaphore(%run_scoped3A : memref<!tpu.dma_semaphore, #tpu.memory_space<semaphore_mem>>)
      %dma_wait3A_131 = arith.constant 0 : i32
      %dma_wait3A_132 = tpu.memref_slice %arg4[%multiple_of3A, %dma_wait3A_131] : memref<2504x128xi32, #tpu.memory_space<hbm>> -> memref<48x128xi32, #tpu.memory_space<hbm>>
      %dma_wait3A_133 = arith.constant 0 : i32
      %dma_wait3A_134 = tpu.memref_slice %arg4[%multiple_of3A, %dma_wait3A_133] : memref<2504x128xi32, #tpu.memory_space<hbm>> -> memref<48x128xi32, #tpu.memory_space<hbm>>
      tpu.wait_dma2 semaphore(%run_scoped3A : memref<!tpu.dma_semaphore, #tpu.memory_space<semaphore_mem>>) src(%dma_wait3A_134 : memref<48x128xi32, #tpu.memory_space<hbm>>) dst(%arg8 : memref<48x128xi32, #tpu.memory_space<vmem>>)
      tpu.yield
    }) : () -> ()
    %barrier3A = arith.constant 0 : index
    tpu.barrier barrier_id(%barrier3A)
    %dma_start3A = arith.constant 0 : i32
    %dma_start3A_27 = tpu.memref_slice %arg7[%sub3A_26, %dma_start3A] : memref<48x128xi32, #tpu.memory_space<vmem>> -> memref<1x128xi32, #tpu.memory_space<vmem>>
    %dma_start3A_28 = tpu.memref_squeeze %dma_start3A_27 : memref<1x128xi32, #tpu.memory_space<vmem>> -> memref<128xi32, #tpu.memory_space<vmem>>
    %dma_start3A_29 = arith.constant 0 : i32
    %dma_start3A_30 = arith.constant 0 : i32
    %dma_start3A_31 = tpu.memref_slice %arg2[%dma_start3A_29, %dma_start3A_30] : memref<10000x128xf32, #tpu.memory_space<hbm>> -> memref<10000x128xf32, #tpu.memory_space<hbm>>
    tpu.enqueue_indirect_dma source(%dma_start3A_31 : memref<10000x128xf32, #tpu.memory_space<hbm>>) target(%arg9 : memref<128x128xf32, #tpu.memory_space<vmem>>) offsets(%dma_start3A_28 : memref<128xi32, #tpu.memory_space<vmem>>) semaphore(%arg12 : memref<!tpu.dma_semaphore, #tpu.memory_space<semaphore_mem>>)
    %add3A_32 = arith.constant 1 : i32
    %add3A_33 = arith.addi %sub3A_26, %add3A_32 : i32
    %dma_start3A_34 = arith.constant 0 : i32
    %dma_start3A_35 = tpu.memref_slice %arg7[%add3A_33, %dma_start3A_34] : memref<48x128xi32, #tpu.memory_space<vmem>> -> memref<1x128xi32, #tpu.memory_space<vmem>>
    %dma_start3A_36 = tpu.memref_squeeze %dma_start3A_35 : memref<1x128xi32, #tpu.memory_space<vmem>> -> memref<128xi32, #tpu.memory_space<vmem>>
    %dma_start3A_37 = arith.constant 0 : i32
    %dma_start3A_38 = arith.constant 0 : i32
    %dma_start3A_39 = tpu.memref_slice %arg2[%dma_start3A_37, %dma_start3A_38] : memref<10000x128xf32, #tpu.memory_space<hbm>> -> memref<10000x128xf32, #tpu.memory_space<hbm>>
    tpu.enqueue_indirect_dma source(%dma_start3A_39 : memref<10000x128xf32, #tpu.memory_space<hbm>>) target(%arg10 : memref<128x128xf32, #tpu.memory_space<vmem>>) offsets(%dma_start3A_36 : memref<128xi32, #tpu.memory_space<vmem>>) semaphore(%arg13 : memref<!tpu.dma_semaphore, #tpu.memory_space<semaphore_mem>>)
    %scan3A = arith.constant 0 : i32
    %scan3A_40 = arith.constant 0 : i32
    %scan3A_41 = arith.constant 20 : i32
    %scan3A_42 = arith.addi %scan3A_40, %scan3A_41 : i32
    %scan3A_43 = arith.constant 1 : i32
    scf.for %scan3A_127 = %scan3A_40 to %scan3A_42 step %scan3A_43  : i32 {
      %dma_wait3A_128 = arith.constant 0 : i32
      %dma_wait3A_129 = arith.constant 0 : i32
      %dma_wait3A_130 = tpu.memref_slice %arg2[%dma_wait3A_128, %dma_wait3A_129] : memref<10000x128xf32, #tpu.memory_space<hbm>> -> memref<128x128xf32, #tpu.memory_space<hbm>>
      %dma_wait3A_131 = arith.constant 0 : i32
      %dma_wait3A_132 = arith.constant 0 : i32
      %dma_wait3A_133 = tpu.memref_slice %arg2[%dma_wait3A_131, %dma_wait3A_132] : memref<10000x128xf32, #tpu.memory_space<hbm>> -> memref<128x128xf32, #tpu.memory_space<hbm>>
      tpu.wait_dma2 semaphore(%arg12 : memref<!tpu.dma_semaphore, #tpu.memory_space<semaphore_mem>>) src(%dma_wait3A_133 : memref<128x128xf32, #tpu.memory_space<hbm>>) dst(%arg9 : memref<128x128xf32, #tpu.memory_space<vmem>>)
      %mul3A_134 = arith.constant 2 : i32
      %mul3A_135 = arith.muli %mul3A_134, %scan3A_127 : i32
      %add3A_136 = arith.addi %sub3A_26, %mul3A_135 : i32
      "tpu.region"() ({
        %run_scoped3A = tpu.sem_alloc : memref<!tpu.dma_semaphore, #tpu.memory_space<semaphore_mem>>
        %dma_start3A_174 = arith.constant 0 : i32
        %dma_start3A_175 = tpu.memref_slice %arg8[%add3A_136, %dma_start3A_174] : memref<48x128xi32, #tpu.memory_space<vmem>> -> memref<1x128xi32, #tpu.memory_space<vmem>>
        %dma_start3A_176 = tpu.memref_squeeze %dma_start3A_175 : memref<1x128xi32, #tpu.memory_space<vmem>> -> memref<128xi32, #tpu.memory_space<vmem>>
        %dma_start3A_177 = arith.constant 0 : i32
        %dma_start3A_178 = arith.constant 0 : i32
        %dma_start3A_179 = tpu.memref_slice %arg11[%dma_start3A_177, %dma_start3A_178] : memref<10240x128xf32, #tpu.memory_space<vmem_shared>> -> memref<10240x128xf32, #tpu.memory_space<vmem_shared>>
        tpu.enqueue_indirect_dma source(%arg9 : memref<128x128xf32, #tpu.memory_space<vmem>>) target(%dma_start3A_179 : memref<10240x128xf32, #tpu.memory_space<vmem_shared>>) offsets(%dma_start3A_176 : memref<128xi32, #tpu.memory_space<vmem>>) semaphore(%run_scoped3A : memref<!tpu.dma_semaphore, #tpu.memory_space<semaphore_mem>>) {add = true}
        %dma_wait3A_180 = arith.constant 0 : i32
        %dma_wait3A_181 = tpu.memref_slice %arg8[%add3A_136, %dma_wait3A_180] : memref<48x128xi32, #tpu.memory_space<vmem>> -> memref<1x128xi32, #tpu.memory_space<vmem>>
        %dma_wait3A_182 = tpu.memref_squeeze %dma_wait3A_181 : memref<1x128xi32, #tpu.memory_space<vmem>> -> memref<128xi32, #tpu.memory_space<vmem>>
        %dma_wait3A_183 = arith.constant 0 : i32
        %dma_wait3A_184 = arith.constant 0 : i32
        %dma_wait3A_185 = tpu.memref_slice %arg11[%dma_wait3A_183, %dma_wait3A_184] : memref<10240x128xf32, #tpu.memory_space<vmem_shared>> -> memref<10240x128xf32, #tpu.memory_space<vmem_shared>>
        tpu.wait_indirect_dma semaphore(%run_scoped3A : memref<!tpu.dma_semaphore, #tpu.memory_space<semaphore_mem>>) src(%arg9 : memref<128x128xf32, #tpu.memory_space<vmem>>) dst(%dma_wait3A_185 : memref<10240x128xf32, #tpu.memory_space<vmem_shared>>)
        tpu.yield
      }) : () -> ()
      %mul3A_137 = arith.constant 2 : i32
      %mul3A_138 = arith.muli %mul3A_137, %scan3A_127 : i32
      %add3A_139 = arith.constant 2 : i32
      %add3A_140 = arith.addi %mul3A_138, %add3A_139 : i32
      %min3A_141 = arith.constant 39 : i32
      %min3A_142 = arith.minsi %add3A_140, %min3A_141 : i32
      %add3A_143 = arith.addi %sub3A_26, %min3A_142 : i32
      %dma_start3A_144 = arith.constant 0 : i32
      %dma_start3A_145 = tpu.memref_slice %arg7[%add3A_143, %dma_start3A_144] : memref<48x128xi32, #tpu.memory_space<vmem>> -> memref<1x128xi32, #tpu.memory_space<vmem>>
      %dma_start3A_146 = tpu.memref_squeeze %dma_start3A_145 : memref<1x128xi32, #tpu.memory_space<vmem>> -> memref<128xi32, #tpu.memory_space<vmem>>
      %dma_start3A_147 = arith.constant 0 : i32
      %dma_start3A_148 = arith.constant 0 : i32
      %dma_start3A_149 = tpu.memref_slice %arg2[%dma_start3A_147, %dma_start3A_148] : memref<10000x128xf32, #tpu.memory_space<hbm>> -> memref<10000x128xf32, #tpu.memory_space<hbm>>
      tpu.enqueue_indirect_dma source(%dma_start3A_149 : memref<10000x128xf32, #tpu.memory_space<hbm>>) target(%arg9 : memref<128x128xf32, #tpu.memory_space<vmem>>) offsets(%dma_start3A_146 : memref<128xi32, #tpu.memory_space<vmem>>) semaphore(%arg12 : memref<!tpu.dma_semaphore, #tpu.memory_space<semaphore_mem>>)
      %dma_wait3A_150 = arith.constant 0 : i32
      %dma_wait3A_151 = arith.constant 0 : i32
      %dma_wait3A_152 = tpu.memref_slice %arg2[%dma_wait3A_150, %dma_wait3A_151] : memref<10000x128xf32, #tpu.memory_space<hbm>> -> memref<128x128xf32, #tpu.memory_space<hbm>>
      %dma_wait3A_153 = arith.constant 0 : i32
      %dma_wait3A_154 = arith.constant 0 : i32
      %dma_wait3A_155 = tpu.memref_slice %arg2[%dma_wait3A_153, %dma_wait3A_154] : memref<10000x128xf32, #tpu.memory_space<hbm>> -> memref<128x128xf32, #tpu.memory_space<hbm>>
      tpu.wait_dma2 semaphore(%arg13 : memref<!tpu.dma_semaphore, #tpu.memory_space<semaphore_mem>>) src(%dma_wait3A_155 : memref<128x128xf32, #tpu.memory_space<hbm>>) dst(%arg10 : memref<128x128xf32, #tpu.memory_space<vmem>>)
      %mul3A_156 = arith.constant 2 : i32
      %mul3A_157 = arith.muli %mul3A_156, %scan3A_127 : i32
      %add3A_158 = arith.addi %sub3A_26, %mul3A_157 : i32
      %add3A_159 = arith.constant 1 : i32
      %add3A_160 = arith.addi %add3A_158, %add3A_159 : i32
      "tpu.region"() ({
        %run_scoped3A = tpu.sem_alloc : memref<!tpu.dma_semaphore, #tpu.memory_space<semaphore_mem>>
        %dma_start3A_174 = arith.constant 0 : i32
        %dma_start3A_175 = tpu.memref_slice %arg8[%add3A_160, %dma_start3A_174] : memref<48x128xi32, #tpu.memory_space<vmem>> -> memref<1x128xi32, #tpu.memory_space<vmem>>
        %dma_start3A_176 = tpu.memref_squeeze %dma_start3A_175 : memref<1x128xi32, #tpu.memory_space<vmem>> -> memref<128xi32, #tpu.memory_space<vmem>>
        %dma_start3A_177 = arith.constant 0 : i32
        %dma_start3A_178 = arith.constant 0 : i32
        %dma_start3A_179 = tpu.memref_slice %arg11[%dma_start3A_177, %dma_start3A_178] : memref<10240x128xf32, #tpu.memory_space<vmem_shared>> -> memref<10240x128xf32, #tpu.memory_space<vmem_shared>>
        tpu.enqueue_indirect_dma source(%arg10 : memref<128x128xf32, #tpu.memory_space<vmem>>) target(%dma_start3A_179 : memref<10240x128xf32, #tpu.memory_space<vmem_shared>>) offsets(%dma_start3A_176 : memref<128xi32, #tpu.memory_space<vmem>>) semaphore(%run_scoped3A : memref<!tpu.dma_semaphore, #tpu.memory_space<semaphore_mem>>) {add = true}
        %dma_wait3A_180 = arith.constant 0 : i32
        %dma_wait3A_181 = tpu.memref_slice %arg8[%add3A_160, %dma_wait3A_180] : memref<48x128xi32, #tpu.memory_space<vmem>> -> memref<1x128xi32, #tpu.memory_space<vmem>>
        %dma_wait3A_182 = tpu.memref_squeeze %dma_wait3A_181 : memref<1x128xi32, #tpu.memory_space<vmem>> -> memref<128xi32, #tpu.memory_space<vmem>>
        %dma_wait3A_183 = arith.constant 0 : i32
        %dma_wait3A_184 = arith.constant 0 : i32
        %dma_wait3A_185 = tpu.memref_slice %arg11[%dma_wait3A_183, %dma_wait3A_184] : memref<10240x128xf32, #tpu.memory_space<vmem_shared>> -> memref<10240x128xf32, #tpu.memory_space<vmem_shared>>
        tpu.wait_indirect_dma semaphore(%run_scoped3A : memref<!tpu.dma_semaphore, #tpu.memory_space<semaphore_mem>>) src(%arg10 : memref<128x128xf32, #tpu.memory_space<vmem>>) dst(%dma_wait3A_185 : memref<10240x128xf32, #tpu.memory_space<vmem_shared>>)
        tpu.yield
      }) : () -> ()
      %mul3A_161 = arith.constant 2 : i32
      %mul3A_162 = arith.muli %mul3A_161, %scan3A_127 : i32
      %add3A_163 = arith.constant 3 : i32
      %add3A_164 = arith.addi %mul3A_162, %add3A_163 : i32
      %min3A_165 = arith.constant 39 : i32
      %min3A_166 = arith.minsi %add3A_164, %min3A_165 : i32
      %add3A_167 = arith.addi %sub3A_26, %min3A_166 : i32
      %dma_start3A_168 = arith.constant 0 : i32
      %dma_start3A_169 = tpu.memref_slice %arg7[%add3A_167, %dma_start3A_168] : memref<48x128xi32, #tpu.memory_space<vmem>> -> memref<1x128xi32, #tpu.memory_space<vmem>>
      %dma_start3A_170 = tpu.memref_squeeze %dma_start3A_169 : memref<1x128xi32, #tpu.memory_space<vmem>> -> memref<128xi32, #tpu.memory_space<vmem>>
      %dma_start3A_171 = arith.constant 0 : i32
      %dma_start3A_172 = arith.constant 0 : i32
      %dma_start3A_173 = tpu.memref_slice %arg2[%dma_start3A_171, %dma_start3A_172] : memref<10000x128xf32, #tpu.memory_space<hbm>> -> memref<10000x128xf32, #tpu.memory_space<hbm>>
      tpu.enqueue_indirect_dma source(%dma_start3A_173 : memref<10000x128xf32, #tpu.memory_space<hbm>>) target(%arg10 : memref<128x128xf32, #tpu.memory_space<vmem>>) offsets(%dma_start3A_170 : memref<128xi32, #tpu.memory_space<vmem>>) semaphore(%arg13 : memref<!tpu.dma_semaphore, #tpu.memory_space<semaphore_mem>>)
    }
    %scan3A_44 = arith.constant 20 : i32
    %dma_wait3A = arith.constant 0 : i32
    %dma_wait3A_45 = arith.constant 0 : i32
    %dma_wait3A_46 = tpu.memref_slice %arg2[%dma_wait3A, %dma_wait3A_45] : memref<10000x128xf32, #tpu.memory_space<hbm>> -> memref<128x128xf32, #tpu.memory_space<hbm>>
    %dma_wait3A_47 = arith.constant 0 : i32
    %dma_wait3A_48 = arith.constant 0 : i32
    %dma_wait3A_49 = tpu.memref_slice %arg2[%dma_wait3A_47, %dma_wait3A_48] : memref<10000x128xf32, #tpu.memory_space<hbm>> -> memref<128x128xf32, #tpu.memory_space<hbm>>
    tpu.wait_dma2 semaphore(%arg12 : memref<!tpu.dma_semaphore, #tpu.memory_space<semaphore_mem>>) src(%dma_wait3A_49 : memref<128x128xf32, #tpu.memory_space<hbm>>) dst(%arg9 : memref<128x128xf32, #tpu.memory_space<vmem>>)
    %dma_wait3A_50 = arith.constant 0 : i32
    %dma_wait3A_51 = arith.constant 0 : i32
    %dma_wait3A_52 = tpu.memref_slice %arg2[%dma_wait3A_50, %dma_wait3A_51] : memref<10000x128xf32, #tpu.memory_space<hbm>> -> memref<128x128xf32, #tpu.memory_space<hbm>>
    %dma_wait3A_53 = arith.constant 0 : i32
    %dma_wait3A_54 = arith.constant 0 : i32
    %dma_wait3A_55 = tpu.memref_slice %arg2[%dma_wait3A_53, %dma_wait3A_54] : memref<10000x128xf32, #tpu.memory_space<hbm>> -> memref<128x128xf32, #tpu.memory_space<hbm>>
    tpu.wait_dma2 semaphore(%arg13 : memref<!tpu.dma_semaphore, #tpu.memory_space<semaphore_mem>>) src(%dma_wait3A_55 : memref<128x128xf32, #tpu.memory_space<hbm>>) dst(%arg10 : memref<128x128xf32, #tpu.memory_space<vmem>>)
    %add3A_56 = arith.constant 40 : i32
    %add3A_57 = arith.addi %mul3A_6, %add3A_56 : i32
    %jit3A_58 = arith.constant 8 : i32
    %div3A_59 = arith.divsi %add3A_57, %jit3A_58 : i32
    %sign3A_60 = arith.constant 0 : i32
    %sign3A_61 = arith.cmpi sgt, %add3A_57, %sign3A_60 : i32
    %sign3A_62 = arith.extui %sign3A_61 : i1 to i32
    %sign3A_63 = arith.constant 0 : i32
    %sign3A_64 = arith.cmpi slt, %add3A_57, %sign3A_63 : i32
    %sign3A_65 = arith.extui %sign3A_64 : i1 to i32
    %sign3A_66 = arith.subi %sign3A_62, %sign3A_65 : i32
    %sign3A_67 = arith.constant 0 : i32
    %sign3A_68 = arith.cmpi sgt, %jit3A_58, %sign3A_67 : i32
    %sign3A_69 = arith.extui %sign3A_68 : i1 to i32
    %sign3A_70 = arith.constant 0 : i32
    %sign3A_71 = arith.cmpi slt, %jit3A_58, %sign3A_70 : i32
    %sign3A_72 = arith.extui %sign3A_71 : i1 to i32
    %sign3A_73 = arith.subi %sign3A_69, %sign3A_72 : i32
    %ne3A_74 = arith.cmpi ne, %sign3A_66, %sign3A_73 : i32
    %rem3A_75 = arith.remsi %add3A_57, %jit3A_58 : i32
    %ne3A_76 = arith.constant 0 : i32
    %ne3A_77 = arith.cmpi ne, %rem3A_75, %ne3A_76 : i32
    %and3A_78 = arith.andi %ne3A_74, %ne3A_77 : i1
    %sub3A_79 = arith.constant 1 : i32
    %sub3A_80 = arith.subi %div3A_59, %sub3A_79 : i32
    %select_n3A_81 = arith.select %and3A_78, %sub3A_80, %div3A_59 : i32
    %mul3A_82 = arith.constant 8 : i32
    %mul3A_83 = arith.muli %select_n3A_81, %mul3A_82 : i32
    %min3A_84 = arith.constant 2456 : i32
    %min3A_85 = arith.minsi %mul3A_83, %min3A_84 : i32
    %multiple_of3A_86 = tpu.assume_multiple %min3A_85, 8 : i32
    %sub3A_87 = arith.subi %add3A_57, %multiple_of3A_86 : i32
    "tpu.region"() ({
      %run_scoped3A = tpu.sem_alloc : memref<!tpu.dma_semaphore, #tpu.memory_space<semaphore_mem>>
      %dma_start3A_127 = arith.constant 0 : i32
      %dma_start3A_128 = tpu.memref_slice %arg3[%multiple_of3A_86, %dma_start3A_127] : memref<2504x128xi32, #tpu.memory_space<hbm>> -> memref<48x128xi32, #tpu.memory_space<hbm>>
      %dma_start3A_129 = arith.constant 0 : i32
      %dma_start3A_130 = tpu.memref_slice %arg3[%multiple_of3A_86, %dma_start3A_129] : memref<2504x128xi32, #tpu.memory_space<hbm>> -> memref<48x128xi32, #tpu.memory_space<hbm>>
      tpu.enqueue_dma source(%dma_start3A_130 : memref<48x128xi32, #tpu.memory_space<hbm>>) target(%arg7 : memref<48x128xi32, #tpu.memory_space<vmem>>) target_semaphore(%run_scoped3A : memref<!tpu.dma_semaphore, #tpu.memory_space<semaphore_mem>>)
      %dma_wait3A_131 = arith.constant 0 : i32
      %dma_wait3A_132 = tpu.memref_slice %arg3[%multiple_of3A_86, %dma_wait3A_131] : memref<2504x128xi32, #tpu.memory_space<hbm>> -> memref<48x128xi32, #tpu.memory_space<hbm>>
      %dma_wait3A_133 = arith.constant 0 : i32
      %dma_wait3A_134 = tpu.memref_slice %arg3[%multiple_of3A_86, %dma_wait3A_133] : memref<2504x128xi32, #tpu.memory_space<hbm>> -> memref<48x128xi32, #tpu.memory_space<hbm>>
      tpu.wait_dma2 semaphore(%run_scoped3A : memref<!tpu.dma_semaphore, #tpu.memory_space<semaphore_mem>>) src(%dma_wait3A_134 : memref<48x128xi32, #tpu.memory_space<hbm>>) dst(%arg7 : memref<48x128xi32, #tpu.memory_space<vmem>>)
      tpu.yield
    }) : () -> ()
    "tpu.region"() ({
      %run_scoped3A = tpu.sem_alloc : memref<!tpu.dma_semaphore, #tpu.memory_space<semaphore_mem>>
      %dma_start3A_127 = arith.constant 0 : i32
      %dma_start3A_128 = tpu.memref_slice %arg4[%multiple_of3A_86, %dma_start3A_127] : memref<2504x128xi32, #tpu.memory_space<hbm>> -> memref<48x128xi32, #tpu.memory_space<hbm>>
      %dma_start3A_129 = arith.constant 0 : i32
      %dma_start3A_130 = tpu.memref_slice %arg4[%multiple_of3A_86, %dma_start3A_129] : memref<2504x128xi32, #tpu.memory_space<hbm>> -> memref<48x128xi32, #tpu.memory_space<hbm>>
      tpu.enqueue_dma source(%dma_start3A_130 : memref<48x128xi32, #tpu.memory_space<hbm>>) target(%arg8 : memref<48x128xi32, #tpu.memory_space<vmem>>) target_semaphore(%run_scoped3A : memref<!tpu.dma_semaphore, #tpu.memory_space<semaphore_mem>>)
      %dma_wait3A_131 = arith.constant 0 : i32
      %dma_wait3A_132 = tpu.memref_slice %arg4[%multiple_of3A_86, %dma_wait3A_131] : memref<2504x128xi32, #tpu.memory_space<hbm>> -> memref<48x128xi32, #tpu.memory_space<hbm>>
      %dma_wait3A_133 = arith.constant 0 : i32
      %dma_wait3A_134 = tpu.memref_slice %arg4[%multiple_of3A_86, %dma_wait3A_133] : memref<2504x128xi32, #tpu.memory_space<hbm>> -> memref<48x128xi32, #tpu.memory_space<hbm>>
      tpu.wait_dma2 semaphore(%run_scoped3A : memref<!tpu.dma_semaphore, #tpu.memory_space<semaphore_mem>>) src(%dma_wait3A_134 : memref<48x128xi32, #tpu.memory_space<hbm>>) dst(%arg8 : memref<48x128xi32, #tpu.memory_space<vmem>>)
      tpu.yield
    }) : () -> ()
    %dma_start3A_88 = arith.constant 0 : i32
    %dma_start3A_89 = tpu.memref_slice %arg7[%sub3A_87, %dma_start3A_88] : memref<48x128xi32, #tpu.memory_space<vmem>> -> memref<1x128xi32, #tpu.memory_space<vmem>>
    %dma_start3A_90 = tpu.memref_squeeze %dma_start3A_89 : memref<1x128xi32, #tpu.memory_space<vmem>> -> memref<128xi32, #tpu.memory_space<vmem>>
    %dma_start3A_91 = arith.constant 0 : i32
    %dma_start3A_92 = arith.constant 0 : i32
    %dma_start3A_93 = tpu.memref_slice %arg2[%dma_start3A_91, %dma_start3A_92] : memref<10000x128xf32, #tpu.memory_space<hbm>> -> memref<10000x128xf32, #tpu.memory_space<hbm>>
    tpu.enqueue_indirect_dma source(%dma_start3A_93 : memref<10000x128xf32, #tpu.memory_space<hbm>>) target(%arg9 : memref<128x128xf32, #tpu.memory_space<vmem>>) offsets(%dma_start3A_90 : memref<128xi32, #tpu.memory_space<vmem>>) semaphore(%arg12 : memref<!tpu.dma_semaphore, #tpu.memory_space<semaphore_mem>>)
    %add3A_94 = arith.constant 1 : i32
    %add3A_95 = arith.addi %sub3A_87, %add3A_94 : i32
    %dma_start3A_96 = arith.constant 0 : i32
    %dma_start3A_97 = tpu.memref_slice %arg7[%add3A_95, %dma_start3A_96] : memref<48x128xi32, #tpu.memory_space<vmem>> -> memref<1x128xi32, #tpu.memory_space<vmem>>
    %dma_start3A_98 = tpu.memref_squeeze %dma_start3A_97 : memref<1x128xi32, #tpu.memory_space<vmem>> -> memref<128xi32, #tpu.memory_space<vmem>>
    %dma_start3A_99 = arith.constant 0 : i32
    %dma_start3A_100 = arith.constant 0 : i32
    %dma_start3A_101 = tpu.memref_slice %arg2[%dma_start3A_99, %dma_start3A_100] : memref<10000x128xf32, #tpu.memory_space<hbm>> -> memref<10000x128xf32, #tpu.memory_space<hbm>>
    tpu.enqueue_indirect_dma source(%dma_start3A_101 : memref<10000x128xf32, #tpu.memory_space<hbm>>) target(%arg10 : memref<128x128xf32, #tpu.memory_space<vmem>>) offsets(%dma_start3A_98 : memref<128xi32, #tpu.memory_space<vmem>>) semaphore(%arg13 : memref<!tpu.dma_semaphore, #tpu.memory_space<semaphore_mem>>)
    %scan3A_102 = arith.constant 0 : i32
    %scan3A_103 = arith.constant 0 : i32
    %scan3A_104 = arith.constant 19 : i32
    %scan3A_105 = arith.addi %scan3A_103, %scan3A_104 : i32
    %scan3A_106 = arith.constant 1 : i32
    scf.for %scan3A_127 = %scan3A_103 to %scan3A_105 step %scan3A_106  : i32 {
      %dma_wait3A_128 = arith.constant 0 : i32
      %dma_wait3A_129 = arith.constant 0 : i32
      %dma_wait3A_130 = tpu.memref_slice %arg2[%dma_wait3A_128, %dma_wait3A_129] : memref<10000x128xf32, #tpu.memory_space<hbm>> -> memref<128x128xf32, #tpu.memory_space<hbm>>
      %dma_wait3A_131 = arith.constant 0 : i32
      %dma_wait3A_132 = arith.constant 0 : i32
      %dma_wait3A_133 = tpu.memref_slice %arg2[%dma_wait3A_131, %dma_wait3A_132] : memref<10000x128xf32, #tpu.memory_space<hbm>> -> memref<128x128xf32, #tpu.memory_space<hbm>>
      tpu.wait_dma2 semaphore(%arg12 : memref<!tpu.dma_semaphore, #tpu.memory_space<semaphore_mem>>) src(%dma_wait3A_133 : memref<128x128xf32, #tpu.memory_space<hbm>>) dst(%arg9 : memref<128x128xf32, #tpu.memory_space<vmem>>)
      %mul3A_134 = arith.constant 2 : i32
      %mul3A_135 = arith.muli %mul3A_134, %scan3A_127 : i32
      %add3A_136 = arith.addi %sub3A_87, %mul3A_135 : i32
      "tpu.region"() ({
        %run_scoped3A = tpu.sem_alloc : memref<!tpu.dma_semaphore, #tpu.memory_space<semaphore_mem>>
        %dma_start3A_174 = arith.constant 0 : i32
        %dma_start3A_175 = tpu.memref_slice %arg8[%add3A_136, %dma_start3A_174] : memref<48x128xi32, #tpu.memory_space<vmem>> -> memref<1x128xi32, #tpu.memory_space<vmem>>
        %dma_start3A_176 = tpu.memref_squeeze %dma_start3A_175 : memref<1x128xi32, #tpu.memory_space<vmem>> -> memref<128xi32, #tpu.memory_space<vmem>>
        %dma_start3A_177 = arith.constant 0 : i32
        %dma_start3A_178 = arith.constant 0 : i32
        %dma_start3A_179 = tpu.memref_slice %arg11[%dma_start3A_177, %dma_start3A_178] : memref<10240x128xf32, #tpu.memory_space<vmem_shared>> -> memref<10240x128xf32, #tpu.memory_space<vmem_shared>>
        tpu.enqueue_indirect_dma source(%arg9 : memref<128x128xf32, #tpu.memory_space<vmem>>) target(%dma_start3A_179 : memref<10240x128xf32, #tpu.memory_space<vmem_shared>>) offsets(%dma_start3A_176 : memref<128xi32, #tpu.memory_space<vmem>>) semaphore(%run_scoped3A : memref<!tpu.dma_semaphore, #tpu.memory_space<semaphore_mem>>) {add = true}
        %dma_wait3A_180 = arith.constant 0 : i32
        %dma_wait3A_181 = tpu.memref_slice %arg8[%add3A_136, %dma_wait3A_180] : memref<48x128xi32, #tpu.memory_space<vmem>> -> memref<1x128xi32, #tpu.memory_space<vmem>>
        %dma_wait3A_182 = tpu.memref_squeeze %dma_wait3A_181 : memref<1x128xi32, #tpu.memory_space<vmem>> -> memref<128xi32, #tpu.memory_space<vmem>>
        %dma_wait3A_183 = arith.constant 0 : i32
        %dma_wait3A_184 = arith.constant 0 : i32
        %dma_wait3A_185 = tpu.memref_slice %arg11[%dma_wait3A_183, %dma_wait3A_184] : memref<10240x128xf32, #tpu.memory_space<vmem_shared>> -> memref<10240x128xf32, #tpu.memory_space<vmem_shared>>
        tpu.wait_indirect_dma semaphore(%run_scoped3A : memref<!tpu.dma_semaphore, #tpu.memory_space<semaphore_mem>>) src(%arg9 : memref<128x128xf32, #tpu.memory_space<vmem>>) dst(%dma_wait3A_185 : memref<10240x128xf32, #tpu.memory_space<vmem_shared>>)
        tpu.yield
      }) : () -> ()
      %mul3A_137 = arith.constant 2 : i32
      %mul3A_138 = arith.muli %mul3A_137, %scan3A_127 : i32
      %add3A_139 = arith.constant 2 : i32
      %add3A_140 = arith.addi %mul3A_138, %add3A_139 : i32
      %min3A_141 = arith.constant 37 : i32
      %min3A_142 = arith.minsi %add3A_140, %min3A_141 : i32
      %add3A_143 = arith.addi %sub3A_87, %min3A_142 : i32
      %dma_start3A_144 = arith.constant 0 : i32
      %dma_start3A_145 = tpu.memref_slice %arg7[%add3A_143, %dma_start3A_144] : memref<48x128xi32, #tpu.memory_space<vmem>> -> memref<1x128xi32, #tpu.memory_space<vmem>>
      %dma_start3A_146 = tpu.memref_squeeze %dma_start3A_145 : memref<1x128xi32, #tpu.memory_space<vmem>> -> memref<128xi32, #tpu.memory_space<vmem>>
      %dma_start3A_147 = arith.constant 0 : i32
      %dma_start3A_148 = arith.constant 0 : i32
      %dma_start3A_149 = tpu.memref_slice %arg2[%dma_start3A_147, %dma_start3A_148] : memref<10000x128xf32, #tpu.memory_space<hbm>> -> memref<10000x128xf32, #tpu.memory_space<hbm>>
      tpu.enqueue_indirect_dma source(%dma_start3A_149 : memref<10000x128xf32, #tpu.memory_space<hbm>>) target(%arg9 : memref<128x128xf32, #tpu.memory_space<vmem>>) offsets(%dma_start3A_146 : memref<128xi32, #tpu.memory_space<vmem>>) semaphore(%arg12 : memref<!tpu.dma_semaphore, #tpu.memory_space<semaphore_mem>>)
      %dma_wait3A_150 = arith.constant 0 : i32
      %dma_wait3A_151 = arith.constant 0 : i32
      %dma_wait3A_152 = tpu.memref_slice %arg2[%dma_wait3A_150, %dma_wait3A_151] : memref<10000x128xf32, #tpu.memory_space<hbm>> -> memref<128x128xf32, #tpu.memory_space<hbm>>
      %dma_wait3A_153 = arith.constant 0 : i32
      %dma_wait3A_154 = arith.constant 0 : i32
      %dma_wait3A_155 = tpu.memref_slice %arg2[%dma_wait3A_153, %dma_wait3A_154] : memref<10000x128xf32, #tpu.memory_space<hbm>> -> memref<128x128xf32, #tpu.memory_space<hbm>>
      tpu.wait_dma2 semaphore(%arg13 : memref<!tpu.dma_semaphore, #tpu.memory_space<semaphore_mem>>) src(%dma_wait3A_155 : memref<128x128xf32, #tpu.memory_space<hbm>>) dst(%arg10 : memref<128x128xf32, #tpu.memory_space<vmem>>)
      %mul3A_156 = arith.constant 2 : i32
      %mul3A_157 = arith.muli %mul3A_156, %scan3A_127 : i32
      %add3A_158 = arith.addi %sub3A_87, %mul3A_157 : i32
      %add3A_159 = arith.constant 1 : i32
      %add3A_160 = arith.addi %add3A_158, %add3A_159 : i32
      "tpu.region"() ({
        %run_scoped3A = tpu.sem_alloc : memref<!tpu.dma_semaphore, #tpu.memory_space<semaphore_mem>>
        %dma_start3A_174 = arith.constant 0 : i32
        %dma_start3A_175 = tpu.memref_slice %arg8[%add3A_160, %dma_start3A_174] : memref<48x128xi32, #tpu.memory_space<vmem>> -> memref<1x128xi32, #tpu.memory_space<vmem>>
        %dma_start3A_176 = tpu.memref_squeeze %dma_start3A_175 : memref<1x128xi32, #tpu.memory_space<vmem>> -> memref<128xi32, #tpu.memory_space<vmem>>
        %dma_start3A_177 = arith.constant 0 : i32
        %dma_start3A_178 = arith.constant 0 : i32
        %dma_start3A_179 = tpu.memref_slice %arg11[%dma_start3A_177, %dma_start3A_178] : memref<10240x128xf32, #tpu.memory_space<vmem_shared>> -> memref<10240x128xf32, #tpu.memory_space<vmem_shared>>
        tpu.enqueue_indirect_dma source(%arg10 : memref<128x128xf32, #tpu.memory_space<vmem>>) target(%dma_start3A_179 : memref<10240x128xf32, #tpu.memory_space<vmem_shared>>) offsets(%dma_start3A_176 : memref<128xi32, #tpu.memory_space<vmem>>) semaphore(%run_scoped3A : memref<!tpu.dma_semaphore, #tpu.memory_space<semaphore_mem>>) {add = true}
        %dma_wait3A_180 = arith.constant 0 : i32
        %dma_wait3A_181 = tpu.memref_slice %arg8[%add3A_160, %dma_wait3A_180] : memref<48x128xi32, #tpu.memory_space<vmem>> -> memref<1x128xi32, #tpu.memory_space<vmem>>
        %dma_wait3A_182 = tpu.memref_squeeze %dma_wait3A_181 : memref<1x128xi32, #tpu.memory_space<vmem>> -> memref<128xi32, #tpu.memory_space<vmem>>
        %dma_wait3A_183 = arith.constant 0 : i32
        %dma_wait3A_184 = arith.constant 0 : i32
        %dma_wait3A_185 = tpu.memref_slice %arg11[%dma_wait3A_183, %dma_wait3A_184] : memref<10240x128xf32, #tpu.memory_space<vmem_shared>> -> memref<10240x128xf32, #tpu.memory_space<vmem_shared>>
        tpu.wait_indirect_dma semaphore(%run_scoped3A : memref<!tpu.dma_semaphore, #tpu.memory_space<semaphore_mem>>) src(%arg10 : memref<128x128xf32, #tpu.memory_space<vmem>>) dst(%dma_wait3A_185 : memref<10240x128xf32, #tpu.memory_space<vmem_shared>>)
        tpu.yield
      }) : () -> ()
      %mul3A_161 = arith.constant 2 : i32
      %mul3A_162 = arith.muli %mul3A_161, %scan3A_127 : i32
      %add3A_163 = arith.constant 3 : i32
      %add3A_164 = arith.addi %mul3A_162, %add3A_163 : i32
      %min3A_165 = arith.constant 37 : i32
      %min3A_166 = arith.minsi %add3A_164, %min3A_165 : i32
      %add3A_167 = arith.addi %sub3A_87, %min3A_166 : i32
      %dma_start3A_168 = arith.constant 0 : i32
      %dma_start3A_169 = tpu.memref_slice %arg7[%add3A_167, %dma_start3A_168] : memref<48x128xi32, #tpu.memory_space<vmem>> -> memref<1x128xi32, #tpu.memory_space<vmem>>
      %dma_start3A_170 = tpu.memref_squeeze %dma_start3A_169 : memref<1x128xi32, #tpu.memory_space<vmem>> -> memref<128xi32, #tpu.memory_space<vmem>>
      %dma_start3A_171 = arith.constant 0 : i32
      %dma_start3A_172 = arith.constant 0 : i32
      %dma_start3A_173 = tpu.memref_slice %arg2[%dma_start3A_171, %dma_start3A_172] : memref<10000x128xf32, #tpu.memory_space<hbm>> -> memref<10000x128xf32, #tpu.memory_space<hbm>>
      tpu.enqueue_indirect_dma source(%dma_start3A_173 : memref<10000x128xf32, #tpu.memory_space<hbm>>) target(%arg10 : memref<128x128xf32, #tpu.memory_space<vmem>>) offsets(%dma_start3A_170 : memref<128xi32, #tpu.memory_space<vmem>>) semaphore(%arg13 : memref<!tpu.dma_semaphore, #tpu.memory_space<semaphore_mem>>)
    }
    %scan3A_107 = arith.constant 19 : i32
    %dma_wait3A_108 = arith.constant 0 : i32
    %dma_wait3A_109 = arith.constant 0 : i32
    %dma_wait3A_110 = tpu.memref_slice %arg2[%dma_wait3A_108, %dma_wait3A_109] : memref<10000x128xf32, #tpu.memory_space<hbm>> -> memref<128x128xf32, #tpu.memory_space<hbm>>
    %dma_wait3A_111 = arith.constant 0 : i32
    %dma_wait3A_112 = arith.constant 0 : i32
    %dma_wait3A_113 = tpu.memref_slice %arg2[%dma_wait3A_111, %dma_wait3A_112] : memref<10000x128xf32, #tpu.memory_space<hbm>> -> memref<128x128xf32, #tpu.memory_space<hbm>>
    tpu.wait_dma2 semaphore(%arg12 : memref<!tpu.dma_semaphore, #tpu.memory_space<semaphore_mem>>) src(%dma_wait3A_113 : memref<128x128xf32, #tpu.memory_space<hbm>>) dst(%arg9 : memref<128x128xf32, #tpu.memory_space<vmem>>)
    %dma_wait3A_114 = arith.constant 0 : i32
    %dma_wait3A_115 = arith.constant 0 : i32
    %dma_wait3A_116 = tpu.memref_slice %arg2[%dma_wait3A_114, %dma_wait3A_115] : memref<10000x128xf32, #tpu.memory_space<hbm>> -> memref<128x128xf32, #tpu.memory_space<hbm>>
    %dma_wait3A_117 = arith.constant 0 : i32
    %dma_wait3A_118 = arith.constant 0 : i32
    %dma_wait3A_119 = tpu.memref_slice %arg2[%dma_wait3A_117, %dma_wait3A_118] : memref<10000x128xf32, #tpu.memory_space<hbm>> -> memref<128x128xf32, #tpu.memory_space<hbm>>
    tpu.wait_dma2 semaphore(%arg13 : memref<!tpu.dma_semaphore, #tpu.memory_space<semaphore_mem>>) src(%dma_wait3A_119 : memref<128x128xf32, #tpu.memory_space<hbm>>) dst(%arg10 : memref<128x128xf32, #tpu.memory_space<vmem>>)
    %lt3A = arith.constant 4 : i32
    %lt3A_120 = arith.cmpi slt, %add3A, %lt3A : i32
    %convert_element_type3A = arith.extui %lt3A_120 : i1 to i32
    %cond3A = arith.constant 0 : i32
    %cond3A_121 = arith.cmpi ne, %convert_element_type3A, %cond3A : i32
    scf.if %cond3A_121 {
      "tpu.region"() ({
        %run_scoped3A = tpu.sem_alloc : memref<!tpu.dma_semaphore, #tpu.memory_space<semaphore_mem>>
        %dma_start3A_131 = arith.constant 0 : i32
        %dma_start3A_132 = arith.constant 0 : i32
        %dma_start3A_133 = tpu.memref_slice %arg7[%dma_start3A_131, %dma_start3A_132] : memref<48x128xi32, #tpu.memory_space<vmem>> -> memref<8x128xi32, #tpu.memory_space<vmem>>
        %dma_start3A_134 = arith.constant 2496 : i32
        %dma_start3A_135 = arith.constant 0 : i32
        %dma_start3A_136 = tpu.memref_slice %arg3[%dma_start3A_134, %dma_start3A_135] : memref<2504x128xi32, #tpu.memory_space<hbm>> -> memref<8x128xi32, #tpu.memory_space<hbm>>
        %dma_start3A_137 = arith.constant 0 : i32
        %dma_start3A_138 = arith.constant 0 : i32
        %dma_start3A_139 = tpu.memref_slice %arg7[%dma_start3A_137, %dma_start3A_138] : memref<48x128xi32, #tpu.memory_space<vmem>> -> memref<8x128xi32, #tpu.memory_space<vmem>>
        %dma_start3A_140 = arith.constant 2496 : i32
        %dma_start3A_141 = arith.constant 0 : i32
        %dma_start3A_142 = tpu.memref_slice %arg3[%dma_start3A_140, %dma_start3A_141] : memref<2504x128xi32, #tpu.memory_space<hbm>> -> memref<8x128xi32, #tpu.memory_space<hbm>>
        tpu.enqueue_dma source(%dma_start3A_142 : memref<8x128xi32, #tpu.memory_space<hbm>>) target(%dma_start3A_139 : memref<8x128xi32, #tpu.memory_space<vmem>>) target_semaphore(%run_scoped3A : memref<!tpu.dma_semaphore, #tpu.memory_space<semaphore_mem>>)
        %dma_wait3A_143 = arith.constant 0 : i32
        %dma_wait3A_144 = arith.constant 0 : i32
        %dma_wait3A_145 = tpu.memref_slice %arg7[%dma_wait3A_143, %dma_wait3A_144] : memref<48x128xi32, #tpu.memory_space<vmem>> -> memref<8x128xi32, #tpu.memory_space<vmem>>
        %dma_wait3A_146 = arith.constant 2496 : i32
        %dma_wait3A_147 = arith.constant 0 : i32
        %dma_wait3A_148 = tpu.memref_slice %arg3[%dma_wait3A_146, %dma_wait3A_147] : memref<2504x128xi32, #tpu.memory_space<hbm>> -> memref<8x128xi32, #tpu.memory_space<hbm>>
        %dma_wait3A_149 = arith.constant 0 : i32
        %dma_wait3A_150 = arith.constant 0 : i32
        %dma_wait3A_151 = tpu.memref_slice %arg7[%dma_wait3A_149, %dma_wait3A_150] : memref<48x128xi32, #tpu.memory_space<vmem>> -> memref<8x128xi32, #tpu.memory_space<vmem>>
        %dma_wait3A_152 = arith.constant 2496 : i32
        %dma_wait3A_153 = arith.constant 0 : i32
        %dma_wait3A_154 = tpu.memref_slice %arg3[%dma_wait3A_152, %dma_wait3A_153] : memref<2504x128xi32, #tpu.memory_space<hbm>> -> memref<8x128xi32, #tpu.memory_space<hbm>>
        tpu.wait_dma2 semaphore(%run_scoped3A : memref<!tpu.dma_semaphore, #tpu.memory_space<semaphore_mem>>) src(%dma_wait3A_154 : memref<8x128xi32, #tpu.memory_space<hbm>>) dst(%dma_wait3A_151 : memref<8x128xi32, #tpu.memory_space<vmem>>)
        tpu.yield
      }) : () -> ()
      "tpu.region"() ({
        %run_scoped3A = tpu.sem_alloc : memref<!tpu.dma_semaphore, #tpu.memory_space<semaphore_mem>>
        %dma_start3A_131 = arith.constant 0 : i32
        %dma_start3A_132 = arith.constant 0 : i32
        %dma_start3A_133 = tpu.memref_slice %arg8[%dma_start3A_131, %dma_start3A_132] : memref<48x128xi32, #tpu.memory_space<vmem>> -> memref<8x128xi32, #tpu.memory_space<vmem>>
        %dma_start3A_134 = arith.constant 2496 : i32
        %dma_start3A_135 = arith.constant 0 : i32
        %dma_start3A_136 = tpu.memref_slice %arg4[%dma_start3A_134, %dma_start3A_135] : memref<2504x128xi32, #tpu.memory_space<hbm>> -> memref<8x128xi32, #tpu.memory_space<hbm>>
        %dma_start3A_137 = arith.constant 0 : i32
        %dma_start3A_138 = arith.constant 0 : i32
        %dma_start3A_139 = tpu.memref_slice %arg8[%dma_start3A_137, %dma_start3A_138] : memref<48x128xi32, #tpu.memory_space<vmem>> -> memref<8x128xi32, #tpu.memory_space<vmem>>
        %dma_start3A_140 = arith.constant 2496 : i32
        %dma_start3A_141 = arith.constant 0 : i32
        %dma_start3A_142 = tpu.memref_slice %arg4[%dma_start3A_140, %dma_start3A_141] : memref<2504x128xi32, #tpu.memory_space<hbm>> -> memref<8x128xi32, #tpu.memory_space<hbm>>
        tpu.enqueue_dma source(%dma_start3A_142 : memref<8x128xi32, #tpu.memory_space<hbm>>) target(%dma_start3A_139 : memref<8x128xi32, #tpu.memory_space<vmem>>) target_semaphore(%run_scoped3A : memref<!tpu.dma_semaphore, #tpu.memory_space<semaphore_mem>>)
        %dma_wait3A_143 = arith.constant 0 : i32
        %dma_wait3A_144 = arith.constant 0 : i32
        %dma_wait3A_145 = tpu.memref_slice %arg8[%dma_wait3A_143, %dma_wait3A_144] : memref<48x128xi32, #tpu.memory_space<vmem>> -> memref<8x128xi32, #tpu.memory_space<vmem>>
        %dma_wait3A_146 = arith.constant 2496 : i32
        %dma_wait3A_147 = arith.constant 0 : i32
        %dma_wait3A_148 = tpu.memref_slice %arg4[%dma_wait3A_146, %dma_wait3A_147] : memref<2504x128xi32, #tpu.memory_space<hbm>> -> memref<8x128xi32, #tpu.memory_space<hbm>>
        %dma_wait3A_149 = arith.constant 0 : i32
        %dma_wait3A_150 = arith.constant 0 : i32
        %dma_wait3A_151 = tpu.memref_slice %arg8[%dma_wait3A_149, %dma_wait3A_150] : memref<48x128xi32, #tpu.memory_space<vmem>> -> memref<8x128xi32, #tpu.memory_space<vmem>>
        %dma_wait3A_152 = arith.constant 2496 : i32
        %dma_wait3A_153 = arith.constant 0 : i32
        %dma_wait3A_154 = tpu.memref_slice %arg4[%dma_wait3A_152, %dma_wait3A_153] : memref<2504x128xi32, #tpu.memory_space<hbm>> -> memref<8x128xi32, #tpu.memory_space<hbm>>
        tpu.wait_dma2 semaphore(%run_scoped3A : memref<!tpu.dma_semaphore, #tpu.memory_space<semaphore_mem>>) src(%dma_wait3A_154 : memref<8x128xi32, #tpu.memory_space<hbm>>) dst(%dma_wait3A_151 : memref<8x128xi32, #tpu.memory_space<vmem>>)
        tpu.yield
      }) : () -> ()
      %add3A_127 = arith.constant 0 : i32
      %add3A_128 = arith.addi %add3A_127, %add3A : i32
      "tpu.region"() ({
        %run_scoped3A = tpu.sem_alloc : memref<!tpu.dma_semaphore, #tpu.memory_space<semaphore_mem>>
        %dma_start3A_131 = arith.constant 0 : i32
        %dma_start3A_132 = tpu.memref_slice %arg7[%add3A_128, %dma_start3A_131] : memref<48x128xi32, #tpu.memory_space<vmem>> -> memref<1x128xi32, #tpu.memory_space<vmem>>
        %dma_start3A_133 = tpu.memref_squeeze %dma_start3A_132 : memref<1x128xi32, #tpu.memory_space<vmem>> -> memref<128xi32, #tpu.memory_space<vmem>>
        %dma_start3A_134 = arith.constant 0 : i32
        %dma_start3A_135 = arith.constant 0 : i32
        %dma_start3A_136 = tpu.memref_slice %arg2[%dma_start3A_134, %dma_start3A_135] : memref<10000x128xf32, #tpu.memory_space<hbm>> -> memref<10000x128xf32, #tpu.memory_space<hbm>>
        tpu.enqueue_indirect_dma source(%dma_start3A_136 : memref<10000x128xf32, #tpu.memory_space<hbm>>) target(%arg9 : memref<128x128xf32, #tpu.memory_space<vmem>>) offsets(%dma_start3A_133 : memref<128xi32, #tpu.memory_space<vmem>>) semaphore(%run_scoped3A : memref<!tpu.dma_semaphore, #tpu.memory_space<semaphore_mem>>)
        %dma_wait3A_137 = arith.constant 0 : i32
        %dma_wait3A_138 = tpu.memref_slice %arg7[%add3A_128, %dma_wait3A_137] : memref<48x128xi32, #tpu.memory_space<vmem>> -> memref<1x128xi32, #tpu.memory_space<vmem>>
        %dma_wait3A_139 = tpu.memref_squeeze %dma_wait3A_138 : memref<1x128xi32, #tpu.memory_space<vmem>> -> memref<128xi32, #tpu.memory_space<vmem>>
        %dma_wait3A_140 = arith.constant 0 : i32
        %dma_wait3A_141 = arith.constant 0 : i32
        %dma_wait3A_142 = tpu.memref_slice %arg2[%dma_wait3A_140, %dma_wait3A_141] : memref<10000x128xf32, #tpu.memory_space<hbm>> -> memref<10000x128xf32, #tpu.memory_space<hbm>>
        tpu.wait_indirect_dma semaphore(%run_scoped3A : memref<!tpu.dma_semaphore, #tpu.memory_space<semaphore_mem>>) src(%dma_wait3A_142 : memref<10000x128xf32, #tpu.memory_space<hbm>>) dst(%arg9 : memref<128x128xf32, #tpu.memory_space<vmem>>)
        tpu.yield
      }) : () -> ()
      %add3A_129 = arith.constant 0 : i32
      %add3A_130 = arith.addi %add3A_129, %add3A : i32
      "tpu.region"() ({
        %run_scoped3A = tpu.sem_alloc : memref<!tpu.dma_semaphore, #tpu.memory_space<semaphore_mem>>
        %dma_start3A_131 = arith.constant 0 : i32
        %dma_start3A_132 = tpu.memref_slice %arg8[%add3A_130, %dma_start3A_131] : memref<48x128xi32, #tpu.memory_space<vmem>> -> memref<1x128xi32, #tpu.memory_space<vmem>>
        %dma_start3A_133 = tpu.memref_squeeze %dma_start3A_132 : memref<1x128xi32, #tpu.memory_space<vmem>> -> memref<128xi32, #tpu.memory_space<vmem>>
        %dma_start3A_134 = arith.constant 0 : i32
        %dma_start3A_135 = arith.constant 0 : i32
        %dma_start3A_136 = tpu.memref_slice %arg11[%dma_start3A_134, %dma_start3A_135] : memref<10240x128xf32, #tpu.memory_space<vmem_shared>> -> memref<10240x128xf32, #tpu.memory_space<vmem_shared>>
        tpu.enqueue_indirect_dma source(%arg9 : memref<128x128xf32, #tpu.memory_space<vmem>>) target(%dma_start3A_136 : memref<10240x128xf32, #tpu.memory_space<vmem_shared>>) offsets(%dma_start3A_133 : memref<128xi32, #tpu.memory_space<vmem>>) semaphore(%run_scoped3A : memref<!tpu.dma_semaphore, #tpu.memory_space<semaphore_mem>>) {add = true}
        %dma_wait3A_137 = arith.constant 0 : i32
        %dma_wait3A_138 = tpu.memref_slice %arg8[%add3A_130, %dma_wait3A_137] : memref<48x128xi32, #tpu.memory_space<vmem>> -> memref<1x128xi32, #tpu.memory_space<vmem>>
        %dma_wait3A_139 = tpu.memref_squeeze %dma_wait3A_138 : memref<1x128xi32, #tpu.memory_space<vmem>> -> memref<128xi32, #tpu.memory_space<vmem>>
        %dma_wait3A_140 = arith.constant 0 : i32
        %dma_wait3A_141 = arith.constant 0 : i32
        %dma_wait3A_142 = tpu.memref_slice %arg11[%dma_wait3A_140, %dma_wait3A_141] : memref<10240x128xf32, #tpu.memory_space<vmem_shared>> -> memref<10240x128xf32, #tpu.memory_space<vmem_shared>>
        tpu.wait_indirect_dma semaphore(%run_scoped3A : memref<!tpu.dma_semaphore, #tpu.memory_space<semaphore_mem>>) src(%arg9 : memref<128x128xf32, #tpu.memory_space<vmem>>) dst(%dma_wait3A_142 : memref<10240x128xf32, #tpu.memory_space<vmem_shared>>)
        tpu.yield
      }) : () -> ()
    } else {
    }
    %barrier3A_122 = arith.constant 0 : index
    tpu.barrier barrier_id(%barrier3A_122)
    %mul3A_123 = arith.constant 640 : i32
    %mul3A_124 = arith.muli %arg1, %mul3A_123 : i32
    %mul3A_125 = arith.constant 640 : i32
    %mul3A_126 = arith.muli %arg1, %mul3A_125 : i32
    "tpu.region"() ({
      %run_scoped3A = tpu.sem_alloc : memref<!tpu.dma_semaphore, #tpu.memory_space<semaphore_mem>>
      %dma_start3A_127 = arith.constant 0 : i32
      %dma_start3A_128 = tpu.memref_slice %arg6[%arg0, %mul3A_126, %dma_start3A_127] : memref<2x10240x128xf32, #tpu.memory_space<hbm>> -> memref<1x640x128xf32, #tpu.memory_space<hbm>>
      %dma_start3A_129 = tpu.memref_squeeze %dma_start3A_128 : memref<1x640x128xf32, #tpu.memory_space<hbm>> -> memref<640x128xf32, #tpu.memory_space<hbm>>
      %dma_start3A_130 = arith.constant 0 : i32
      %dma_start3A_131 = tpu.memref_slice %arg11[%mul3A_124, %dma_start3A_130] : memref<10240x128xf32, #tpu.memory_space<vmem_shared>> -> memref<640x128xf32, #tpu.memory_space<vmem_shared>>
      tpu.enqueue_dma source(%dma_start3A_131 : memref<640x128xf32, #tpu.memory_space<vmem_shared>>) target(%dma_start3A_129 : memref<640x128xf32, #tpu.memory_space<hbm>>) target_semaphore(%run_scoped3A : memref<!tpu.dma_semaphore, #tpu.memory_space<semaphore_mem>>)
      %dma_wait3A_132 = arith.constant 0 : i32
      %dma_wait3A_133 = tpu.memref_slice %arg6[%arg0, %mul3A_126, %dma_wait3A_132] : memref<2x10240x128xf32, #tpu.memory_space<hbm>> -> memref<1x640x128xf32, #tpu.memory_space<hbm>>
      %dma_wait3A_134 = tpu.memref_squeeze %dma_wait3A_133 : memref<1x640x128xf32, #tpu.memory_space<hbm>> -> memref<640x128xf32, #tpu.memory_space<hbm>>
      %dma_wait3A_135 = arith.constant 0 : i32
      %dma_wait3A_136 = tpu.memref_slice %arg11[%mul3A_124, %dma_wait3A_135] : memref<10240x128xf32, #tpu.memory_space<vmem_shared>> -> memref<640x128xf32, #tpu.memory_space<vmem_shared>>
      tpu.wait_dma2 semaphore(%run_scoped3A : memref<!tpu.dma_semaphore, #tpu.memory_space<semaphore_mem>>) src(%dma_wait3A_136 : memref<640x128xf32, #tpu.memory_space<vmem_shared>>) dst(%dma_wait3A_134 : memref<640x128xf32, #tpu.memory_space<hbm>>)
      tpu.yield
    }) : () -> ()
    return
  }
}

module attributes {stable_mosaic.version = 14 : i64} {
  func.func @_mlp_block(%arg0: i32, %arg1: memref<1024x128xf32, #tpu.memory_space<vmem>>, %arg2: memref<1024x1xi32, #tpu.memory_space<vmem>>, %arg3: memref<128x128xf32, #tpu.memory_space<vmem>>, %arg4: memref<128x512xf32, #tpu.memory_space<vmem>>, %arg5: memref<128x512xf32, #tpu.memory_space<vmem>>, %arg6: memref<1x512xf32, #tpu.memory_space<vmem>>, %arg7: memref<1x512xf32, #tpu.memory_space<vmem>>, %arg8: memref<1x512xf32, #tpu.memory_space<vmem>>, %arg9: memref<512x128xf32, #tpu.memory_space<vmem>>, %arg10: memref<1x128xf32, #tpu.memory_space<vmem>>, %arg11: memref<1024x128xf32, #tpu.memory_space<vmem>>) attributes {dimension_semantics = [#tpu.dimension_semantics<arbitrary>], iteration_bounds = array<i64: 10>, scalar_prefetch = 0 : i64, scratch_operands = 0 : i64, tpu.core_type = #tpu.core_type<tc>, window_params = [{transform_indices = @transform_0, window_bounds = array<i64: 1024, 128>}, {transform_indices = @transform_1, window_bounds = array<i64: 1024, 1>}, {pipeline_mode = #tpu.pipeline_mode<synchronous>, transform_indices = @transform_2, window_bounds = array<i64: 128, 128>}, {pipeline_mode = #tpu.pipeline_mode<synchronous>, transform_indices = @transform_3, window_bounds = array<i64: 128, 512>}, {pipeline_mode = #tpu.pipeline_mode<synchronous>, transform_indices = @transform_4, window_bounds = array<i64: 128, 512>}, {pipeline_mode = #tpu.pipeline_mode<synchronous>, transform_indices = @transform_5, window_bounds = array<i64: 1, 512>}, {pipeline_mode = #tpu.pipeline_mode<synchronous>, transform_indices = @transform_6, window_bounds = array<i64: 1, 512>}, {pipeline_mode = #tpu.pipeline_mode<synchronous>, transform_indices = @transform_7, window_bounds = array<i64: 1, 512>}, {pipeline_mode = #tpu.pipeline_mode<synchronous>, transform_indices = @transform_8, window_bounds = array<i64: 512, 128>}, {pipeline_mode = #tpu.pipeline_mode<synchronous>, transform_indices = @transform_9, window_bounds = array<i64: 1, 128>}, {transform_indices = @transform_10, window_bounds = array<i64: 1024, 128>}]} {
    %get3A = arith.constant 0 : index
    %get3A_0 = arith.constant 0 : index
    %get3A_1 = vector.load %arg2[%get3A, %get3A_0] : memref<1024x1xi32, #tpu.memory_space<vmem>>, vector<1024x1xi32>
    %iota3A = tpu.iota {dimensions = array<i32: 1>} : vector<1024x128xi32>
    %eq3A = vector.broadcast %get3A_1 : vector<1024x1xi32> to vector<1024x128xi32>
    %eq3A_2 = arith.cmpi eq, %iota3A, %eq3A : vector<1024x128xi32>
    %convert_element_type3A = arith.extui %eq3A_2 : vector<1024x128xi1> to vector<1024x128xi32>
    %convert_element_type3A_3 = arith.sitofp %convert_element_type3A : vector<1024x128xi32> to vector<1024x128xf32>
    %get3A_4 = arith.constant 0 : index
    %get3A_5 = arith.constant 0 : index
    %get3A_6 = vector.load %arg3[%get3A_4, %get3A_5] : memref<128x128xf32, #tpu.memory_space<vmem>>, vector<128x128xf32>
    %dot_general3A = arith.constant dense<0.000000e+00> : vector<1024x128xf32>
    %dot_general3A_7 = tpu.matmul %convert_element_type3A_3, %get3A_6, %dot_general3A {dimension_numbers = #tpu.dot_dimension_numbers<[1], [0], [0], [1], [0, 0, 1, 1], [], []>, transpose_lhs_hint = false} : vector<1024x128xf32>, vector<128x128xf32>, vector<1024x128xf32> -> vector<1024x128xf32>
    %get3A_8 = arith.constant 0 : index
    %get3A_9 = arith.constant 0 : index
    %get3A_10 = vector.load %arg1[%get3A_8, %get3A_9] : memref<1024x128xf32, #tpu.memory_space<vmem>>, vector<1024x128xf32>
    %get3A_11 = arith.constant 0 : index
    %get3A_12 = arith.constant 0 : index
    %get3A_13 = vector.load %arg4[%get3A_11, %get3A_12] : memref<128x512xf32, #tpu.memory_space<vmem>>, vector<128x512xf32>
    %dot_general3A_14 = arith.constant dense<0.000000e+00> : vector<1024x512xf32>
    %dot_general3A_15 = tpu.matmul %get3A_10, %get3A_13, %dot_general3A_14 {dimension_numbers = #tpu.dot_dimension_numbers<[1], [0], [0], [1], [0, 0, 1, 1], [], []>, transpose_lhs_hint = false} : vector<1024x128xf32>, vector<128x512xf32>, vector<1024x512xf32> -> vector<1024x512xf32>
    %get3A_16 = arith.constant 0 : index
    %get3A_17 = arith.constant 0 : index
    %get3A_18 = vector.load %arg5[%get3A_16, %get3A_17] : memref<128x512xf32, #tpu.memory_space<vmem>>, vector<128x512xf32>
    %dot_general3A_19 = arith.constant dense<0.000000e+00> : vector<1024x512xf32>
    %dot_general3A_20 = tpu.matmul %dot_general3A_7, %get3A_18, %dot_general3A_19 {dimension_numbers = #tpu.dot_dimension_numbers<[1], [0], [0], [1], [0, 0, 1, 1], [], []>, transpose_lhs_hint = false} : vector<1024x128xf32>, vector<128x512xf32>, vector<1024x512xf32> -> vector<1024x512xf32>
    %add3A = arith.addf %dot_general3A_15, %dot_general3A_20 : vector<1024x512xf32>
    %get3A_21 = arith.constant 0 : index
    %get3A_22 = arith.constant 0 : index
    %get3A_23 = vector.load %arg6[%get3A_21, %get3A_22] : memref<1x512xf32, #tpu.memory_space<vmem>>, vector<1x512xf32>
    %add3A_24 = vector.broadcast %get3A_23 : vector<1x512xf32> to vector<1024x512xf32>
    %add3A_25 = arith.addf %add3A, %add3A_24 : vector<1024x512xf32>
    %reduce_sum3A = arith.constant dense<0.000000e+00> : vector<1024xf32>
    %reduce_sum3A_26 = vector.multi_reduction <add>, %add3A_25, %reduce_sum3A [1] : vector<1024x512xf32> to vector<1024xf32>
    %broadcast_in_dim3A = vector.shape_cast %reduce_sum3A_26 : vector<1024xf32> to vector<1024x1xf32>
    %div3A = arith.constant 5.120000e+02 : f32
    %div3A_27 = vector.broadcast %div3A : f32 to vector<1024x1xf32>
    %div3A_28 = arith.divf %broadcast_in_dim3A, %div3A_27 : vector<1024x1xf32>
    %sub3A = vector.broadcast %div3A_28 : vector<1024x1xf32> to vector<1024x512xf32>
    %sub3A_29 = arith.subf %add3A_25, %sub3A : vector<1024x512xf32>
    %mul3A = arith.mulf %sub3A_29, %sub3A_29 : vector<1024x512xf32>
    %reduce_sum3A_30 = arith.constant dense<0.000000e+00> : vector<1024xf32>
    %reduce_sum3A_31 = vector.multi_reduction <add>, %mul3A, %reduce_sum3A_30 [1] : vector<1024x512xf32> to vector<1024xf32>
    %broadcast_in_dim3A_32 = vector.shape_cast %reduce_sum3A_31 : vector<1024xf32> to vector<1024x1xf32>
    %div3A_33 = arith.constant 5.120000e+02 : f32
    %div3A_34 = vector.broadcast %div3A_33 : f32 to vector<1024x1xf32>
    %div3A_35 = arith.divf %broadcast_in_dim3A_32, %div3A_34 : vector<1024x1xf32>
    %add3A_36 = arith.constant 9.99999974E-6 : f32
    %add3A_37 = vector.broadcast %add3A_36 : f32 to vector<1024x1xf32>
    %add3A_38 = arith.addf %div3A_35, %add3A_37 : vector<1024x1xf32>
    %rsqrt3A = math.rsqrt %add3A_38 : vector<1024x1xf32>
    %mul3A_39 = vector.broadcast %rsqrt3A : vector<1024x1xf32> to vector<1024x512xf32>
    %mul3A_40 = arith.mulf %sub3A_29, %mul3A_39 : vector<1024x512xf32>
    %get3A_41 = arith.constant 0 : index
    %get3A_42 = arith.constant 0 : index
    %get3A_43 = vector.load %arg7[%get3A_41, %get3A_42] : memref<1x512xf32, #tpu.memory_space<vmem>>, vector<1x512xf32>
    %mul3A_44 = vector.broadcast %get3A_43 : vector<1x512xf32> to vector<1024x512xf32>
    %mul3A_45 = arith.mulf %mul3A_40, %mul3A_44 : vector<1024x512xf32>
    %get3A_46 = arith.constant 0 : index
    %get3A_47 = arith.constant 0 : index
    %get3A_48 = vector.load %arg8[%get3A_46, %get3A_47] : memref<1x512xf32, #tpu.memory_space<vmem>>, vector<1x512xf32>
    %add3A_49 = vector.broadcast %get3A_48 : vector<1x512xf32> to vector<1024x512xf32>
    %add3A_50 = arith.addf %mul3A_45, %add3A_49 : vector<1024x512xf32>
    %max3A = arith.constant 0.000000e+00 : f32
    %max3A_51 = vector.broadcast %max3A : f32 to vector<1024x512xf32>
    %max3A_52 = arith.maximumf %add3A_50, %max3A_51 : vector<1024x512xf32>
    %get3A_53 = arith.constant 0 : index
    %get3A_54 = arith.constant 0 : index
    %get3A_55 = vector.load %arg9[%get3A_53, %get3A_54] : memref<512x128xf32, #tpu.memory_space<vmem>>, vector<512x128xf32>
    %dot_general3A_56 = arith.constant dense<0.000000e+00> : vector<1024x128xf32>
    %dot_general3A_57 = tpu.matmul %max3A_52, %get3A_55, %dot_general3A_56 {dimension_numbers = #tpu.dot_dimension_numbers<[1], [0], [0], [1], [0, 0, 1, 1], [], []>, transpose_lhs_hint = false} : vector<1024x512xf32>, vector<512x128xf32>, vector<1024x128xf32> -> vector<1024x128xf32>
    %get3A_58 = arith.constant 0 : index
    %get3A_59 = arith.constant 0 : index
    %get3A_60 = vector.load %arg10[%get3A_58, %get3A_59] : memref<1x128xf32, #tpu.memory_space<vmem>>, vector<1x128xf32>
    %add3A_61 = vector.broadcast %get3A_60 : vector<1x128xf32> to vector<1024x128xf32>
    %add3A_62 = arith.addf %dot_general3A_57, %add3A_61 : vector<1024x128xf32>
    %swap3A = arith.constant 0 : index
    %swap3A_63 = arith.constant 0 : index
    %swap3A_64 = vector.load %arg11[%swap3A, %swap3A_63] : memref<1024x128xf32, #tpu.memory_space<vmem>>, vector<1024x128xf32>
    tpu.vector_store %arg11[%swap3A, %swap3A_63], %add3A_62 {strides = array<i32>} : memref<1024x128xf32, #tpu.memory_space<vmem>>, vector<1024x128xf32>,
    return
  }
  func.func @transform_0(%arg0: i32) -> (i32, i32) {
    %c0_i32 = arith.constant 0 : i32
    %c0_i32_0 = arith.constant 0 : i32
    return %arg0, %c0_i32 : i32, i32
  }
  func.func @transform_1(%arg0: i32) -> (i32, i32) {
    %c0_i32 = arith.constant 0 : i32
    %c0_i32_0 = arith.constant 0 : i32
    return %arg0, %c0_i32 : i32, i32
  }
  func.func @transform_2(%arg0: i32) -> (i32, i32) {
    %c0_i32 = arith.constant 0 : i32
    %c0_i32_0 = arith.constant 0 : i32
    %c0_i32_1 = arith.constant 0 : i32
    return %c0_i32, %c0_i32_0 : i32, i32
  }
  func.func @transform_3(%arg0: i32) -> (i32, i32) {
    %c0_i32 = arith.constant 0 : i32
    %c0_i32_0 = arith.constant 0 : i32
    %c0_i32_1 = arith.constant 0 : i32
    return %c0_i32, %c0_i32_0 : i32, i32
  }
  func.func @transform_4(%arg0: i32) -> (i32, i32) {
    %c0_i32 = arith.constant 0 : i32
    %c0_i32_0 = arith.constant 0 : i32
    %c0_i32_1 = arith.constant 0 : i32
    return %c0_i32, %c0_i32_0 : i32, i32
  }
  func.func @transform_5(%arg0: i32) -> (i32, i32) {
    %c0_i32 = arith.constant 0 : i32
    %c0_i32_0 = arith.constant 0 : i32
    %c0_i32_1 = arith.constant 0 : i32
    return %c0_i32, %c0_i32_0 : i32, i32
  }
  func.func @transform_6(%arg0: i32) -> (i32, i32) {
    %c0_i32 = arith.constant 0 : i32
    %c0_i32_0 = arith.constant 0 : i32
    %c0_i32_1 = arith.constant 0 : i32
    return %c0_i32, %c0_i32_0 : i32, i32
  }
  func.func @transform_7(%arg0: i32) -> (i32, i32) {
    %c0_i32 = arith.constant 0 : i32
    %c0_i32_0 = arith.constant 0 : i32
    %c0_i32_1 = arith.constant 0 : i32
    return %c0_i32, %c0_i32_0 : i32, i32
  }
  func.func @transform_8(%arg0: i32) -> (i32, i32) {
    %c0_i32 = arith.constant 0 : i32
    %c0_i32_0 = arith.constant 0 : i32
    %c0_i32_1 = arith.constant 0 : i32
    return %c0_i32, %c0_i32_0 : i32, i32
  }
  func.func @transform_9(%arg0: i32) -> (i32, i32) {
    %c0_i32 = arith.constant 0 : i32
    %c0_i32_0 = arith.constant 0 : i32
    %c0_i32_1 = arith.constant 0 : i32
    return %c0_i32, %c0_i32_0 : i32, i32
  }
  func.func @transform_10(%arg0: i32) -> (i32, i32) {
    %c0_i32 = arith.constant 0 : i32
    %c0_i32_0 = arith.constant 0 : i32
    return %arg0, %c0_i32 : i32, i32
  }
}

module attributes {stable_mosaic.version = 14 : i64} {
  func.func @_scale_block(%arg0: i32, %arg1: memref<1024x128xf32, #tpu.memory_space<vmem>>, %arg2: memref<1024x2xf32, #tpu.memory_space<vmem>>, %arg3: memref<1024x128xf32, #tpu.memory_space<vmem>>) attributes {dimension_semantics = [#tpu.dimension_semantics<arbitrary>], iteration_bounds = array<i64: 10>, scalar_prefetch = 0 : i64, scratch_operands = 0 : i64, tpu.core_type = #tpu.core_type<tc>, window_params = [{transform_indices = @transform_0, window_bounds = array<i64: 1024, 128>}, {transform_indices = @transform_1, window_bounds = array<i64: 1024, 2>}, {transform_indices = @transform_2, window_bounds = array<i64: 1024, 128>}]} {
    %get3A = arith.constant 0 : index
    %get3A_0 = arith.constant 0 : index
    %get3A_1 = vector.load %arg2[%get3A, %get3A_0] : memref<1024x2xf32, #tpu.memory_space<vmem>>, vector<1024x2xf32>
    %slice3A = vector.extract_strided_slice %get3A_1 {offsets = [0, 0], sizes = [1024, 1], strides = [1, 1]} : vector<1024x2xf32> to vector<1024x1xf32>
    %max3A = arith.constant 1.000000e+00 : f32
    %max3A_2 = vector.broadcast %max3A : f32 to vector<1024x1xf32>
    %max3A_3 = arith.maximumf %slice3A, %max3A_2 : vector<1024x1xf32>
    %rsqrt3A = math.rsqrt %max3A_3 : vector<1024x1xf32>
    %get3A_4 = arith.constant 0 : index
    %get3A_5 = arith.constant 0 : index
    %get3A_6 = vector.load %arg1[%get3A_4, %get3A_5] : memref<1024x128xf32, #tpu.memory_space<vmem>>, vector<1024x128xf32>
    %mul3A = vector.broadcast %rsqrt3A : vector<1024x1xf32> to vector<1024x128xf32>
    %mul3A_7 = arith.mulf %get3A_6, %mul3A : vector<1024x128xf32>
    %swap3A = arith.constant 0 : index
    %swap3A_8 = arith.constant 0 : index
    %swap3A_9 = vector.load %arg3[%swap3A, %swap3A_8] : memref<1024x128xf32, #tpu.memory_space<vmem>>, vector<1024x128xf32>
    tpu.vector_store %arg3[%swap3A, %swap3A_8], %mul3A_7 {strides = array<i32>} : memref<1024x128xf32, #tpu.memory_space<vmem>>, vector<1024x128xf32>,
    return
  }
  func.func @transform_0(%arg0: i32) -> (i32, i32) {
    %c0_i32 = arith.constant 0 : i32
    %c0_i32_0 = arith.constant 0 : i32
    return %arg0, %c0_i32 : i32, i32
  }
  func.func @transform_1(%arg0: i32) -> (i32, i32) {
    %c0_i32 = arith.constant 0 : i32
    %c0_i32_0 = arith.constant 0 : i32
    return %arg0, %c0_i32 : i32, i32
  }
  func.func @transform_2(%arg0: i32) -> (i32, i32) {
    %c0_i32 = arith.constant 0 : i32
    %c0_i32_0 = arith.constant 0 : i32
    return %arg0, %c0_i32 : i32, i32
  }
}

module attributes {stable_mosaic.version = 14 : i64} {
  func.func @_conv_mid_block(%arg0: i32, %arg1: memref<2x1024x128xf32, #tpu.memory_space<vmem>>, %arg2: memref<1024x2xf32, #tpu.memory_space<vmem>>, %arg3: memref<128x128xf32, #tpu.memory_space<vmem>>, %arg4: memref<1x128xf32, #tpu.memory_space<vmem>>, %arg5: memref<1024x128xf32, #tpu.memory_space<vmem>>) attributes {dimension_semantics = [#tpu.dimension_semantics<arbitrary>], iteration_bounds = array<i64: 10>, scalar_prefetch = 0 : i64, scratch_operands = 0 : i64, tpu.core_type = #tpu.core_type<tc>, window_params = [{transform_indices = @transform_0, window_bounds = array<i64: 2, 1024, 128>}, {transform_indices = @transform_1, window_bounds = array<i64: 1024, 2>}, {pipeline_mode = #tpu.pipeline_mode<synchronous>, transform_indices = @transform_2, window_bounds = array<i64: 128, 128>}, {pipeline_mode = #tpu.pipeline_mode<synchronous>, transform_indices = @transform_3, window_bounds = array<i64: 1, 128>}, {transform_indices = @transform_4, window_bounds = array<i64: 1024, 128>}]} {
    %get3A = arith.constant 0 : index
    %get3A_0 = arith.constant 0 : index
    %get3A_1 = arith.constant 0 : index
    %get3A_2 = vector.load %arg1[%get3A, %get3A_0, %get3A_1] : memref<2x1024x128xf32, #tpu.memory_space<vmem>>, vector<1x1024x128xf32>
    %get3A_3 = vector.shape_cast %get3A_2 : vector<1x1024x128xf32> to vector<1024x128xf32>
    %get3A_4 = arith.constant 1 : index
    %get3A_5 = arith.constant 0 : index
    %get3A_6 = arith.constant 0 : index
    %get3A_7 = vector.load %arg1[%get3A_4, %get3A_5, %get3A_6] : memref<2x1024x128xf32, #tpu.memory_space<vmem>>, vector<1x1024x128xf32>
    %get3A_8 = vector.shape_cast %get3A_7 : vector<1x1024x128xf32> to vector<1024x128xf32>
    %add3A = arith.addf %get3A_3, %get3A_8 : vector<1024x128xf32>
    %get3A_9 = arith.constant 0 : index
    %get3A_10 = arith.constant 0 : index
    %get3A_11 = vector.load %arg2[%get3A_9, %get3A_10] : memref<1024x2xf32, #tpu.memory_space<vmem>>, vector<1024x2xf32>
    %slice3A = vector.extract_strided_slice %get3A_11 {offsets = [0, 1], sizes = [1024, 1], strides = [1, 1]} : vector<1024x2xf32> to vector<1024x1xf32>
    %max3A = arith.constant 1.000000e+00 : f32
    %max3A_12 = vector.broadcast %max3A : f32 to vector<1024x1xf32>
    %max3A_13 = arith.maximumf %slice3A, %max3A_12 : vector<1024x1xf32>
    %rsqrt3A = math.rsqrt %max3A_13 : vector<1024x1xf32>
    %slice3A_14 = vector.extract_strided_slice %get3A_11 {offsets = [0, 0], sizes = [1024, 1], strides = [1, 1]} : vector<1024x2xf32> to vector<1024x1xf32>
    %max3A_15 = arith.constant 1.000000e+00 : f32
    %max3A_16 = vector.broadcast %max3A_15 : f32 to vector<1024x1xf32>
    %max3A_17 = arith.maximumf %slice3A_14, %max3A_16 : vector<1024x1xf32>
    %rsqrt3A_18 = math.rsqrt %max3A_17 : vector<1024x1xf32>
    %mul3A = vector.broadcast %rsqrt3A : vector<1024x1xf32> to vector<1024x128xf32>
    %mul3A_19 = arith.mulf %add3A, %mul3A : vector<1024x128xf32>
    %get3A_20 = arith.constant 0 : index
    %get3A_21 = arith.constant 0 : index
    %get3A_22 = vector.load %arg3[%get3A_20, %get3A_21] : memref<128x128xf32, #tpu.memory_space<vmem>>, vector<128x128xf32>
    %dot_general3A = arith.constant dense<0.000000e+00> : vector<1024x128xf32>
    %dot_general3A_23 = tpu.matmul %mul3A_19, %get3A_22, %dot_general3A {dimension_numbers = #tpu.dot_dimension_numbers<[1], [0], [0], [1], [0, 0, 1, 1], [], []>, transpose_lhs_hint = false} : vector<1024x128xf32>, vector<128x128xf32>, vector<1024x128xf32> -> vector<1024x128xf32>
    %get3A_24 = arith.constant 0 : index
    %get3A_25 = arith.constant 0 : index
    %get3A_26 = vector.load %arg4[%get3A_24, %get3A_25] : memref<1x128xf32, #tpu.memory_space<vmem>>, vector<1x128xf32>
    %add3A_27 = vector.broadcast %get3A_26 : vector<1x128xf32> to vector<1024x128xf32>
    %add3A_28 = arith.addf %dot_general3A_23, %add3A_27 : vector<1024x128xf32>
    %max3A_29 = arith.constant 0.000000e+00 : f32
    %max3A_30 = vector.broadcast %max3A_29 : f32 to vector<1024x128xf32>
    %max3A_31 = arith.maximumf %add3A_28, %max3A_30 : vector<1024x128xf32>
    %mul3A_32 = vector.broadcast %rsqrt3A_18 : vector<1024x1xf32> to vector<1024x128xf32>
    %mul3A_33 = arith.mulf %max3A_31, %mul3A_32 : vector<1024x128xf32>
    %swap3A = arith.constant 0 : index
    %swap3A_34 = arith.constant 0 : index
    %swap3A_35 = vector.load %arg5[%swap3A, %swap3A_34] : memref<1024x128xf32, #tpu.memory_space<vmem>>, vector<1024x128xf32>
    tpu.vector_store %arg5[%swap3A, %swap3A_34], %mul3A_33 {strides = array<i32>} : memref<1024x128xf32, #tpu.memory_space<vmem>>, vector<1024x128xf32>,
    return
  }
  func.func @transform_0(%arg0: i32) -> (i32, i32, i32) {
    %c0_i32 = arith.constant 0 : i32
    %c0_i32_0 = arith.constant 0 : i32
    %c0_i32_1 = arith.constant 0 : i32
    return %c0_i32, %arg0, %c0_i32_0 : i32, i32, i32
  }
  func.func @transform_1(%arg0: i32) -> (i32, i32) {
    %c0_i32 = arith.constant 0 : i32
    %c0_i32_0 = arith.constant 0 : i32
    return %arg0, %c0_i32 : i32, i32
  }
  func.func @transform_2(%arg0: i32) -> (i32, i32) {
    %c0_i32 = arith.constant 0 : i32
    %c0_i32_0 = arith.constant 0 : i32
    %c0_i32_1 = arith.constant 0 : i32
    return %c0_i32, %c0_i32_0 : i32, i32
  }
  func.func @transform_3(%arg0: i32) -> (i32, i32) {
    %c0_i32 = arith.constant 0 : i32
    %c0_i32_0 = arith.constant 0 : i32
    %c0_i32_1 = arith.constant 0 : i32
    return %c0_i32, %c0_i32_0 : i32, i32
  }
  func.func @transform_4(%arg0: i32) -> (i32, i32) {
    %c0_i32 = arith.constant 0 : i32
    %c0_i32_0 = arith.constant 0 : i32
    return %arg0, %c0_i32 : i32, i32
  }
}

module attributes {stable_mosaic.version = 14 : i64} {
  func.func @_conv_out_block(%arg0: i32, %arg1: memref<2x1024x128xf32, #tpu.memory_space<vmem>>, %arg2: memref<1024x2xf32, #tpu.memory_space<vmem>>, %arg3: memref<128x128xf32, #tpu.memory_space<vmem>>, %arg4: memref<1x128xf32, #tpu.memory_space<vmem>>, %arg5: memref<1024x128xf32, #tpu.memory_space<vmem>>) attributes {dimension_semantics = [#tpu.dimension_semantics<arbitrary>], iteration_bounds = array<i64: 10>, scalar_prefetch = 0 : i64, scratch_operands = 0 : i64, tpu.core_type = #tpu.core_type<tc>, window_params = [{transform_indices = @transform_0, window_bounds = array<i64: 2, 1024, 128>}, {transform_indices = @transform_1, window_bounds = array<i64: 1024, 2>}, {pipeline_mode = #tpu.pipeline_mode<synchronous>, transform_indices = @transform_2, window_bounds = array<i64: 128, 128>}, {pipeline_mode = #tpu.pipeline_mode<synchronous>, transform_indices = @transform_3, window_bounds = array<i64: 1, 128>}, {transform_indices = @transform_4, window_bounds = array<i64: 1024, 128>}]} {
    %get3A = arith.constant 0 : index
    %get3A_0 = arith.constant 0 : index
    %get3A_1 = arith.constant 0 : index
    %get3A_2 = vector.load %arg1[%get3A, %get3A_0, %get3A_1] : memref<2x1024x128xf32, #tpu.memory_space<vmem>>, vector<1x1024x128xf32>
    %get3A_3 = vector.shape_cast %get3A_2 : vector<1x1024x128xf32> to vector<1024x128xf32>
    %get3A_4 = arith.constant 1 : index
    %get3A_5 = arith.constant 0 : index
    %get3A_6 = arith.constant 0 : index
    %get3A_7 = vector.load %arg1[%get3A_4, %get3A_5, %get3A_6] : memref<2x1024x128xf32, #tpu.memory_space<vmem>>, vector<1x1024x128xf32>
    %get3A_8 = vector.shape_cast %get3A_7 : vector<1x1024x128xf32> to vector<1024x128xf32>
    %add3A = arith.addf %get3A_3, %get3A_8 : vector<1024x128xf32>
    %get3A_9 = arith.constant 0 : index
    %get3A_10 = arith.constant 0 : index
    %get3A_11 = vector.load %arg2[%get3A_9, %get3A_10] : memref<1024x2xf32, #tpu.memory_space<vmem>>, vector<1024x2xf32>
    %slice3A = vector.extract_strided_slice %get3A_11 {offsets = [0, 1], sizes = [1024, 1], strides = [1, 1]} : vector<1024x2xf32> to vector<1024x1xf32>
    %max3A = arith.constant 1.000000e+00 : f32
    %max3A_12 = vector.broadcast %max3A : f32 to vector<1024x1xf32>
    %max3A_13 = arith.maximumf %slice3A, %max3A_12 : vector<1024x1xf32>
    %rsqrt3A = math.rsqrt %max3A_13 : vector<1024x1xf32>
    %mul3A = vector.broadcast %rsqrt3A : vector<1024x1xf32> to vector<1024x128xf32>
    %mul3A_14 = arith.mulf %add3A, %mul3A : vector<1024x128xf32>
    %get3A_15 = arith.constant 0 : index
    %get3A_16 = arith.constant 0 : index
    %get3A_17 = vector.load %arg3[%get3A_15, %get3A_16] : memref<128x128xf32, #tpu.memory_space<vmem>>, vector<128x128xf32>
    %dot_general3A = arith.constant dense<0.000000e+00> : vector<1024x128xf32>
    %dot_general3A_18 = tpu.matmul %mul3A_14, %get3A_17, %dot_general3A {dimension_numbers = #tpu.dot_dimension_numbers<[1], [0], [0], [1], [0, 0, 1, 1], [], []>, transpose_lhs_hint = false} : vector<1024x128xf32>, vector<128x128xf32>, vector<1024x128xf32> -> vector<1024x128xf32>
    %get3A_19 = arith.constant 0 : index
    %get3A_20 = arith.constant 0 : index
    %get3A_21 = vector.load %arg4[%get3A_19, %get3A_20] : memref<1x128xf32, #tpu.memory_space<vmem>>, vector<1x128xf32>
    %add3A_22 = vector.broadcast %get3A_21 : vector<1x128xf32> to vector<1024x128xf32>
    %add3A_23 = arith.addf %dot_general3A_18, %add3A_22 : vector<1024x128xf32>
    %max3A_24 = arith.constant 0.000000e+00 : f32
    %max3A_25 = vector.broadcast %max3A_24 : f32 to vector<1024x128xf32>
    %max3A_26 = arith.maximumf %add3A_23, %max3A_25 : vector<1024x128xf32>
    %swap3A = arith.constant 0 : index
    %swap3A_27 = arith.constant 0 : index
    %swap3A_28 = vector.load %arg5[%swap3A, %swap3A_27] : memref<1024x128xf32, #tpu.memory_space<vmem>>, vector<1024x128xf32>
    tpu.vector_store %arg5[%swap3A, %swap3A_27], %max3A_26 {strides = array<i32>} : memref<1024x128xf32, #tpu.memory_space<vmem>>, vector<1024x128xf32>,
    return
  }
  func.func @transform_0(%arg0: i32) -> (i32, i32, i32) {
    %c0_i32 = arith.constant 0 : i32
    %c0_i32_0 = arith.constant 0 : i32
    %c0_i32_1 = arith.constant 0 : i32
    return %c0_i32, %arg0, %c0_i32_0 : i32, i32, i32
  }
  func.func @transform_1(%arg0: i32) -> (i32, i32) {
    %c0_i32 = arith.constant 0 : i32
    %c0_i32_0 = arith.constant 0 : i32
    return %arg0, %c0_i32 : i32, i32
  }
  func.func @transform_2(%arg0: i32) -> (i32, i32) {
    %c0_i32 = arith.constant 0 : i32
    %c0_i32_0 = arith.constant 0 : i32
    %c0_i32_1 = arith.constant 0 : i32
    return %c0_i32, %c0_i32_0 : i32, i32
  }
  func.func @transform_3(%arg0: i32) -> (i32, i32) {
    %c0_i32 = arith.constant 0 : i32
    %c0_i32_0 = arith.constant 0 : i32
    %c0_i32_1 = arith.constant 0 : i32
    return %c0_i32, %c0_i32_0 : i32, i32
  }
  func.func @transform_4(%arg0: i32) -> (i32, i32) {
    %c0_i32 = arith.constant 0 : i32
    %c0_i32_0 = arith.constant 0 : i32
    return %arg0, %c0_i32 : i32, i32
  }
}

</mosaic_0001>

<sc_bundles>
// kernel: kernel.12.cloned.1.call-start
scs
__scs_entry_jumppad:
0x0: {  	(pc) =	sbr.rel $0x88, $3  }
0x1: {  	(tag) =	ssettag $0x0;
	lr =	simm.s32 $0x1  }
0x2: {  	[smem:$0x3F93] =	sst lr;
	_ =	strace $0xD0000000  }
0x3: {  	_ = 	snop  }
0x4: {  	_ = 	snop  }
0x5: {  	_ = 	snop  }
0x6: {  	_ = 	snop  }
0x7: {  	_ = 	snop  }
__scs_overlays_trampoline_lowered:
0x8: {  	[smem:$0x3FA2] =	sst s0  }
0x9: {  	[smem:$0x3FA3] =	sst s1  }
0xa: {  	[smem:$0x3FA4] =	sst s2  }
0xb: {  	[smem:$0x3FA5] =	sst s3  }
0xc: {  	[smem:$0x3FA6] =	sst s4  }
0xd: {  	[smem:$0x3FA7] =	sst s5  }
0xe: {  	[smem:$0x3FA8] =	sst s6  }
0xf: {  	[smem:$0x3FA9] =	sst s7  }
0x10: {  	[smem:$0x3FAA] =	sst s8  }
0x11: {  	[smem:$0x3FAB] =	sst s9;
	s0 =	simm.s32 @!p0 $0x0  }
0x12: {  	s1 =	sld [smem:$0x3F91];
	s0 =	simm.s32 @p0 $0x1  }
0x13: {  	[smem:$0x3FAC] =	sst s0;
	s0 =	simm.s32 @!p1 $0x0  }
0x14: {  	s2 =	sld [smem:$0x3F90];
	s0 =	simm.s32 @p1 $0x1  }
0x15: {  	[smem:$0x3FAD] =	sst s0;
	s0 =	simm.s32 @!p2 $0x0  }
0x16: {  	s3 =	sld [smem:$0x3FDB];
	s0 =	simm.s32 @p2 $0x1  }
0x17: {  	s4 =	simm.s32 $0x1BF5;
	[smem:$0x3FAF] =	sst s0  }
0x18: {  	s0 =	sld [smem:$0x3F92];
	_ =	swait.ge [sflag:s4], $0x0  }
0x19: {  	s7 =	sld [smem:$0x3F93]  }
0x1a: {  	s8 =	sadd.s32 $0xFFFFE003, lr  }
0x1b: {  	s9 =	sadd.s32 $0xFFFFFEF7, lr;
	s5 =	simm.s32 $0xFFFFFFFF;
	p2 =	slt.u32 s8, $0xFFFFF086  }
0x1c: {  	p1 =	slt.u32 s9, $0xF7A;
	s5 =	simm.s32 @!p2 $0x0  }
0x1d: {  	s5 =	simm.s32 @p1 $0x1;
	p0 =	seq.s32 s7, s2  }
0x1e: {  	s7 =	smul.u32 @!p0 $0xF7A, s2;
	p2 =	seq.s32 @!p0 s5, $0x0  }
0x1f: {  	s9 =	smul.u32 $0xF7A, s1;
	s8 =	simm.s32 @!p0 $0x1BF5;
	p2 =	por !p2, p0  }
0x20: {  	[sflag:s8] =	ssyncset.s32 @!p0 $0xFFFFF086;
	s6 =	sadd.s32 @!p0 s3, s7;
	s7 =	simm.s32 @!p0 $0x108  }
0x21: {  	s3 =	sadd.s32 s3, s9;
	s6 =	sadd.s32 @!p0 $0x88, s6;
	s7 =	simm.s32 @p2 $0x1082  }
0x22: {  	[simem:s7], [sflag:s8] =	dma.local @!p0 [hbm:s6], $0xF7A  }
0x23: {  	s9 =	sor.u32 $0xD0000000, s2;
	s6 =	simm.s32 $0x108;
	_ =	swait.ge @!p0 [sflag:s8], $0x0  }
0x24: {  	s3 =	sadd.s32 $0x88, s3;
	s6 =	simm.s32 @!p1 $0x1082;
	[sflag:s4] =	ssyncset.s32 $0xFFFFF086  }
0x25: {  	[simem:s6], [sflag:s4] =	dma.local [hbm:s3], $0xF7A  }
0x26: {  	[smem:$0x3F93] =	sst s1;
	(tag) =	ssettag s2;
	_ =	strace s9  }
0x27: {  	s1 =	sld [smem:$0x3FA3]  }
0x28: {  	s2 =	sld [smem:$0x3FA4]  }
0x29: {  	s4 =	sld [smem:$0x3FA6]  }
0x2a: {  	p0 =	seq.s32 s5, $0x0;
	s5 =	sld [smem:$0x3FA7]  }
0x2b: {  	s6 =	sld [smem:$0x3FA8]  }
0x2c: {  	s7 =	sld [smem:$0x3FA9]  }
0x2d: {  	s3 =	simm.s32 $0x108;
	s8 =	sld [smem:$0x3FAA]  }
0x2e: {  	s3 =	simm.s32 @!p0 $0x1082;
	s9 =	sld [smem:$0x3FAB]  }
0x2f: {  	lr =	sadd.s32 s0, s3;
	s0 =	sld [smem:$0x3FA2]  }
0x30: {  	s3 =	sld [smem:$0x3FA5]  }
0x31: {  	[smem:$0x3FAE] =	sst s10  }
0x32: {  	s10 =	sld [smem:$0x3FAC];
	_ =	sdelay $0x3  }
0x33: {  	p0 =	seq.s32 s10, $0x1;
	s10 =	sld [smem:$0x3FAE];
	_ =	sdelay $0x3  }
0x34: {  	[smem:$0x3FAE] =	sst s10  }
0x35: {  	s10 =	sld [smem:$0x3FAD];
	_ =	sdelay $0x3  }
0x36: {  	p1 =	seq.s32 s10, $0x1;
	s10 =	sld [smem:$0x3FAE];
	_ =	sdelay $0x3  }
0x37: {  	[smem:$0x3FAE] =	sst s10  }
0x38: {  	s10 =	sld [smem:$0x3FAF]  }
0x39: {  	_ = 	snop;
	(pc) =	sbr.ind lr, $3  }
0x3a: {  	_ = 	snop  }
0x3b: {  	_ = 	snop  }
0x3c: {  	p2 =	seq.s32 s10, $0x1;
	s10 =	sld [smem:$0x3FAE]  }
0x3d: {  	_ =	shalt  }
0x3e: {  	_ =	shalt  }
0x3f: {  	_ =	shalt  }
0x40: {  	_ =	shalt  }
0x41: {  	_ =	shalt  }
0x42: {  	_ =	shalt  }
0x43: {  	_ =	shalt  }
0x44: {  	_ =	shalt  }
0x45: {  	_ =	shalt  }
0x46: {  	_ =	shalt  }
0x47: {  	_ =	shalt  }
0x48: {  	_ =	shalt  }
0x49: {  	_ =	shalt  }
0x4a: {  	_ =	shalt  }
0x4b: {  	_ =	shalt  }
0x4c: {  	_ =	shalt  }
0x4d: {  	_ =	shalt  }
0x4e: {  	_ =	shalt  }
0x4f: {  	_ =	shalt  }
0x50: {  	_ =	shalt  }
0x51: {  	_ =	shalt  }
0x52: {  	_ =	shalt  }
0x53: {  	_ =	shalt  }
0x54: {  	_ =	shalt  }
0x55: {  	_ =	shalt  }
0x56: {  	_ =	shalt  }
0x57: {  	_ =	shalt  }
0x58: {  	_ =	shalt  }
0x59: {  	_ =	shalt  }
0x5a: {  	_ =	shalt  }
0x5b: {  	_ =	shalt  }
0x5c: {  	_ =	shalt  }
0x5d: {  	_ =	shalt  }
0x5e: {  	_ =	shalt  }
0x5f: {  	_ =	shalt  }
0x60: {  	_ =	shalt  }
0x61: {  	_ =	shalt  }
0x62: {  	_ =	shalt  }
0x63: {  	_ =	shalt  }
0x64: {  	_ =	shalt  }
0x65: {  	_ =	shalt  }
0x66: {  	_ =	shalt  }
0x67: {  	_ =	shalt  }
0x68: {  	_ =	shalt  }
0x69: {  	_ =	shalt  }
0x6a: {  	_ =	shalt  }
0x6b: {  	_ =	shalt  }
0x6c: {  	_ =	shalt  }
0x6d: {  	_ =	shalt  }
0x6e: {  	_ =	shalt  }
0x6f: {  	_ =	shalt  }
0x70: {  	_ =	shalt  }
0x71: {  	_ =	shalt  }
0x72: {  	_ =	shalt  }
0x73: {  	_ =	shalt  }
0x74: {  	_ =	shalt  }
0x75: {  	_ =	shalt  }
0x76: {  	_ =	shalt  }
0x77: {  	_ =	shalt  }
0x78: {  	_ =	shalt  }
0x79: {  	_ =	shalt  }
0x7a: {  	_ =	shalt  }
0x7b: {  	_ =	shalt  }
0x7c: {  	_ =	shalt  }
0x7d: {  	_ =	shalt  }
0x7e: {  	_ =	shalt  }
0x7f: {  	_ =	shalt  }
0x80: {  	_ =	shalt  }
0x81: {  	_ =	shalt  }
0x82: {  	_ =	shalt  }
0x83: {  	_ =	shalt  }
0x84: {  	_ =	shalt  }
0x85: {  	_ =	shalt  }
0x86: {  	_ =	shalt  }
0x87: {  	_ =	shalt  }
.Lfunc_end0:
.L_simem_size_0:
called_computation.1_lowered:
.L_overlay_start_0:
0x88: {  	s2 =	sld [smem:$0x3FD9]  }
0x89: {  	s3 =	sld [smem:$0x3FFE];
	_ =	sdelay $0x1  }
0x8a: {  	s1 =	srdreg.scid  }
0x8b: {  	s0 =	sand.u32 $0x1, s1  }
0x8c: {  	s17 =	sshll.u32 s0, $0xA;
	s2 =	sadd.s32 s3, s2  }
0x8d: {  	s2 =	sadd.s32 s2, s17  }
0x8e: {  	[smem:$0x3FBA] =	sst s2  }
0x8f: {  	_ = 	snop  }
0x90: {  	s2 =	sld [smem:$0x3FD0];
	(tm) =	ssettm $0x1  }
0x91: {  	s18 =	sld [smem:$0x3FFB];
	_ =	sdelay $0x3  }
0x92: {  	_ =	strace s18  }
0x93: {  	s3 =	sld [smem:$0x3FFC];
	_ =	sdelay $0x3  }
0x94: {  	_ =	strace s3  }
0x95: {  	s3 =	sld [smem:$0x3FFD];
	_ =	sdelay $0x3  }
0x96: {  	_ =	strace s3  }
0x97: {  	_ =	strace $0x8FFFFFFF  }
0x98: {  	s19 =	sld [smem:$0x3FDB];
	_ =	sdelay $0x1  }
0x99: {  	s4 =	simm.s32 $_scs_section_size  }
0x9a: {  	s5 =	simm.s32 $_size__tile_overlayer_lowered;
	s6 =	simm.s32 $_tile_overlayer_lowered  }
0x9b: {  	s22 =	simm.s32 $0x1BFF;
	s21 =	sshll.u32 s6, $0x1;
	s3 =	sadd.s32 s4, s19  }
0x9c: {  	s7 =	simm.s32 $0x0;
	s20 =	sshll.u32 s5, $0x1;
	s5 =	sadd.s32 s21, s3  }
0x9d: {  	[timem:s7], [sflag:s22] =	dma.local [hbm:s5], s20  }
0x9e: {  	_ =	swait.ge [sflag:s22], s20  }
0x9f: {  	s4 =	ssub.s32 $0x0, s20;
	[sflag:s22] =	ssyncset.done $0x0  }
0xa0: {  	[sflag:s22] =	ssyncadd.s32 s4;
	_ =	sdelay $0x1  }
0xa1: {  	s23 =	simm.s32 $0x1B8B  }
0xa2: {  	_ =	swait.ge [sflag:s23], $0x1  }
0xa3: {  	[sflag:s23] =	ssyncset.done $0x0  }
0xa4: {  	s25 =	simm.s32 $0x1B8E;
	s24 =	sld [smem:$0x3FFE];
	[sflag:s23] =	ssyncadd.s32 $0xFFFFFFFF  }
0xa5: {  	s26 =	simm.s32 $execute0_lowered;
	[smem:$0x3FD2] =	sst s25  }
0xa6: {  	s5 =	sshll.u32 s26, $0x1;
	_ =	strace $0x80000049;
	[dreg:$0x1] =	wrdreg $0xFFFFFFFF  }
0xa7: {  	s28 =	simm.s32 $_size_execute0_lowered;
	s3 =	sadd.s32 s3, s5;
	[dreg:$0x0] =	wrdreg $0x0  }
0xa8: {  	s5 =	sshll.u32 s28, $0x1;
	[dreg:$0x2] =	wrdreg s3  }
0xa9: {  	[dreg:$0x3] =	wrdreg s5  }
0xaa: {  	[dreg:$0x4] =	wrdreg $0xC0  }
0xab: {  	_ =	task [dreg:s7], $0x5FFFF  }
0xac: {  	[dreg:$0x1] =	wrdreg $0xFFFFFFFF  }
0xad: {  	[dreg:$0x0] =	wrdreg $0x60  }
0xae: {  	[dreg:$0x2] =	wrdreg s2  }
0xaf: {  	[dreg:$0x3] =	wrdreg s24  }
0xb0: {  	[dreg:$0x4] =	wrdreg $0xB0000  }
0xb1: {  	[dreg:$0x5] =	wrdreg $0x9  }
0xb2: {  	_ =	task.clear_ibuf [dreg:s7], $0x6FFFF;
	_ =	strace $0x90000049  }
0xb3: {  	s29 =	simm.s32 $0x9;
	_ =	strace $0x8000004B  }
0xb4: {  	_ =	swait.ge [sflag:s29], $0x1  }
0xb5: {  	[sflag:s29] =	ssyncadd.s32 $0xFFFFFFFF  }
0xb6: {  	_ =	strace $0x9000004B  }
0xb7: {  	_ =	sfence  }
0xb8: {  	s30 =	sld [smem:$0x0];
	_ =	sdelay $0x2  }
0xb9: {  	s31 =	sshll.u32 s1, $0xD;
	s1 =	sshrl.u32 s1, $0x2  }
0xba: {  	s3 =	sand.u32 $0x4000, s31;
	s1 =	sadd.s32 s1, s30  }
0xbb: {  	s0 =	sor.u32 s3, s0;
	s1 =	sshll.u32 s1, $0x11  }
0xbc: {  	s0 =	sor.u32 s1, s0  }
0xbd: {  	s0 =	sadd.s32 $0x8F2B, s0  }
0xbe: {  	[sflag:s0] =	ssyncadd.remote.s32 $0x1  }
0xbf: {  	_ =	sfence.sel $0xFFFF  }
0xc0: {  	[dreg:$0x0] =	wrdreg $0xFFFFFFFF;
	(pc) =	sbr.abs _section_cstart, $3  }
0xc1: {  	[dreg:$0x1] =	wrdreg $0xFFFFFFFF  }
0xc2: {  	_ =	task.clear_ibuf [dreg:s7], $0x2FFFF;
	_ =	strace $0x9FFFFFFF  }
0xc3: {  	(tm) =	ssettm $0x7FFFFFFF  }
tec
execute0_lowered:
.L_overlay_start_1:
0x0: {  	(tag) =	ssettag $0x1  }
0x1: {  	s2 =	rddreg [dreg:$0x0]  }
0x2: {  	s0 =	rddreg [dreg:$0x1]  }
0x3: {  	s3 =	rddreg [dreg:$0x2];
	s15 =	stileid.u32  }
0x4: {  	s1 =	srdreg.scid;
	s5 =	simm.s32 $0x0;
	s4 =	smul.u32 $0x14000, s15  }
0x5: {  	s1 =	sand.u32 $0x1, s1;
	[smem:$0x7FF] =	sst s5;
	s6 =	sadd.s32 $0xCC00, s0  }
0x6: {  	s19 =	sadd.s32 $0x2E00, s0;
	s9 =	smul.u32 $0x50000, s15;
	s21 =	sshll.u32 s15, $0x6  }
0x7: {  	s17 =	sadd.s32 $0x16800, s0;
	s18 =	smul.u32 $0x140000, s1;
	_ =	strace $0x8000004A  }
0x8: {  	s8 =	ssub.s32 $0x2, s1;
	s10 =	sshll.u32 s1, $0x4;
	s28 =	smul.u32 $0x4E0, s1  }
0x9: {  	s1 =	smul.u32 $0x9C000, s1;
	[dreg:$0xc] =	wrdreg s17;
	s17 =	simm.s32 $0x1  }
0xa: {  	s7 =	sshrl.u32 s4, $0x3;
	s11 =	sshrl.u32 s8, $0x1;
	s10 =	sor.u32 s15, s10  }
0xb: {  	s9 =	sshrl.u32 s9, $0x2;
	s4 =	sadd.s32 s4, s18;
	s7 =	sadd.s32 s7, s0  }
0xc: {  	s8 =	ssub.s32 s8, s11;
	s20 =	smul.u32 $0x4E, s10;
	s9 =	sadd.s32 s9, s3  }
0xd: {  	s4 =	sshrl.u32 s4, $0x3;
	[dreg:$0x4] =	wrdreg s9;
	s7 =	sadd.s32 $0x16A00, s7  }
0xe: {  	s12 =	smul.u32 $0x4E0, s10;
	s4 =	sadd.s32 s4, s0;
	[dreg:$0x5] =	wrdreg s7  }
0xf: {  	s13 =	sadd.s32 $0x28, s20;
	s22 =	sand.u32 $0x6, s20;
	s0 =	sadd.s32 $0xCA00, s0  }
0x10: {  	s23 =	sand.u32 $0xFF80, s12;
	s20 =	sshll.u32 s15, $0x7;
	[dreg:$0xd] =	wrdreg s0  }
0x11: {  	p0 =	sgt.u32 s10, $0x3;
	s14 =	sadd.s32 s6, s23;
	[dreg:$0xe] =	wrdreg s20  }
0x12: {  	s7 =	sor.u32 $0x1C03, s21;
	s11 =	sadd.s32 s19, s23;
	[dreg:$0x6] =	wrdreg s14  }
0x13: {  	s9 =	sshll.u32 s22, $0x7;
	s22 =	sor.u32 $0x1800, s20;
	[dreg:$0x7] =	wrdreg s11  }
0x14: {  	s24 =	sand.u32 $0x1FF8, s13;
	s4 =	sadd.s32 $0x3EA00, s4;
	[dreg:$0xf] =	wrdreg s22  }
0x15: {  	s23 =	smax.u32 s8, $0x1;
	s20 =	simm.s32 $0x0;
	[dreg:$0x10] =	wrdreg s4  }
0x16: {  	s12 =	smin.u32 s24, $0x998;
	s25 =	sor.u32 $0x80, s9;
	[dreg:$0x11] =	wrdreg s23  }
0x17: {  	s24 =	sadd.s32 $0x2B00, s9;
	s23 =	sadd.s32 $0x1380, s9;
	s31 =	sadd.s32 $0x2A00, s9  }
0x18: {  	s14 =	simm.s32 $0x80;
	[dreg:$0x8] =	wrdreg s25;
	s26 =	ssub.s32 s13, s12  }
0x19: {  	s12 =	sshll.u32 s12, $0x4;
	[dreg:$0x12] =	wrdreg s24;
	s11 =	sshll.u32 s26, $0x9  }
0x1a: {  	s6 =	sadd.s32 s6, s12;
	s5 =	sadd.s32 s19, s12;
	s19 =	smul.u32 $0x9C00, s15  }
0x1b: {  	s26 =	sadd.s32 $0x2B80, s9;
	s12 =	simm.s32 $0x1800;
	[dreg:$0x9] =	wrdreg s6  }
0x1c: {  	s13 =	sshra.s32 s11, $0x2;
	s11 =	smul.u32 $0x4E, s15;
	[dreg:$0xa] =	wrdreg s5  }
0x1d: {  	[dreg:$0x13] =	wrdreg s26;
	s15 =	simm.s32 $0x3000;
	s16 =	sor.u32 $0x80, s13  }
0x1e: {  	s1 =	sadd.s32 s19, s1;
	s29 =	sadd.s32 $0x1280, s13;
	s30 =	sadd.s32 $0x2A80, s13  }
0x1f: {  	s4 =	sadd.s32 $0x2900, s13;
	s5 =	sadd.s32 $0x1200, s13;
	s18 =	sadd.s32 s11, s28  }
0x20: {  	s6 =	sadd.s32 $0x2980, s13;
	s19 =	simm.s32 $0x2;
	s21 =	sshll.u32 s18, $0x9  }
0x21: {  	[dreg:$0xb] =	wrdreg s16;
	s28 =	sadd.s32 $0x2A00, s13;
	s0 =	sadd.s32 $0x5000, s21  }
0x22: {  	s11 =	simm.s32 $0x3;
	s25 =	sshll.u32 s18, $0x7;
	s0 =	sand.u32 $0x3FF000, s0  }
0x23: {  	s16 =	simm.s32 $0x7000;
	s24 =	sand.u32 $0x300, s25;
	s0 =	ssub.s32 s1, s0  }
0x24: {  	[dreg:$0x14] =	wrdreg s28;
	s8 =	sor.u32 $0x1800, s24;
	s25 =	sshra.s32 s0, $0x2  }
0x25: {  	s1 =	sadd.s32 $0x2A80, s9;
	s0 =	sadd.s32 $0x1300, s9;
	s10 =	sadd.s32 $0x1800, s25  }
.LBB2_1:
0x26: {  	s18 =	rddreg [dreg:$0x4]  }
0x27: {  	s22 =	rddreg [dreg:$0x5];
	s21 =	sshrl.u32 s18, $0x3  }
0x28: {  	[spmem:s21], [sflag:s7] =	dma.local [hbm:s22], $0x2800  }
0x29: {  	_ =	swait.ge [sflag:s11], $0x2800  }
0x2a: {  	[sflag:s11] =	ssyncset.done $0x0  }
0x2b: {  	s26 =	simm.s32 $0x0;
	s22 =	rddreg [dreg:$0x6];
	[sflag:s11] =	ssyncadd.s32 $0xFFFFD800  }
0x2c: {  	[tilespmem:s26], [sflag:$0x3] =	stream.linear.gather [hbm4b:s22+s26], $0x1800, $0x38;
	[tilespmem:$0x1F000] =	vst v63  }
0x2d: {  	_ =	swait.ge [sflag:s11], $0x1800  }
0x2e: {  	[sflag:s11] =	ssyncset.done $0x0  }
0x2f: {  	s28 =	rddreg [dreg:$0x7];
	[sflag:s11] =	ssyncadd.s32 $0xFFFFE800  }
0x30: {  	[tilespmem:s12], [sflag:$0x3] =	stream.linear.gather [hbm4b:s28+s26], $0x1800, $0x38;
	[tilespmem:$0x1F000] =	vst v63  }
0x31: {  	_ =	swait.ge [sflag:s11], $0x1800  }
0x32: {  	[sflag:s11] =	ssyncset.done $0x0  }
0x33: {  	[sflag:s11] =	ssyncadd.s32 $0xFFFFE800  }
0x34: {  	[bflag:$0x0] =	sbarrier.arrive $0xFFFF  }
0x35: {  	[tilespmem:s15], [sflag:$0x1] =	stream.indirect.gather [hbm4b:s2+s14], $0x80, s9, s14, $0xb8;
	[tilespmem:$0x1F000] =	vst v63  }
0x36: {  	s26 =	rddreg [dreg:$0x8]  }
0x37: {  	[tilespmem:s16], [sflag:$0x2] =	stream.indirect.gather [hbm4b:s2+s14], $0x80, s26, s14, $0xb8;
	[tilespmem:$0x1F000] =	vst v63  }
0x38: {  	_ =	swait.ge [sflag:s17], $0x4000  }
0x39: {  	[sflag:s17] =	ssyncset.done $0x0  }
0x3a: {  	s18 =	sadd.s32 $0x0, s8;
	[sflag:s17] =	ssyncadd.s32 $0xFFFFC000  }
0x3b: {  	[spmem:s3] =	stream.indirect.scatter.add.f32 [tilespmem:s15], [sflag:$0x3], $0x80, s18, s14, $0xb8;
	[tilespmem:$0x1F000] =	vst v63  }
0x3c: {  	_ =	swait.ge [sflag:s11], $0x4000  }
0x3d: {  	s26 =	sadd.s32 $0x0, s24;
	[sflag:s11] =	ssyncset.done $0x0  }
0x3e: {  	s28 =	sadd.s32 $0x100, s26;
	[sflag:s11] =	ssyncadd.s32 $0xFFFFC000  }
0x3f: {  	[tilespmem:s15], [sflag:$0x1] =	stream.indirect.gather [hbm4b:s2+s14], $0x80, s28, s14, $0xb8;
	[tilespmem:$0x1F000] =	vst v63  }
0x40: {  	_ =	swait.ge [sflag:s19], $0x4000  }
0x41: {  	[sflag:s19] =	ssyncset.done $0x0  }
0x42: {  	s18 =	sadd.s32 $0x80, s18;
	[sflag:s19] =	ssyncadd.s32 $0xFFFFC000  }
0x43: {  	[spmem:s3] =	stream.indirect.scatter.add.f32 [tilespmem:s16], [sflag:$0x3], $0x80, s18, s14, $0xb8;
	[tilespmem:$0x1F000] =	vst v63  }
0x44: {  	_ =	swait.ge [sflag:s11], $0x4000  }
0x45: {  	[sflag:s11] =	ssyncset.done $0x0  }
0x46: {  	s22 =	simm.s32 $0x400;
	s18 =	sadd.s32 $0x180, s26;
	[sflag:s11] =	ssyncadd.s32 $0xFFFFC000  }
.LBB2_2:
0x47: {  	[tilespmem:s16], [sflag:$0x2] =	stream.indirect.gather [hbm4b:s2+s14], $0x80, s18, s14, $0xb8;
	[tilespmem:$0x1F000] =	vst v63  }
0x48: {  	s18 =	smov.u32 s22  }
0x49: {  	p1 =	sne.s32 s22, $0x4400;
	s22 =	sadd.s32 $0x400, s22;
	_ =	swait.ge [sflag:s17], $0x4000  }
0x4a: {  	s18 =	sshra.s32 s18, $0x2;
	[sflag:s17] =	ssyncset.done $0x0  }
0x4b: {  	s26 =	sadd.s32 s18, s8;
	s18 =	sadd.s32 s18, s24;
	[sflag:s17] =	ssyncadd.s32 $0xFFFFC000  }
0x4c: {  	[spmem:s3] =	stream.indirect.scatter.add.f32 [tilespmem:s15], [sflag:$0x3], $0x80, s26, s14, $0xb8;
	[tilespmem:$0x1F000] =	vst v63  }
0x4d: {  	_ =	swait.ge [sflag:s11], $0x4000  }
0x4e: {  	[sflag:s11] =	ssyncset.done $0x0  }
0x4f: {  	s28 =	sadd.s32 $0x100, s18;
	[sflag:s11] =	ssyncadd.s32 $0xFFFFC000  }
0x50: {  	[tilespmem:s15], [sflag:$0x1] =	stream.indirect.gather [hbm4b:s2+s14], $0x80, s28, s14, $0xb8;
	[tilespmem:$0x1F000] =	vst v63  }
0x51: {  	_ =	swait.ge [sflag:s19], $0x4000  }
0x52: {  	[sflag:s19] =	ssyncset.done $0x0  }
.Ltmp0:
0x53: {  	s26 =	sadd.s32 $0x80, s26;
	[sflag:s19] =	ssyncadd.s32 $0xFFFFC000;
	(pc) =	sbr.rel @p1 .LBB2_2-.Ltmp0, $4  }
0x54: {  	[spmem:s3] =	stream.indirect.scatter.add.f32 [tilespmem:s16], [sflag:$0x3], $0x80, s26, s14, $0xb8;
	[tilespmem:$0x1F000] =	vst v63  }
0x55: {  	_ =	swait.ge [sflag:s11], $0x4000  }
0x56: {  	[sflag:s11] =	ssyncset.done $0x0  }
0x57: {  	s18 =	sadd.s32 $0x180, s18;
	[sflag:s11] =	ssyncadd.s32 $0xFFFFC000  }
0x58: {  	[tilespmem:s16], [sflag:$0x2] =	stream.indirect.gather [hbm4b:s2+s14], $0x80, s18, s14, $0xb8;
	[tilespmem:$0x1F000] =	vst v63  }
0x59: {  	_ =	swait.ge [sflag:s17], $0x4000  }
0x5a: {  	[sflag:s17] =	ssyncset.done $0x0  }
0x5b: {  	[sflag:s17] =	ssyncadd.s32 $0xFFFFC000  }
0x5c: {  	[spmem:s3] =	stream.indirect.scatter.add.f32 [tilespmem:s15], [sflag:$0x3], $0x80, s31, s14, $0xb8;
	[tilespmem:$0x1F000] =	vst v63  }
0x5d: {  	_ =	swait.ge [sflag:s11], $0x4000  }
0x5e: {  	[sflag:s11] =	ssyncset.done $0x0  }
0x5f: {  	[sflag:s11] =	ssyncadd.s32 $0xFFFFC000  }
0x60: {  	[tilespmem:s15], [sflag:$0x1] =	stream.indirect.gather [hbm4b:s2+s14], $0x80, s0, s14, $0xb8;
	[tilespmem:$0x1F000] =	vst v63  }
0x61: {  	_ =	swait.ge [sflag:s19], $0x4000  }
0x62: {  	[sflag:s19] =	ssyncset.done $0x0  }
0x63: {  	[sflag:s19] =	ssyncadd.s32 $0xFFFFC000  }
0x64: {  	[spmem:s3] =	stream.indirect.scatter.add.f32 [tilespmem:s16], [sflag:$0x3], $0x80, s1, s14, $0xb8;
	[tilespmem:$0x1F000] =	vst v63  }
0x65: {  	_ =	swait.ge [sflag:s11], $0x4000  }
0x66: {  	[sflag:s11] =	ssyncset.done $0x0  }
0x67: {  	[sflag:s11] =	ssyncadd.s32 $0xFFFFC000  }
0x68: {  	[tilespmem:s16], [sflag:$0x2] =	stream.indirect.gather [hbm4b:s2+s14], $0x80, s23, s14, $0xb8;
	[tilespmem:$0x1F000] =	vst v63  }
0x69: {  	_ =	swait.ge [sflag:s17], $0x4000  }
0x6a: {  	[sflag:s17] =	ssyncset.done $0x0  }
0x6b: {  	s28 =	rddreg [dreg:$0x12];
	[sflag:s17] =	ssyncadd.s32 $0xFFFFC000  }
0x6c: {  	[spmem:s3] =	stream.indirect.scatter.add.f32 [tilespmem:s15], [sflag:$0x3], $0x80, s28, s14, $0xb8;
	[tilespmem:$0x1F000] =	vst v63  }
0x6d: {  	_ =	swait.ge [sflag:s11], $0x4000  }
0x6e: {  	[sflag:s11] =	ssyncset.done $0x0  }
0x6f: {  	[sflag:s11] =	ssyncadd.s32 $0xFFFFC000  }
0x70: {  	[tilespmem:s15], [sflag:$0x1] =	stream.indirect.gather [hbm4b:s2+s14], $0x80, s23, s14, $0xb8;
	[tilespmem:$0x1F000] =	vst v63  }
0x71: {  	_ =	swait.ge [sflag:s19], $0x4000  }
0x72: {  	[sflag:s19] =	ssyncset.done $0x0  }
0x73: {  	s22 =	rddreg [dreg:$0x13];
	[sflag:s19] =	ssyncadd.s32 $0xFFFFC000  }
0x74: {  	[spmem:s3] =	stream.indirect.scatter.add.f32 [tilespmem:s16], [sflag:$0x3], $0x80, s22, s14, $0xb8;
	[tilespmem:$0x1F000] =	vst v63  }
0x75: {  	_ =	swait.ge [sflag:s11], $0x4000  }
0x76: {  	[sflag:s11] =	ssyncset.done $0x0  }
0x77: {  	[sflag:s11] =	ssyncadd.s32 $0xFFFFC000  }
0x78: {  	[tilespmem:s16], [sflag:$0x2] =	stream.indirect.gather [hbm4b:s2+s14], $0x80, s23, s14, $0xb8;
	[tilespmem:$0x1F000] =	vst v63  }
0x79: {  	_ =	swait.ge [sflag:s17], $0x4000  }
0x7a: {  	[sflag:s17] =	ssyncset.done $0x0  }
0x7b: {  	[sflag:s17] =	ssyncadd.s32 $0xFFFFC000  }
0x7c: {  	_ =	swait.ge [sflag:s19], $0x4000  }
0x7d: {  	[sflag:s19] =	ssyncset.done $0x0  }
0x7e: {  	s26 =	simm.s32 $0x0;
	s22 =	rddreg [dreg:$0x9];
	[sflag:s19] =	ssyncadd.s32 $0xFFFFC000  }
0x7f: {  	[tilespmem:s26], [sflag:$0x3] =	stream.linear.gather [hbm4b:s22+s26], $0x1800, $0x38;
	[tilespmem:$0x1F000] =	vst v63  }
0x80: {  	_ =	swait.ge [sflag:s11], $0x1800  }
0x81: {  	[sflag:s11] =	ssyncset.done $0x0  }
0x82: {  	s28 =	rddreg [dreg:$0xa];
	[sflag:s11] =	ssyncadd.s32 $0xFFFFE800  }
0x83: {  	[tilespmem:s12], [sflag:$0x3] =	stream.linear.gather [hbm4b:s28+s26], $0x1800, $0x38;
	[tilespmem:$0x1F000] =	vst v63  }
0x84: {  	_ =	swait.ge [sflag:s11], $0x1800  }
0x85: {  	[sflag:s11] =	ssyncset.done $0x0  }
0x86: {  	[sflag:s11] =	ssyncadd.s32 $0xFFFFE800  }
0x87: {  	[tilespmem:s15], [sflag:$0x1] =	stream.indirect.gather [hbm4b:s2+s14], $0x80, s13, s14, $0xb8;
	[tilespmem:$0x1F000] =	vst v63  }
0x88: {  	s22 =	rddreg [dreg:$0xb]  }
0x89: {  	[tilespmem:s16], [sflag:$0x2] =	stream.indirect.gather [hbm4b:s2+s14], $0x80, s22, s14, $0xb8;
	[tilespmem:$0x1F000] =	vst v63  }
0x8a: {  	_ =	swait.ge [sflag:s17], $0x4000  }
0x8b: {  	s18 =	sadd.s32 $0x0, s10;
	[sflag:s17] =	ssyncset.done $0x0  }
0x8c: {  	s26 =	sadd.s32 $0x1400, s18;
	[sflag:s17] =	ssyncadd.s32 $0xFFFFC000  }
0x8d: {  	[spmem:s3] =	stream.indirect.scatter.add.f32 [tilespmem:s15], [sflag:$0x3], $0x80, s26, s14, $0xb8;
	[tilespmem:$0x1F000] =	vst v63  }
0x8e: {  	_ =	swait.ge [sflag:s11], $0x4000  }
0x8f: {  	s26 =	sadd.s32 $0x0, s25;
	[sflag:s11] =	ssyncset.done $0x0  }
0x90: {  	s28 =	sadd.s32 $0x1500, s26;
	[sflag:s11] =	ssyncadd.s32 $0xFFFFC000  }
0x91: {  	[tilespmem:s15], [sflag:$0x1] =	stream.indirect.gather [hbm4b:s2+s14], $0x80, s28, s14, $0xb8;
	[tilespmem:$0x1F000] =	vst v63  }
0x92: {  	_ =	swait.ge [sflag:s19], $0x4000  }
0x93: {  	[sflag:s19] =	ssyncset.done $0x0  }
0x94: {  	s18 =	sadd.s32 $0x1480, s18;
	[sflag:s19] =	ssyncadd.s32 $0xFFFFC000  }
0x95: {  	[spmem:s3] =	stream.indirect.scatter.add.f32 [tilespmem:s16], [sflag:$0x3], $0x80, s18, s14, $0xb8;
	[tilespmem:$0x1F000] =	vst v63  }
0x96: {  	_ =	swait.ge [sflag:s11], $0x4000  }
0x97: {  	[sflag:s11] =	ssyncset.done $0x0  }
0x98: {  	s22 =	simm.s32 $0x400;
	s18 =	sadd.s32 $0x1580, s26;
	[sflag:s11] =	ssyncadd.s32 $0xFFFFC000  }
.LBB2_4:
0x99: {  	[tilespmem:s16], [sflag:$0x2] =	stream.indirect.gather [hbm4b:s2+s14], $0x80, s18, s14, $0xb8;
	[tilespmem:$0x1F000] =	vst v63  }
0x9a: {  	s18 =	sshra.s32 s22, $0x2;
	p1 =	sne.s32 s22, $0x4000;
	_ =	swait.ge [sflag:s17], $0x4000  }
0x9b: {  	s26 =	sadd.s32 s18, s10;
	s18 =	sadd.s32 s18, s25;
	[sflag:s17] =	ssyncset.done $0x0  }
0x9c: {  	s22 =	sadd.s32 $0x400, s22;
	s28 =	sadd.s32 $0x1400, s26;
	[sflag:s17] =	ssyncadd.s32 $0xFFFFC000  }
0x9d: {  	[spmem:s3] =	stream.indirect.scatter.add.f32 [tilespmem:s15], [sflag:$0x3], $0x80, s28, s14, $0xb8;
	[tilespmem:$0x1F000] =	vst v63  }
0x9e: {  	_ =	swait.ge [sflag:s11], $0x4000  }
0x9f: {  	[sflag:s11] =	ssyncset.done $0x0  }
0xa0: {  	s28 =	sadd.s32 $0x1500, s18;
	[sflag:s11] =	ssyncadd.s32 $0xFFFFC000  }
0xa1: {  	[tilespmem:s15], [sflag:$0x1] =	stream.indirect.gather [hbm4b:s2+s14], $0x80, s28, s14, $0xb8;
	[tilespmem:$0x1F000] =	vst v63  }
0xa2: {  	_ =	swait.ge [sflag:s19], $0x4000  }
0xa3: {  	[sflag:s19] =	ssyncset.done $0x0  }
.Ltmp1:
0xa4: {  	s26 =	sadd.s32 $0x1480, s26;
	[sflag:s19] =	ssyncadd.s32 $0xFFFFC000;
	(pc) =	sbr.rel @p1 .LBB2_4-.Ltmp1, $4  }
0xa5: {  	[spmem:s3] =	stream.indirect.scatter.add.f32 [tilespmem:s16], [sflag:$0x3], $0x80, s26, s14, $0xb8;
	[tilespmem:$0x1F000] =	vst v63  }
0xa6: {  	_ =	swait.ge [sflag:s11], $0x4000  }
0xa7: {  	[sflag:s11] =	ssyncset.done $0x0  }
0xa8: {  	s18 =	sadd.s32 $0x1580, s18;
	[sflag:s11] =	ssyncadd.s32 $0xFFFFC000  }
0xa9: {  	[tilespmem:s16], [sflag:$0x2] =	stream.indirect.gather [hbm4b:s2+s14], $0x80, s18, s14, $0xb8;
	[tilespmem:$0x1F000] =	vst v63  }
0xaa: {  	_ =	swait.ge [sflag:s17], $0x4000  }
0xab: {  	[sflag:s17] =	ssyncset.done $0x0  }
0xac: {  	[sflag:s17] =	ssyncadd.s32 $0xFFFFC000  }
0xad: {  	[spmem:s3] =	stream.indirect.scatter.add.f32 [tilespmem:s15], [sflag:$0x3], $0x80, s4, s14, $0xb8;
	[tilespmem:$0x1F000] =	vst v63  }
0xae: {  	_ =	swait.ge [sflag:s11], $0x4000  }
0xaf: {  	[sflag:s11] =	ssyncset.done $0x0  }
0xb0: {  	[sflag:s11] =	ssyncadd.s32 $0xFFFFC000  }
0xb1: {  	[tilespmem:s15], [sflag:$0x1] =	stream.indirect.gather [hbm4b:s2+s14], $0x80, s5, s14, $0xb8;
	[tilespmem:$0x1F000] =	vst v63  }
0xb2: {  	_ =	swait.ge [sflag:s19], $0x4000  }
0xb3: {  	[sflag:s19] =	ssyncset.done $0x0  }
0xb4: {  	[sflag:s19] =	ssyncadd.s32 $0xFFFFC000  }
0xb5: {  	[spmem:s3] =	stream.indirect.scatter.add.f32 [tilespmem:s16], [sflag:$0x3], $0x80, s6, s14, $0xb8;
	[tilespmem:$0x1F000] =	vst v63  }
0xb6: {  	_ =	swait.ge [sflag:s11], $0x4000  }
0xb7: {  	[sflag:s11] =	ssyncset.done $0x0  }
0xb8: {  	[sflag:s11] =	ssyncadd.s32 $0xFFFFC000  }
0xb9: {  	[tilespmem:s16], [sflag:$0x2] =	stream.indirect.gather [hbm4b:s2+s14], $0x80, s29, s14, $0xb8;
	[tilespmem:$0x1F000] =	vst v63  }
0xba: {  	_ =	swait.ge [sflag:s17], $0x4000  }
0xbb: {  	[sflag:s17] =	ssyncset.done $0x0  }
0xbc: {  	s22 =	rddreg [dreg:$0x14];
	[sflag:s17] =	ssyncadd.s32 $0xFFFFC000  }
0xbd: {  	[spmem:s3] =	stream.indirect.scatter.add.f32 [tilespmem:s15], [sflag:$0x3], $0x80, s22, s14, $0xb8;
	[tilespmem:$0x1F000] =	vst v63  }
0xbe: {  	_ =	swait.ge [sflag:s11], $0x4000  }
0xbf: {  	[sflag:s11] =	ssyncset.done $0x0  }
0xc0: {  	[sflag:s11] =	ssyncadd.s32 $0xFFFFC000  }
0xc1: {  	[tilespmem:s15], [sflag:$0x1] =	stream.indirect.gather [hbm4b:s2+s14], $0x80, s29, s14, $0xb8;
	[tilespmem:$0x1F000] =	vst v63  }
0xc2: {  	_ =	swait.ge [sflag:s19], $0x4000  }
0xc3: {  	[sflag:s19] =	ssyncset.done $0x0  }
0xc4: {  	[sflag:s19] =	ssyncadd.s32 $0xFFFFC000  }
0xc5: {  	[spmem:s3] =	stream.indirect.scatter.add.f32 [tilespmem:s16], [sflag:$0x3], $0x80, s30, s14, $0xb8;
	[tilespmem:$0x1F000] =	vst v63  }
0xc6: {  	_ =	swait.ge [sflag:s11], $0x4000  }
0xc7: {  	[sflag:s11] =	ssyncset.done $0x0  }
0xc8: {  	[sflag:s11] =	ssyncadd.s32 $0xFFFFC000  }
0xc9: {  	[tilespmem:s16], [sflag:$0x2] =	stream.indirect.gather [hbm4b:s2+s14], $0x80, s29, s14, $0xb8;
	[tilespmem:$0x1F000] =	vst v63  }
0xca: {  	_ =	swait.ge [sflag:s17], $0x4000  }
0xcb: {  	[sflag:s17] =	ssyncset.done $0x0  }
0xcc: {  	[sflag:s17] =	ssyncadd.s32 $0xFFFFC000  }
0xcd: {  	_ =	swait.ge [sflag:s19], $0x4000  }
0xce: {  	[sflag:s19] =	ssyncset.done $0x0  }
0xcf: {  	s18 =	simm.s32 @!p0 $0x0;
	s22 =	rddreg [dreg:$0xc];
	[sflag:s19] =	ssyncadd.s32 $0xFFFFC000  }
0xd0: {  	[tilespmem:s18], [sflag:$0x3] =	stream.linear.gather @!p0 [hbm4b:s22+s18], $0x400, $0x38;
	[tilespmem:$0x1F000] =	vst v63  }
0xd1: {  	s22 =	simm.s32 @!p0 $0x3  }
0xd2: {  	_ =	swait.ge @!p0 [sflag:s22], $0x400  }
0xd3: {  	[sflag:s22] =	ssyncset.done @!p0 $0x0  }
0xd4: {  	s26 =	simm.s32 @!p0 $0x1800;
	s28 =	rddreg [dreg:$0xd];
	[sflag:s22] =	ssyncadd.s32 @!p0 $0xFFFFFC00  }
0xd5: {  	[tilespmem:s26], [sflag:$0x3] =	stream.linear.gather @!p0 [hbm4b:s28+s18], $0x400, $0x38;
	[tilespmem:$0x1F000] =	vst v63  }
0xd6: {  	_ =	swait.ge @!p0 [sflag:s22], $0x400  }
0xd7: {  	s18 =	simm.s32 @!p0 $0x80;
	[sflag:s22] =	ssyncset.done @!p0 $0x0  }
0xd8: {  	s26 =	simm.s32 @!p0 $0x3000;
	s28 =	rddreg [dreg:$0xe];
	[sflag:s22] =	ssyncadd.s32 @!p0 $0xFFFFFC00  }
0xd9: {  	[tilespmem:s26], [sflag:$0x3] =	stream.indirect.gather @!p0 [hbm4b:s2+s18], $0x80, s28, s18, $0xb8;
	[tilespmem:$0x1F000] =	vst v63  }
0xda: {  	_ =	swait.ge @!p0 [sflag:s22], $0x4000  }
0xdb: {  	[sflag:s22] =	ssyncset.done @!p0 $0x0  }
0xdc: {  	s28 =	rddreg [dreg:$0xf];
	[sflag:s22] =	ssyncadd.s32 @!p0 $0xFFFFC000  }
0xdd: {  	[spmem:s3] =	stream.indirect.scatter.add.f32 @!p0 [tilespmem:s26], [sflag:$0x3], $0x80, s28, s18, $0xb8;
	[tilespmem:$0x1F000] =	vst v63  }
0xde: {  	_ =	swait.ge @!p0 [sflag:s22], $0x4000  }
0xdf: {  	[sflag:s22] =	ssyncset.done @!p0 $0x0  }
0xe0: {  	[sflag:s22] =	ssyncadd.s32 @!p0 $0xFFFFC000  }
0xe1: {  	[bflag:$0x0] =	sbarrier.arrive $0xFFFF  }
0xe2: {  	s26 =	rddreg [dreg:$0x10]  }
0xe3: {  	[hbm:s26], [sflag:s7] =	dma.local [spmem:s21], $0x2800  }
0xe4: {  	_ =	swait.ge [sflag:s11], $0x2800  }
0xe5: {  	s20 =	sadd.s32 $0x1, s20;
	s28 =	rddreg [dreg:$0x11]  }
0xe6: {  	p1 =	sne.s32 s20, s28  }
.Ltmp2:
0xe7: {  	_ = 	snop;
	(pc) =	sbr.rel @p1 .LBB2_1-.Ltmp2, $3  }
0xe8: {  	_ =	sdelay $0x1  }
0xe9: {  	[sflag:s11] =	ssyncset.done $0x0  }
0xea: {  	[sflag:s11] =	ssyncadd.s32 $0xFFFFD800  }
0xeb: {  	_ =	sfence.sel $0x180000  }
0xec: {  	[bflag:$0x0] =	sbarrier.arrive $0xFFFF  }
0xed: {  	_ =	strace $0x9000004A  }
0xee: {  	s0 =	stileid.u32;
	[bflag:$0x2] =	sbarrier.arrive $0xFFFF  }
0xef: {  	p0 =	sne.s32 s0, $0x0;
	s0 =	rddreg [dreg:$0x3]  }
0xf0: {  	s0 =	sadd.s32 @!p0 $0x100000, s0  }
0xf1: {  	[sflag:s0] =	ssyncadd.tile.s32 @!p0 $0x1;
	_ =	shalt  }
.Lfunc_end2:
_tile_overlayer_lowered:
.L_overlay_start_2:
0xf2: {  	(tag) =	ssettag $0x2  }
0xf3: {  	s0 =	rddreg [dreg:$0x0];
	s2 =	stileid.u32  }
0xf4: {  	s1 =	rddreg [dreg:$0x1];
	p0 =	sne.s32 s2, $0x0  }
0xf5: {  	s3 =	rddreg [dreg:$0x2];
	[bflag:$0x3] =	sbarrier.arrive $0xFFFF;
	s2 =	simm.s32 @!p0 $0x1C03  }
0xf6: {  	[timem:s3], [sflag:s2] =	dma.local @!p0 [hbm:s0], s1  }
0xf7: {  	s0 =	simm.s32 @!p0 $0x3  }
0xf8: {  	_ =	swait.ge @!p0 [sflag:s0], s1  }
0xf9: {  	s1 =	ssub.s32 @!p0 $0x0, s1;
	[sflag:s0] =	ssyncset.done @!p0 $0x0  }
0xfa: {  	[sflag:s0] =	ssyncadd.s32 @!p0 s1  }
0xfb: {  	[bflag:$0x3] =	sbarrier.arrive $0xFFFF  }
0xfc: {  	_ =	shalt  }

// kernel: kernel.15.cloned.1.call-start
scs
__scs_entry_jumppad:
0x0: {  	(pc) =	sbr.rel $0x88, $3  }
0x1: {  	(tag) =	ssettag $0x0;
	lr =	simm.s32 $0x1  }
0x2: {  	[smem:$0x3F93] =	sst lr;
	_ =	strace $0xD0000000  }
0x3: {  	_ = 	snop  }
0x4: {  	_ = 	snop  }
0x5: {  	_ = 	snop  }
0x6: {  	_ = 	snop  }
0x7: {  	_ = 	snop  }
__scs_overlays_trampoline_lowered:
0x8: {  	[smem:$0x3FA2] =	sst s0  }
0x9: {  	[smem:$0x3FA3] =	sst s1  }
0xa: {  	[smem:$0x3FA4] =	sst s2  }
0xb: {  	[smem:$0x3FA5] =	sst s3  }
0xc: {  	[smem:$0x3FA6] =	sst s4  }
0xd: {  	[smem:$0x3FA7] =	sst s5  }
0xe: {  	[smem:$0x3FA8] =	sst s6  }
0xf: {  	[smem:$0x3FA9] =	sst s7  }
0x10: {  	[smem:$0x3FAA] =	sst s8  }
0x11: {  	[smem:$0x3FAB] =	sst s9;
	s0 =	simm.s32 @!p0 $0x0  }
0x12: {  	s1 =	sld [smem:$0x3F91];
	s0 =	simm.s32 @p0 $0x1  }
0x13: {  	[smem:$0x3FAC] =	sst s0;
	s0 =	simm.s32 @!p1 $0x0  }
0x14: {  	s2 =	sld [smem:$0x3F90];
	s0 =	simm.s32 @p1 $0x1  }
0x15: {  	[smem:$0x3FAD] =	sst s0;
	s0 =	simm.s32 @!p2 $0x0  }
0x16: {  	s3 =	sld [smem:$0x3FDB];
	s0 =	simm.s32 @p2 $0x1  }
0x17: {  	s4 =	simm.s32 $0x1BF5;
	[smem:$0x3FAF] =	sst s0  }
0x18: {  	s0 =	sld [smem:$0x3F92];
	_ =	swait.ge [sflag:s4], $0x0  }
0x19: {  	s7 =	sld [smem:$0x3F93]  }
0x1a: {  	s8 =	sadd.s32 $0xFFFFE003, lr  }
0x1b: {  	s9 =	sadd.s32 $0xFFFFFEF7, lr;
	s5 =	simm.s32 $0xFFFFFFFF;
	p2 =	slt.u32 s8, $0xFFFFF086  }
0x1c: {  	p1 =	slt.u32 s9, $0xF7A;
	s5 =	simm.s32 @!p2 $0x0  }
0x1d: {  	s5 =	simm.s32 @p1 $0x1;
	p0 =	seq.s32 s7, s2  }
0x1e: {  	s7 =	smul.u32 @!p0 $0xF7A, s2;
	p2 =	seq.s32 @!p0 s5, $0x0  }
0x1f: {  	s9 =	smul.u32 $0xF7A, s1;
	s8 =	simm.s32 @!p0 $0x1BF5;
	p2 =	por !p2, p0  }
0x20: {  	[sflag:s8] =	ssyncset.s32 @!p0 $0xFFFFF086;
	s6 =	sadd.s32 @!p0 s3, s7;
	s7 =	simm.s32 @!p0 $0x108  }
0x21: {  	s3 =	sadd.s32 s3, s9;
	s6 =	sadd.s32 @!p0 $0x88, s6;
	s7 =	simm.s32 @p2 $0x1082  }
0x22: {  	[simem:s7], [sflag:s8] =	dma.local @!p0 [hbm:s6], $0xF7A  }
0x23: {  	s9 =	sor.u32 $0xD0000000, s2;
	s6 =	simm.s32 $0x108;
	_ =	swait.ge @!p0 [sflag:s8], $0x0  }
0x24: {  	s3 =	sadd.s32 $0x88, s3;
	s6 =	simm.s32 @!p1 $0x1082;
	[sflag:s4] =	ssyncset.s32 $0xFFFFF086  }
0x25: {  	[simem:s6], [sflag:s4] =	dma.local [hbm:s3], $0xF7A  }
0x26: {  	[smem:$0x3F93] =	sst s1;
	(tag) =	ssettag s2;
	_ =	strace s9  }
0x27: {  	s1 =	sld [smem:$0x3FA3]  }
0x28: {  	s2 =	sld [smem:$0x3FA4]  }
0x29: {  	s4 =	sld [smem:$0x3FA6]  }
0x2a: {  	p0 =	seq.s32 s5, $0x0;
	s5 =	sld [smem:$0x3FA7]  }
0x2b: {  	s6 =	sld [smem:$0x3FA8]  }
0x2c: {  	s7 =	sld [smem:$0x3FA9]  }
0x2d: {  	s3 =	simm.s32 $0x108;
	s8 =	sld [smem:$0x3FAA]  }
0x2e: {  	s3 =	simm.s32 @!p0 $0x1082;
	s9 =	sld [smem:$0x3FAB]  }
0x2f: {  	lr =	sadd.s32 s0, s3;
	s0 =	sld [smem:$0x3FA2]  }
0x30: {  	s3 =	sld [smem:$0x3FA5]  }
0x31: {  	[smem:$0x3FAE] =	sst s10  }
0x32: {  	s10 =	sld [smem:$0x3FAC];
	_ =	sdelay $0x3  }
0x33: {  	p0 =	seq.s32 s10, $0x1;
	s10 =	sld [smem:$0x3FAE];
	_ =	sdelay $0x3  }
0x34: {  	[smem:$0x3FAE] =	sst s10  }
0x35: {  	s10 =	sld [smem:$0x3FAD];
	_ =	sdelay $0x3  }
0x36: {  	p1 =	seq.s32 s10, $0x1;
	s10 =	sld [smem:$0x3FAE];
	_ =	sdelay $0x3  }
0x37: {  	[smem:$0x3FAE] =	sst s10  }
0x38: {  	s10 =	sld [smem:$0x3FAF]  }
0x39: {  	_ = 	snop;
	(pc) =	sbr.ind lr, $3  }
0x3a: {  	_ = 	snop  }
0x3b: {  	_ = 	snop  }
0x3c: {  	p2 =	seq.s32 s10, $0x1;
	s10 =	sld [smem:$0x3FAE]  }
0x3d: {  	_ =	shalt  }
0x3e: {  	_ =	shalt  }
0x3f: {  	_ =	shalt  }
0x40: {  	_ =	shalt  }
0x41: {  	_ =	shalt  }
0x42: {  	_ =	shalt  }
0x43: {  	_ =	shalt  }
0x44: {  	_ =	shalt  }
0x45: {  	_ =	shalt  }
0x46: {  	_ =	shalt  }
0x47: {  	_ =	shalt  }
0x48: {  	_ =	shalt  }
0x49: {  	_ =	shalt  }
0x4a: {  	_ =	shalt  }
0x4b: {  	_ =	shalt  }
0x4c: {  	_ =	shalt  }
0x4d: {  	_ =	shalt  }
0x4e: {  	_ =	shalt  }
0x4f: {  	_ =	shalt  }
0x50: {  	_ =	shalt  }
0x51: {  	_ =	shalt  }
0x52: {  	_ =	shalt  }
0x53: {  	_ =	shalt  }
0x54: {  	_ =	shalt  }
0x55: {  	_ =	shalt  }
0x56: {  	_ =	shalt  }
0x57: {  	_ =	shalt  }
0x58: {  	_ =	shalt  }
0x59: {  	_ =	shalt  }
0x5a: {  	_ =	shalt  }
0x5b: {  	_ =	shalt  }
0x5c: {  	_ =	shalt  }
0x5d: {  	_ =	shalt  }
0x5e: {  	_ =	shalt  }
0x5f: {  	_ =	shalt  }
0x60: {  	_ =	shalt  }
0x61: {  	_ =	shalt  }
0x62: {  	_ =	shalt  }
0x63: {  	_ =	shalt  }
0x64: {  	_ =	shalt  }
0x65: {  	_ =	shalt  }
0x66: {  	_ =	shalt  }
0x67: {  	_ =	shalt  }
0x68: {  	_ =	shalt  }
0x69: {  	_ =	shalt  }
0x6a: {  	_ =	shalt  }
0x6b: {  	_ =	shalt  }
0x6c: {  	_ =	shalt  }
0x6d: {  	_ =	shalt  }
0x6e: {  	_ =	shalt  }
0x6f: {  	_ =	shalt  }
0x70: {  	_ =	shalt  }
0x71: {  	_ =	shalt  }
0x72: {  	_ =	shalt  }
0x73: {  	_ =	shalt  }
0x74: {  	_ =	shalt  }
0x75: {  	_ =	shalt  }
0x76: {  	_ =	shalt  }
0x77: {  	_ =	shalt  }
0x78: {  	_ =	shalt  }
0x79: {  	_ =	shalt  }
0x7a: {  	_ =	shalt  }
0x7b: {  	_ =	shalt  }
0x7c: {  	_ =	shalt  }
0x7d: {  	_ =	shalt  }
0x7e: {  	_ =	shalt  }
0x7f: {  	_ =	shalt  }
0x80: {  	_ =	shalt  }
0x81: {  	_ =	shalt  }
0x82: {  	_ =	shalt  }
0x83: {  	_ =	shalt  }
0x84: {  	_ =	shalt  }
0x85: {  	_ =	shalt  }
0x86: {  	_ =	shalt  }
0x87: {  	_ =	shalt  }
.Lfunc_end0:
.L_simem_size_0:
called_computation.2_lowered:
.L_overlay_start_0:
0x88: {  	s2 =	sld [smem:$0x3FD9]  }
0x89: {  	s3 =	sld [smem:$0x3FFE];
	_ =	sdelay $0x1  }
0x8a: {  	s1 =	srdreg.scid  }
0x8b: {  	s0 =	sand.u32 $0x1, s1  }
0x8c: {  	s17 =	sshll.u32 s0, $0xA;
	s2 =	sadd.s32 s3, s2  }
0x8d: {  	s2 =	sadd.s32 s2, s17  }
0x8e: {  	[smem:$0x3FBA] =	sst s2  }
0x8f: {  	_ = 	snop  }
0x90: {  	s2 =	sld [smem:$0x3FD0];
	(tm) =	ssettm $0x1  }
0x91: {  	s18 =	sld [smem:$0x3FFB];
	_ =	sdelay $0x3  }
0x92: {  	_ =	strace s18  }
0x93: {  	s3 =	sld [smem:$0x3FFC];
	_ =	sdelay $0x3  }
0x94: {  	_ =	strace s3  }
0x95: {  	s3 =	sld [smem:$0x3FFD];
	_ =	sdelay $0x3  }
0x96: {  	_ =	strace s3  }
0x97: {  	_ =	strace $0x8FFFFFFF  }
0x98: {  	s19 =	sld [smem:$0x3FDB];
	_ =	sdelay $0x1  }
0x99: {  	s4 =	simm.s32 $_scs_section_size  }
0x9a: {  	s5 =	simm.s32 $_size__tile_overlayer_lowered;
	s6 =	simm.s32 $_tile_overlayer_lowered  }
0x9b: {  	s22 =	simm.s32 $0x1BFF;
	s21 =	sshll.u32 s6, $0x1;
	s3 =	sadd.s32 s4, s19  }
0x9c: {  	s7 =	simm.s32 $0x0;
	s20 =	sshll.u32 s5, $0x1;
	s5 =	sadd.s32 s21, s3  }
0x9d: {  	[timem:s7], [sflag:s22] =	dma.local [hbm:s5], s20  }
0x9e: {  	_ =	swait.ge [sflag:s22], s20  }
0x9f: {  	s4 =	ssub.s32 $0x0, s20;
	[sflag:s22] =	ssyncset.done $0x0  }
0xa0: {  	[sflag:s22] =	ssyncadd.s32 s4;
	_ =	sdelay $0x1  }
0xa1: {  	s23 =	simm.s32 $0x1B8B  }
0xa2: {  	_ =	swait.ge [sflag:s23], $0x1  }
0xa3: {  	[sflag:s23] =	ssyncset.done $0x0  }
0xa4: {  	s25 =	simm.s32 $0x1B8E;
	s24 =	sld [smem:$0x3FFE];
	[sflag:s23] =	ssyncadd.s32 $0xFFFFFFFF  }
0xa5: {  	s26 =	simm.s32 $execute0_lowered;
	[smem:$0x3FD2] =	sst s25  }
0xa6: {  	s5 =	sshll.u32 s26, $0x1;
	_ =	strace $0x8000004C;
	[dreg:$0x1] =	wrdreg $0xFFFFFFFF  }
0xa7: {  	s28 =	simm.s32 $_size_execute0_lowered;
	s3 =	sadd.s32 s3, s5;
	[dreg:$0x0] =	wrdreg $0x0  }
0xa8: {  	s5 =	sshll.u32 s28, $0x1;
	[dreg:$0x2] =	wrdreg s3  }
0xa9: {  	[dreg:$0x3] =	wrdreg s5  }
0xaa: {  	[dreg:$0x4] =	wrdreg $0xC0  }
0xab: {  	_ =	task [dreg:s7], $0x5FFFF  }
0xac: {  	[dreg:$0x1] =	wrdreg $0xFFFFFFFF  }
0xad: {  	[dreg:$0x0] =	wrdreg $0x60  }
0xae: {  	[dreg:$0x2] =	wrdreg s2  }
0xaf: {  	[dreg:$0x3] =	wrdreg s24  }
0xb0: {  	[dreg:$0x4] =	wrdreg $0xB0000  }
0xb1: {  	[dreg:$0x5] =	wrdreg $0x9  }
0xb2: {  	_ =	task.clear_ibuf [dreg:s7], $0x6FFFF;
	_ =	strace $0x9000004C  }
0xb3: {  	s29 =	simm.s32 $0x9;
	_ =	strace $0x8000004E  }
0xb4: {  	_ =	swait.ge [sflag:s29], $0x1  }
0xb5: {  	[sflag:s29] =	ssyncadd.s32 $0xFFFFFFFF  }
0xb6: {  	_ =	strace $0x9000004E  }
0xb7: {  	_ =	sfence  }
0xb8: {  	s30 =	sld [smem:$0x0];
	_ =	sdelay $0x2  }
0xb9: {  	s31 =	sshll.u32 s1, $0xD;
	s1 =	sshrl.u32 s1, $0x2  }
0xba: {  	s3 =	sand.u32 $0x4000, s31;
	s1 =	sadd.s32 s1, s30  }
0xbb: {  	s0 =	sor.u32 s3, s0;
	s1 =	sshll.u32 s1, $0x11  }
0xbc: {  	s0 =	sor.u32 s1, s0  }
0xbd: {  	s0 =	sadd.s32 $0x8F2B, s0  }
0xbe: {  	[sflag:s0] =	ssyncadd.remote.s32 $0x1  }
0xbf: {  	_ =	sfence.sel $0xFFFF  }
0xc0: {  	[dreg:$0x0] =	wrdreg $0xFFFFFFFF;
	(pc) =	sbr.abs _section_cstart, $3  }
0xc1: {  	[dreg:$0x1] =	wrdreg $0xFFFFFFFF  }
0xc2: {  	_ =	task.clear_ibuf [dreg:s7], $0x2FFFF;
	_ =	strace $0x9FFFFFFF  }
0xc3: {  	(tm) =	ssettm $0x7FFFFFFF  }
tec
execute0_lowered:
.L_overlay_start_1:
0x0: {  	(tag) =	ssettag $0x1  }
0x1: {  	s2 =	rddreg [dreg:$0x0]  }
0x2: {  	s0 =	rddreg [dreg:$0x1]  }
0x3: {  	s3 =	rddreg [dreg:$0x2];
	s15 =	stileid.u32  }
0x4: {  	s1 =	srdreg.scid;
	s5 =	simm.s32 $0x0;
	s4 =	smul.u32 $0x14000, s15  }
0x5: {  	s1 =	sand.u32 $0x1, s1;
	[smem:$0x7FF] =	sst s5;
	s6 =	sadd.s32 $0xCC00, s0  }
0x6: {  	s19 =	sadd.s32 $0x2E00, s0;
	s9 =	smul.u32 $0x50000, s15;
	s21 =	sshll.u32 s15, $0x6  }
0x7: {  	s17 =	sadd.s32 $0x16800, s0;
	s18 =	smul.u32 $0x140000, s1;
	_ =	strace $0x8000004D  }
0x8: {  	s8 =	ssub.s32 $0x2, s1;
	s10 =	sshll.u32 s1, $0x4;
	s28 =	smul.u32 $0x4E0, s1  }
0x9: {  	s1 =	smul.u32 $0x9C000, s1;
	[dreg:$0xc] =	wrdreg s17;
	s17 =	simm.s32 $0x1  }
0xa: {  	s7 =	sshrl.u32 s4, $0x3;
	s11 =	sshrl.u32 s8, $0x1;
	s10 =	sor.u32 s15, s10  }
0xb: {  	s9 =	sshrl.u32 s9, $0x2;
	s4 =	sadd.s32 s4, s18;
	s7 =	sadd.s32 s7, s0  }
0xc: {  	s8 =	ssub.s32 s8, s11;
	s20 =	smul.u32 $0x4E, s10;
	s9 =	sadd.s32 s9, s3  }
0xd: {  	s4 =	sshrl.u32 s4, $0x3;
	[dreg:$0x4] =	wrdreg s9;
	s7 =	sadd.s32 $0x16A00, s7  }
0xe: {  	s12 =	smul.u32 $0x4E0, s10;
	s4 =	sadd.s32 s4, s0;
	[dreg:$0x5] =	wrdreg s7  }
0xf: {  	s13 =	sadd.s32 $0x28, s20;
	s22 =	sand.u32 $0x6, s20;
	s0 =	sadd.s32 $0xCA00, s0  }
0x10: {  	s23 =	sand.u32 $0xFF80, s12;
	s20 =	sshll.u32 s15, $0x7;
	[dreg:$0xd] =	wrdreg s0  }
0x11: {  	p0 =	sgt.u32 s10, $0x3;
	s14 =	sadd.s32 s6, s23;
	[dreg:$0xe] =	wrdreg s20  }
0x12: {  	s7 =	sor.u32 $0x1C03, s21;
	s11 =	sadd.s32 s19, s23;
	[dreg:$0x6] =	wrdreg s14  }
0x13: {  	s9 =	sshll.u32 s22, $0x7;
	s22 =	sor.u32 $0x1800, s20;
	[dreg:$0x7] =	wrdreg s11  }
0x14: {  	s24 =	sand.u32 $0x1FF8, s13;
	s4 =	sadd.s32 $0x3EA00, s4;
	[dreg:$0xf] =	wrdreg s22  }
0x15: {  	s23 =	smax.u32 s8, $0x1;
	s20 =	simm.s32 $0x0;
	[dreg:$0x10] =	wrdreg s4  }
0x16: {  	s12 =	smin.u32 s24, $0x998;
	s25 =	sor.u32 $0x80, s9;
	[dreg:$0x11] =	wrdreg s23  }
0x17: {  	s24 =	sadd.s32 $0x2B00, s9;
	s23 =	sadd.s32 $0x1380, s9;
	s31 =	sadd.s32 $0x2A00, s9  }
0x18: {  	s14 =	simm.s32 $0x80;
	[dreg:$0x8] =	wrdreg s25;
	s26 =	ssub.s32 s13, s12  }
0x19: {  	s12 =	sshll.u32 s12, $0x4;
	[dreg:$0x12] =	wrdreg s24;
	s11 =	sshll.u32 s26, $0x9  }
0x1a: {  	s6 =	sadd.s32 s6, s12;
	s5 =	sadd.s32 s19, s12;
	s19 =	smul.u32 $0x9C00, s15  }
0x1b: {  	s26 =	sadd.s32 $0x2B80, s9;
	s12 =	simm.s32 $0x1800;
	[dreg:$0x9] =	wrdreg s6  }
0x1c: {  	s13 =	sshra.s32 s11, $0x2;
	s11 =	smul.u32 $0x4E, s15;
	[dreg:$0xa] =	wrdreg s5  }
0x1d: {  	[dreg:$0x13] =	wrdreg s26;
	s15 =	simm.s32 $0x3000;
	s16 =	sor.u32 $0x80, s13  }
0x1e: {  	s1 =	sadd.s32 s19, s1;
	s29 =	sadd.s32 $0x1280, s13;
	s30 =	sadd.s32 $0x2A80, s13  }
0x1f: {  	s4 =	sadd.s32 $0x2900, s13;
	s5 =	sadd.s32 $0x1200, s13;
	s18 =	sadd.s32 s11, s28  }
0x20: {  	s6 =	sadd.s32 $0x2980, s13;
	s19 =	simm.s32 $0x2;
	s21 =	sshll.u32 s18, $0x9  }
0x21: {  	[dreg:$0xb] =	wrdreg s16;
	s28 =	sadd.s32 $0x2A00, s13;
	s0 =	sadd.s32 $0x5000, s21  }
0x22: {  	s11 =	simm.s32 $0x3;
	s25 =	sshll.u32 s18, $0x7;
	s0 =	sand.u32 $0x3FF000, s0  }
0x23: {  	s16 =	simm.s32 $0x7000;
	s24 =	sand.u32 $0x300, s25;
	s0 =	ssub.s32 s1, s0  }
0x24: {  	[dreg:$0x14] =	wrdreg s28;
	s8 =	sor.u32 $0x1800, s24;
	s25 =	sshra.s32 s0, $0x2  }
0x25: {  	s1 =	sadd.s32 $0x2A80, s9;
	s0 =	sadd.s32 $0x1300, s9;
	s10 =	sadd.s32 $0x1800, s25  }
.LBB2_1:
0x26: {  	s18 =	rddreg [dreg:$0x4]  }
0x27: {  	s22 =	rddreg [dreg:$0x5];
	s21 =	sshrl.u32 s18, $0x3  }
0x28: {  	[spmem:s21], [sflag:s7] =	dma.local [hbm:s22], $0x2800  }
0x29: {  	_ =	swait.ge [sflag:s11], $0x2800  }
0x2a: {  	[sflag:s11] =	ssyncset.done $0x0  }
0x2b: {  	s26 =	simm.s32 $0x0;
	s22 =	rddreg [dreg:$0x6];
	[sflag:s11] =	ssyncadd.s32 $0xFFFFD800  }
0x2c: {  	[tilespmem:s26], [sflag:$0x3] =	stream.linear.gather [hbm4b:s22+s26], $0x1800, $0x38;
	[tilespmem:$0x1F000] =	vst v63  }
0x2d: {  	_ =	swait.ge [sflag:s11], $0x1800  }
0x2e: {  	[sflag:s11] =	ssyncset.done $0x0  }
0x2f: {  	s28 =	rddreg [dreg:$0x7];
	[sflag:s11] =	ssyncadd.s32 $0xFFFFE800  }
0x30: {  	[tilespmem:s12], [sflag:$0x3] =	stream.linear.gather [hbm4b:s28+s26], $0x1800, $0x38;
	[tilespmem:$0x1F000] =	vst v63  }
0x31: {  	_ =	swait.ge [sflag:s11], $0x1800  }
0x32: {  	[sflag:s11] =	ssyncset.done $0x0  }
0x33: {  	[sflag:s11] =	ssyncadd.s32 $0xFFFFE800  }
0x34: {  	[bflag:$0x0] =	sbarrier.arrive $0xFFFF  }
0x35: {  	[tilespmem:s15], [sflag:$0x1] =	stream.indirect.gather [hbm4b:s2+s14], $0x80, s9, s14, $0xb8;
	[tilespmem:$0x1F000] =	vst v63  }
0x36: {  	s26 =	rddreg [dreg:$0x8]  }
0x37: {  	[tilespmem:s16], [sflag:$0x2] =	stream.indirect.gather [hbm4b:s2+s14], $0x80, s26, s14, $0xb8;
	[tilespmem:$0x1F000] =	vst v63  }
0x38: {  	_ =	swait.ge [sflag:s17], $0x4000  }
0x39: {  	[sflag:s17] =	ssyncset.done $0x0  }
0x3a: {  	s18 =	sadd.s32 $0x0, s8;
	[sflag:s17] =	ssyncadd.s32 $0xFFFFC000  }
0x3b: {  	[spmem:s3] =	stream.indirect.scatter.add.f32 [tilespmem:s15], [sflag:$0x3], $0x80, s18, s14, $0xb8;
	[tilespmem:$0x1F000] =	vst v63  }
0x3c: {  	_ =	swait.ge [sflag:s11], $0x4000  }
0x3d: {  	s26 =	sadd.s32 $0x0, s24;
	[sflag:s11] =	ssyncset.done $0x0  }
0x3e: {  	s28 =	sadd.s32 $0x100, s26;
	[sflag:s11] =	ssyncadd.s32 $0xFFFFC000  }
0x3f: {  	[tilespmem:s15], [sflag:$0x1] =	stream.indirect.gather [hbm4b:s2+s14], $0x80, s28, s14, $0xb8;
	[tilespmem:$0x1F000] =	vst v63  }
0x40: {  	_ =	swait.ge [sflag:s19], $0x4000  }
0x41: {  	[sflag:s19] =	ssyncset.done $0x0  }
0x42: {  	s18 =	sadd.s32 $0x80, s18;
	[sflag:s19] =	ssyncadd.s32 $0xFFFFC000  }
0x43: {  	[spmem:s3] =	stream.indirect.scatter.add.f32 [tilespmem:s16], [sflag:$0x3], $0x80, s18, s14, $0xb8;
	[tilespmem:$0x1F000] =	vst v63  }
0x44: {  	_ =	swait.ge [sflag:s11], $0x4000  }
0x45: {  	[sflag:s11] =	ssyncset.done $0x0  }
0x46: {  	s22 =	simm.s32 $0x400;
	s18 =	sadd.s32 $0x180, s26;
	[sflag:s11] =	ssyncadd.s32 $0xFFFFC000  }
.LBB2_2:
0x47: {  	[tilespmem:s16], [sflag:$0x2] =	stream.indirect.gather [hbm4b:s2+s14], $0x80, s18, s14, $0xb8;
	[tilespmem:$0x1F000] =	vst v63  }
0x48: {  	s18 =	smov.u32 s22  }
0x49: {  	p1 =	sne.s32 s22, $0x4400;
	s22 =	sadd.s32 $0x400, s22;
	_ =	swait.ge [sflag:s17], $0x4000  }
0x4a: {  	s18 =	sshra.s32 s18, $0x2;
	[sflag:s17] =	ssyncset.done $0x0  }
0x4b: {  	s26 =	sadd.s32 s18, s8;
	s18 =	sadd.s32 s18, s24;
	[sflag:s17] =	ssyncadd.s32 $0xFFFFC000  }
0x4c: {  	[spmem:s3] =	stream.indirect.scatter.add.f32 [tilespmem:s15], [sflag:$0x3], $0x80, s26, s14, $0xb8;
	[tilespmem:$0x1F000] =	vst v63  }
0x4d: {  	_ =	swait.ge [sflag:s11], $0x4000  }
0x4e: {  	[sflag:s11] =	ssyncset.done $0x0  }
0x4f: {  	s28 =	sadd.s32 $0x100, s18;
	[sflag:s11] =	ssyncadd.s32 $0xFFFFC000  }
0x50: {  	[tilespmem:s15], [sflag:$0x1] =	stream.indirect.gather [hbm4b:s2+s14], $0x80, s28, s14, $0xb8;
	[tilespmem:$0x1F000] =	vst v63  }
0x51: {  	_ =	swait.ge [sflag:s19], $0x4000  }
0x52: {  	[sflag:s19] =	ssyncset.done $0x0  }
.Ltmp0:
0x53: {  	s26 =	sadd.s32 $0x80, s26;
	[sflag:s19] =	ssyncadd.s32 $0xFFFFC000;
	(pc) =	sbr.rel @p1 .LBB2_2-.Ltmp0, $4  }
0x54: {  	[spmem:s3] =	stream.indirect.scatter.add.f32 [tilespmem:s16], [sflag:$0x3], $0x80, s26, s14, $0xb8;
	[tilespmem:$0x1F000] =	vst v63  }
0x55: {  	_ =	swait.ge [sflag:s11], $0x4000  }
0x56: {  	[sflag:s11] =	ssyncset.done $0x0  }
0x57: {  	s18 =	sadd.s32 $0x180, s18;
	[sflag:s11] =	ssyncadd.s32 $0xFFFFC000  }
0x58: {  	[tilespmem:s16], [sflag:$0x2] =	stream.indirect.gather [hbm4b:s2+s14], $0x80, s18, s14, $0xb8;
	[tilespmem:$0x1F000] =	vst v63  }
0x59: {  	_ =	swait.ge [sflag:s17], $0x4000  }
0x5a: {  	[sflag:s17] =	ssyncset.done $0x0  }
0x5b: {  	[sflag:s17] =	ssyncadd.s32 $0xFFFFC000  }
0x5c: {  	[spmem:s3] =	stream.indirect.scatter.add.f32 [tilespmem:s15], [sflag:$0x3], $0x80, s31, s14, $0xb8;
	[tilespmem:$0x1F000] =	vst v63  }
0x5d: {  	_ =	swait.ge [sflag:s11], $0x4000  }
0x5e: {  	[sflag:s11] =	ssyncset.done $0x0  }
0x5f: {  	[sflag:s11] =	ssyncadd.s32 $0xFFFFC000  }
0x60: {  	[tilespmem:s15], [sflag:$0x1] =	stream.indirect.gather [hbm4b:s2+s14], $0x80, s0, s14, $0xb8;
	[tilespmem:$0x1F000] =	vst v63  }
0x61: {  	_ =	swait.ge [sflag:s19], $0x4000  }
0x62: {  	[sflag:s19] =	ssyncset.done $0x0  }
0x63: {  	[sflag:s19] =	ssyncadd.s32 $0xFFFFC000  }
0x64: {  	[spmem:s3] =	stream.indirect.scatter.add.f32 [tilespmem:s16], [sflag:$0x3], $0x80, s1, s14, $0xb8;
	[tilespmem:$0x1F000] =	vst v63  }
0x65: {  	_ =	swait.ge [sflag:s11], $0x4000  }
0x66: {  	[sflag:s11] =	ssyncset.done $0x0  }
0x67: {  	[sflag:s11] =	ssyncadd.s32 $0xFFFFC000  }
0x68: {  	[tilespmem:s16], [sflag:$0x2] =	stream.indirect.gather [hbm4b:s2+s14], $0x80, s23, s14, $0xb8;
	[tilespmem:$0x1F000] =	vst v63  }
0x69: {  	_ =	swait.ge [sflag:s17], $0x4000  }
0x6a: {  	[sflag:s17] =	ssyncset.done $0x0  }
0x6b: {  	s28 =	rddreg [dreg:$0x12];
	[sflag:s17] =	ssyncadd.s32 $0xFFFFC000  }
0x6c: {  	[spmem:s3] =	stream.indirect.scatter.add.f32 [tilespmem:s15], [sflag:$0x3], $0x80, s28, s14, $0xb8;
	[tilespmem:$0x1F000] =	vst v63  }
0x6d: {  	_ =	swait.ge [sflag:s11], $0x4000  }
0x6e: {  	[sflag:s11] =	ssyncset.done $0x0  }
0x6f: {  	[sflag:s11] =	ssyncadd.s32 $0xFFFFC000  }
0x70: {  	[tilespmem:s15], [sflag:$0x1] =	stream.indirect.gather [hbm4b:s2+s14], $0x80, s23, s14, $0xb8;
	[tilespmem:$0x1F000] =	vst v63  }
0x71: {  	_ =	swait.ge [sflag:s19], $0x4000  }
0x72: {  	[sflag:s19] =	ssyncset.done $0x0  }
0x73: {  	s22 =	rddreg [dreg:$0x13];
	[sflag:s19] =	ssyncadd.s32 $0xFFFFC000  }
0x74: {  	[spmem:s3] =	stream.indirect.scatter.add.f32 [tilespmem:s16], [sflag:$0x3], $0x80, s22, s14, $0xb8;
	[tilespmem:$0x1F000] =	vst v63  }
0x75: {  	_ =	swait.ge [sflag:s11], $0x4000  }
0x76: {  	[sflag:s11] =	ssyncset.done $0x0  }
0x77: {  	[sflag:s11] =	ssyncadd.s32 $0xFFFFC000  }
0x78: {  	[tilespmem:s16], [sflag:$0x2] =	stream.indirect.gather [hbm4b:s2+s14], $0x80, s23, s14, $0xb8;
	[tilespmem:$0x1F000] =	vst v63  }
0x79: {  	_ =	swait.ge [sflag:s17], $0x4000  }
0x7a: {  	[sflag:s17] =	ssyncset.done $0x0  }
0x7b: {  	[sflag:s17] =	ssyncadd.s32 $0xFFFFC000  }
0x7c: {  	_ =	swait.ge [sflag:s19], $0x4000  }
0x7d: {  	[sflag:s19] =	ssyncset.done $0x0  }
0x7e: {  	s26 =	simm.s32 $0x0;
	s22 =	rddreg [dreg:$0x9];
	[sflag:s19] =	ssyncadd.s32 $0xFFFFC000  }
0x7f: {  	[tilespmem:s26], [sflag:$0x3] =	stream.linear.gather [hbm4b:s22+s26], $0x1800, $0x38;
	[tilespmem:$0x1F000] =	vst v63  }
0x80: {  	_ =	swait.ge [sflag:s11], $0x1800  }
0x81: {  	[sflag:s11] =	ssyncset.done $0x0  }
0x82: {  	s28 =	rddreg [dreg:$0xa];
	[sflag:s11] =	ssyncadd.s32 $0xFFFFE800  }
0x83: {  	[tilespmem:s12], [sflag:$0x3] =	stream.linear.gather [hbm4b:s28+s26], $0x1800, $0x38;
	[tilespmem:$0x1F000] =	vst v63  }
0x84: {  	_ =	swait.ge [sflag:s11], $0x1800  }
0x85: {  	[sflag:s11] =	ssyncset.done $0x0  }
0x86: {  	[sflag:s11] =	ssyncadd.s32 $0xFFFFE800  }
0x87: {  	[tilespmem:s15], [sflag:$0x1] =	stream.indirect.gather [hbm4b:s2+s14], $0x80, s13, s14, $0xb8;
	[tilespmem:$0x1F000] =	vst v63  }
0x88: {  	s22 =	rddreg [dreg:$0xb]  }
0x89: {  	[tilespmem:s16], [sflag:$0x2] =	stream.indirect.gather [hbm4b:s2+s14], $0x80, s22, s14, $0xb8;
	[tilespmem:$0x1F000] =	vst v63  }
0x8a: {  	_ =	swait.ge [sflag:s17], $0x4000  }
0x8b: {  	s18 =	sadd.s32 $0x0, s10;
	[sflag:s17] =	ssyncset.done $0x0  }
0x8c: {  	s26 =	sadd.s32 $0x1400, s18;
	[sflag:s17] =	ssyncadd.s32 $0xFFFFC000  }
0x8d: {  	[spmem:s3] =	stream.indirect.scatter.add.f32 [tilespmem:s15], [sflag:$0x3], $0x80, s26, s14, $0xb8;
	[tilespmem:$0x1F000] =	vst v63  }
0x8e: {  	_ =	swait.ge [sflag:s11], $0x4000  }
0x8f: {  	s26 =	sadd.s32 $0x0, s25;
	[sflag:s11] =	ssyncset.done $0x0  }
0x90: {  	s28 =	sadd.s32 $0x1500, s26;
	[sflag:s11] =	ssyncadd.s32 $0xFFFFC000  }
0x91: {  	[tilespmem:s15], [sflag:$0x1] =	stream.indirect.gather [hbm4b:s2+s14], $0x80, s28, s14, $0xb8;
	[tilespmem:$0x1F000] =	vst v63  }
0x92: {  	_ =	swait.ge [sflag:s19], $0x4000  }
0x93: {  	[sflag:s19] =	ssyncset.done $0x0  }
0x94: {  	s18 =	sadd.s32 $0x1480, s18;
	[sflag:s19] =	ssyncadd.s32 $0xFFFFC000  }
0x95: {  	[spmem:s3] =	stream.indirect.scatter.add.f32 [tilespmem:s16], [sflag:$0x3], $0x80, s18, s14, $0xb8;
	[tilespmem:$0x1F000] =	vst v63  }
0x96: {  	_ =	swait.ge [sflag:s11], $0x4000  }
0x97: {  	[sflag:s11] =	ssyncset.done $0x0  }
0x98: {  	s22 =	simm.s32 $0x400;
	s18 =	sadd.s32 $0x1580, s26;
	[sflag:s11] =	ssyncadd.s32 $0xFFFFC000  }
.LBB2_4:
0x99: {  	[tilespmem:s16], [sflag:$0x2] =	stream.indirect.gather [hbm4b:s2+s14], $0x80, s18, s14, $0xb8;
	[tilespmem:$0x1F000] =	vst v63  }
0x9a: {  	s18 =	sshra.s32 s22, $0x2;
	p1 =	sne.s32 s22, $0x4000;
	_ =	swait.ge [sflag:s17], $0x4000  }
0x9b: {  	s26 =	sadd.s32 s18, s10;
	s18 =	sadd.s32 s18, s25;
	[sflag:s17] =	ssyncset.done $0x0  }
0x9c: {  	s22 =	sadd.s32 $0x400, s22;
	s28 =	sadd.s32 $0x1400, s26;
	[sflag:s17] =	ssyncadd.s32 $0xFFFFC000  }
0x9d: {  	[spmem:s3] =	stream.indirect.scatter.add.f32 [tilespmem:s15], [sflag:$0x3], $0x80, s28, s14, $0xb8;
	[tilespmem:$0x1F000] =	vst v63  }
0x9e: {  	_ =	swait.ge [sflag:s11], $0x4000  }
0x9f: {  	[sflag:s11] =	ssyncset.done $0x0  }
0xa0: {  	s28 =	sadd.s32 $0x1500, s18;
	[sflag:s11] =	ssyncadd.s32 $0xFFFFC000  }
0xa1: {  	[tilespmem:s15], [sflag:$0x1] =	stream.indirect.gather [hbm4b:s2+s14], $0x80, s28, s14, $0xb8;
	[tilespmem:$0x1F000] =	vst v63  }
0xa2: {  	_ =	swait.ge [sflag:s19], $0x4000  }
0xa3: {  	[sflag:s19] =	ssyncset.done $0x0  }
.Ltmp1:
0xa4: {  	s26 =	sadd.s32 $0x1480, s26;
	[sflag:s19] =	ssyncadd.s32 $0xFFFFC000;
	(pc) =	sbr.rel @p1 .LBB2_4-.Ltmp1, $4  }
0xa5: {  	[spmem:s3] =	stream.indirect.scatter.add.f32 [tilespmem:s16], [sflag:$0x3], $0x80, s26, s14, $0xb8;
	[tilespmem:$0x1F000] =	vst v63  }
0xa6: {  	_ =	swait.ge [sflag:s11], $0x4000  }
0xa7: {  	[sflag:s11] =	ssyncset.done $0x0  }
0xa8: {  	s18 =	sadd.s32 $0x1580, s18;
	[sflag:s11] =	ssyncadd.s32 $0xFFFFC000  }
0xa9: {  	[tilespmem:s16], [sflag:$0x2] =	stream.indirect.gather [hbm4b:s2+s14], $0x80, s18, s14, $0xb8;
	[tilespmem:$0x1F000] =	vst v63  }
0xaa: {  	_ =	swait.ge [sflag:s17], $0x4000  }
0xab: {  	[sflag:s17] =	ssyncset.done $0x0  }
0xac: {  	[sflag:s17] =	ssyncadd.s32 $0xFFFFC000  }
0xad: {  	[spmem:s3] =	stream.indirect.scatter.add.f32 [tilespmem:s15], [sflag:$0x3], $0x80, s4, s14, $0xb8;
	[tilespmem:$0x1F000] =	vst v63  }
0xae: {  	_ =	swait.ge [sflag:s11], $0x4000  }
0xaf: {  	[sflag:s11] =	ssyncset.done $0x0  }
0xb0: {  	[sflag:s11] =	ssyncadd.s32 $0xFFFFC000  }
0xb1: {  	[tilespmem:s15], [sflag:$0x1] =	stream.indirect.gather [hbm4b:s2+s14], $0x80, s5, s14, $0xb8;
	[tilespmem:$0x1F000] =	vst v63  }
0xb2: {  	_ =	swait.ge [sflag:s19], $0x4000  }
0xb3: {  	[sflag:s19] =	ssyncset.done $0x0  }
0xb4: {  	[sflag:s19] =	ssyncadd.s32 $0xFFFFC000  }
0xb5: {  	[spmem:s3] =	stream.indirect.scatter.add.f32 [tilespmem:s16], [sflag:$0x3], $0x80, s6, s14, $0xb8;
	[tilespmem:$0x1F000] =	vst v63  }
0xb6: {  	_ =	swait.ge [sflag:s11], $0x4000  }
0xb7: {  	[sflag:s11] =	ssyncset.done $0x0  }
0xb8: {  	[sflag:s11] =	ssyncadd.s32 $0xFFFFC000  }
0xb9: {  	[tilespmem:s16], [sflag:$0x2] =	stream.indirect.gather [hbm4b:s2+s14], $0x80, s29, s14, $0xb8;
	[tilespmem:$0x1F000] =	vst v63  }
0xba: {  	_ =	swait.ge [sflag:s17], $0x4000  }
0xbb: {  	[sflag:s17] =	ssyncset.done $0x0  }
0xbc: {  	s22 =	rddreg [dreg:$0x14];
	[sflag:s17] =	ssyncadd.s32 $0xFFFFC000  }
0xbd: {  	[spmem:s3] =	stream.indirect.scatter.add.f32 [tilespmem:s15], [sflag:$0x3], $0x80, s22, s14, $0xb8;
	[tilespmem:$0x1F000] =	vst v63  }
0xbe: {  	_ =	swait.ge [sflag:s11], $0x4000  }
0xbf: {  	[sflag:s11] =	ssyncset.done $0x0  }
0xc0: {  	[sflag:s11] =	ssyncadd.s32 $0xFFFFC000  }
0xc1: {  	[tilespmem:s15], [sflag:$0x1] =	stream.indirect.gather [hbm4b:s2+s14], $0x80, s29, s14, $0xb8;
	[tilespmem:$0x1F000] =	vst v63  }
0xc2: {  	_ =	swait.ge [sflag:s19], $0x4000  }
0xc3: {  	[sflag:s19] =	ssyncset.done $0x0  }
0xc4: {  	[sflag:s19] =	ssyncadd.s32 $0xFFFFC000  }
0xc5: {  	[spmem:s3] =	stream.indirect.scatter.add.f32 [tilespmem:s16], [sflag:$0x3], $0x80, s30, s14, $0xb8;
	[tilespmem:$0x1F000] =	vst v63  }
0xc6: {  	_ =	swait.ge [sflag:s11], $0x4000  }
0xc7: {  	[sflag:s11] =	ssyncset.done $0x0  }
0xc8: {  	[sflag:s11] =	ssyncadd.s32 $0xFFFFC000  }
0xc9: {  	[tilespmem:s16], [sflag:$0x2] =	stream.indirect.gather [hbm4b:s2+s14], $0x80, s29, s14, $0xb8;
	[tilespmem:$0x1F000] =	vst v63  }
0xca: {  	_ =	swait.ge [sflag:s17], $0x4000  }
0xcb: {  	[sflag:s17] =	ssyncset.done $0x0  }
0xcc: {  	[sflag:s17] =	ssyncadd.s32 $0xFFFFC000  }
0xcd: {  	_ =	swait.ge [sflag:s19], $0x4000  }
0xce: {  	[sflag:s19] =	ssyncset.done $0x0  }
0xcf: {  	s18 =	simm.s32 @!p0 $0x0;
	s22 =	rddreg [dreg:$0xc];
	[sflag:s19] =	ssyncadd.s32 $0xFFFFC000  }
0xd0: {  	[tilespmem:s18], [sflag:$0x3] =	stream.linear.gather @!p0 [hbm4b:s22+s18], $0x400, $0x38;
	[tilespmem:$0x1F000] =	vst v63  }
0xd1: {  	s22 =	simm.s32 @!p0 $0x3  }
0xd2: {  	_ =	swait.ge @!p0 [sflag:s22], $0x400  }
0xd3: {  	[sflag:s22] =	ssyncset.done @!p0 $0x0  }
0xd4: {  	s26 =	simm.s32 @!p0 $0x1800;
	s28 =	rddreg [dreg:$0xd];
	[sflag:s22] =	ssyncadd.s32 @!p0 $0xFFFFFC00  }
0xd5: {  	[tilespmem:s26], [sflag:$0x3] =	stream.linear.gather @!p0 [hbm4b:s28+s18], $0x400, $0x38;
	[tilespmem:$0x1F000] =	vst v63  }
0xd6: {  	_ =	swait.ge @!p0 [sflag:s22], $0x400  }
0xd7: {  	s18 =	simm.s32 @!p0 $0x80;
	[sflag:s22] =	ssyncset.done @!p0 $0x0  }
0xd8: {  	s26 =	simm.s32 @!p0 $0x3000;
	s28 =	rddreg [dreg:$0xe];
	[sflag:s22] =	ssyncadd.s32 @!p0 $0xFFFFFC00  }
0xd9: {  	[tilespmem:s26], [sflag:$0x3] =	stream.indirect.gather @!p0 [hbm4b:s2+s18], $0x80, s28, s18, $0xb8;
	[tilespmem:$0x1F000] =	vst v63  }
0xda: {  	_ =	swait.ge @!p0 [sflag:s22], $0x4000  }
0xdb: {  	[sflag:s22] =	ssyncset.done @!p0 $0x0  }
0xdc: {  	s28 =	rddreg [dreg:$0xf];
	[sflag:s22] =	ssyncadd.s32 @!p0 $0xFFFFC000  }
0xdd: {  	[spmem:s3] =	stream.indirect.scatter.add.f32 @!p0 [tilespmem:s26], [sflag:$0x3], $0x80, s28, s18, $0xb8;
	[tilespmem:$0x1F000] =	vst v63  }
0xde: {  	_ =	swait.ge @!p0 [sflag:s22], $0x4000  }
0xdf: {  	[sflag:s22] =	ssyncset.done @!p0 $0x0  }
0xe0: {  	[sflag:s22] =	ssyncadd.s32 @!p0 $0xFFFFC000  }
0xe1: {  	[bflag:$0x0] =	sbarrier.arrive $0xFFFF  }
0xe2: {  	s26 =	rddreg [dreg:$0x10]  }
0xe3: {  	[hbm:s26], [sflag:s7] =	dma.local [spmem:s21], $0x2800  }
0xe4: {  	_ =	swait.ge [sflag:s11], $0x2800  }
0xe5: {  	s20 =	sadd.s32 $0x1, s20;
	s28 =	rddreg [dreg:$0x11]  }
0xe6: {  	p1 =	sne.s32 s20, s28  }
.Ltmp2:
0xe7: {  	_ = 	snop;
	(pc) =	sbr.rel @p1 .LBB2_1-.Ltmp2, $3  }
0xe8: {  	_ =	sdelay $0x1  }
0xe9: {  	[sflag:s11] =	ssyncset.done $0x0  }
0xea: {  	[sflag:s11] =	ssyncadd.s32 $0xFFFFD800  }
0xeb: {  	_ =	sfence.sel $0x180000  }
0xec: {  	[bflag:$0x0] =	sbarrier.arrive $0xFFFF  }
0xed: {  	_ =	strace $0x9000004D  }
0xee: {  	s0 =	stileid.u32;
	[bflag:$0x2] =	sbarrier.arrive $0xFFFF  }
0xef: {  	p0 =	sne.s32 s0, $0x0;
	s0 =	rddreg [dreg:$0x3]  }
0xf0: {  	s0 =	sadd.s32 @!p0 $0x100000, s0  }
0xf1: {  	[sflag:s0] =	ssyncadd.tile.s32 @!p0 $0x1;
	_ =	shalt  }
.Lfunc_end2:
_tile_overlayer_lowered:
.L_overlay_start_2:
0xf2: {  	(tag) =	ssettag $0x2  }
0xf3: {  	s0 =	rddreg [dreg:$0x0];
	s2 =	stileid.u32  }
0xf4: {  	s1 =	rddreg [dreg:$0x1];
	p0 =	sne.s32 s2, $0x0  }
0xf5: {  	s3 =	rddreg [dreg:$0x2];
	[bflag:$0x3] =	sbarrier.arrive $0xFFFF;
	s2 =	simm.s32 @!p0 $0x1C03  }
0xf6: {  	[timem:s3], [sflag:s2] =	dma.local @!p0 [hbm:s0], s1  }
0xf7: {  	s0 =	simm.s32 @!p0 $0x3  }
0xf8: {  	_ =	swait.ge @!p0 [sflag:s0], s1  }
0xf9: {  	s1 =	ssub.s32 @!p0 $0x0, s1;
	[sflag:s0] =	ssyncset.done @!p0 $0x0  }
0xfa: {  	[sflag:s0] =	ssyncadd.s32 @!p0 s1  }
0xfb: {  	[bflag:$0x3] =	sbarrier.arrive $0xFFFF  }
0xfc: {  	_ =	shalt  }

// kernel: kernel.9.cloned.1.call-start
scs
__scs_entry_jumppad:
0x0: {  	(pc) =	sbr.rel $0x88, $3  }
0x1: {  	(tag) =	ssettag $0x0;
	lr =	simm.s32 $0x1  }
0x2: {  	[smem:$0x3F93] =	sst lr;
	_ =	strace $0xD0000000  }
0x3: {  	_ = 	snop  }
0x4: {  	_ = 	snop  }
0x5: {  	_ = 	snop  }
0x6: {  	_ = 	snop  }
0x7: {  	_ = 	snop  }
__scs_overlays_trampoline_lowered:
0x8: {  	[smem:$0x3FA2] =	sst s0  }
0x9: {  	[smem:$0x3FA3] =	sst s1  }
0xa: {  	[smem:$0x3FA4] =	sst s2  }
0xb: {  	[smem:$0x3FA5] =	sst s3  }
0xc: {  	[smem:$0x3FA6] =	sst s4  }
0xd: {  	[smem:$0x3FA7] =	sst s5  }
0xe: {  	[smem:$0x3FA8] =	sst s6  }
0xf: {  	[smem:$0x3FA9] =	sst s7  }
0x10: {  	[smem:$0x3FAA] =	sst s8  }
0x11: {  	[smem:$0x3FAB] =	sst s9;
	s0 =	simm.s32 @!p0 $0x0  }
0x12: {  	s1 =	sld [smem:$0x3F91];
	s0 =	simm.s32 @p0 $0x1  }
0x13: {  	[smem:$0x3FAC] =	sst s0;
	s0 =	simm.s32 @!p1 $0x0  }
0x14: {  	s2 =	sld [smem:$0x3F90];
	s0 =	simm.s32 @p1 $0x1  }
0x15: {  	[smem:$0x3FAD] =	sst s0;
	s0 =	simm.s32 @!p2 $0x0  }
0x16: {  	s3 =	sld [smem:$0x3FDB];
	s0 =	simm.s32 @p2 $0x1  }
0x17: {  	s4 =	simm.s32 $0x1BF5;
	[smem:$0x3FAF] =	sst s0  }
0x18: {  	s0 =	sld [smem:$0x3F92];
	_ =	swait.ge [sflag:s4], $0x0  }
0x19: {  	s7 =	sld [smem:$0x3F93]  }
0x1a: {  	s8 =	sadd.s32 $0xFFFFE003, lr  }
0x1b: {  	s9 =	sadd.s32 $0xFFFFFEF7, lr;
	s5 =	simm.s32 $0xFFFFFFFF;
	p2 =	slt.u32 s8, $0xFFFFF086  }
0x1c: {  	p1 =	slt.u32 s9, $0xF7A;
	s5 =	simm.s32 @!p2 $0x0  }
0x1d: {  	s5 =	simm.s32 @p1 $0x1;
	p0 =	seq.s32 s7, s2  }
0x1e: {  	s7 =	smul.u32 @!p0 $0xF7A, s2;
	p2 =	seq.s32 @!p0 s5, $0x0  }
0x1f: {  	s9 =	smul.u32 $0xF7A, s1;
	s8 =	simm.s32 @!p0 $0x1BF5;
	p2 =	por !p2, p0  }
0x20: {  	[sflag:s8] =	ssyncset.s32 @!p0 $0xFFFFF086;
	s6 =	sadd.s32 @!p0 s3, s7;
	s7 =	simm.s32 @!p0 $0x108  }
0x21: {  	s3 =	sadd.s32 s3, s9;
	s6 =	sadd.s32 @!p0 $0x88, s6;
	s7 =	simm.s32 @p2 $0x1082  }
0x22: {  	[simem:s7], [sflag:s8] =	dma.local @!p0 [hbm:s6], $0xF7A  }
0x23: {  	s9 =	sor.u32 $0xD0000000, s2;
	s6 =	simm.s32 $0x108;
	_ =	swait.ge @!p0 [sflag:s8], $0x0  }
0x24: {  	s3 =	sadd.s32 $0x88, s3;
	s6 =	simm.s32 @!p1 $0x1082;
	[sflag:s4] =	ssyncset.s32 $0xFFFFF086  }
0x25: {  	[simem:s6], [sflag:s4] =	dma.local [hbm:s3], $0xF7A  }
0x26: {  	[smem:$0x3F93] =	sst s1;
	(tag) =	ssettag s2;
	_ =	strace s9  }
0x27: {  	s1 =	sld [smem:$0x3FA3]  }
0x28: {  	s2 =	sld [smem:$0x3FA4]  }
0x29: {  	s4 =	sld [smem:$0x3FA6]  }
0x2a: {  	p0 =	seq.s32 s5, $0x0;
	s5 =	sld [smem:$0x3FA7]  }
0x2b: {  	s6 =	sld [smem:$0x3FA8]  }
0x2c: {  	s7 =	sld [smem:$0x3FA9]  }
0x2d: {  	s3 =	simm.s32 $0x108;
	s8 =	sld [smem:$0x3FAA]  }
0x2e: {  	s3 =	simm.s32 @!p0 $0x1082;
	s9 =	sld [smem:$0x3FAB]  }
0x2f: {  	lr =	sadd.s32 s0, s3;
	s0 =	sld [smem:$0x3FA2]  }
0x30: {  	s3 =	sld [smem:$0x3FA5]  }
0x31: {  	[smem:$0x3FAE] =	sst s10  }
0x32: {  	s10 =	sld [smem:$0x3FAC];
	_ =	sdelay $0x3  }
0x33: {  	p0 =	seq.s32 s10, $0x1;
	s10 =	sld [smem:$0x3FAE];
	_ =	sdelay $0x3  }
0x34: {  	[smem:$0x3FAE] =	sst s10  }
0x35: {  	s10 =	sld [smem:$0x3FAD];
	_ =	sdelay $0x3  }
0x36: {  	p1 =	seq.s32 s10, $0x1;
	s10 =	sld [smem:$0x3FAE];
	_ =	sdelay $0x3  }
0x37: {  	[smem:$0x3FAE] =	sst s10  }
0x38: {  	s10 =	sld [smem:$0x3FAF]  }
0x39: {  	_ = 	snop;
	(pc) =	sbr.ind lr, $3  }
0x3a: {  	_ = 	snop  }
0x3b: {  	_ = 	snop  }
0x3c: {  	p2 =	seq.s32 s10, $0x1;
	s10 =	sld [smem:$0x3FAE]  }
0x3d: {  	_ =	shalt  }
0x3e: {  	_ =	shalt  }
0x3f: {  	_ =	shalt  }
0x40: {  	_ =	shalt  }
0x41: {  	_ =	shalt  }
0x42: {  	_ =	shalt  }
0x43: {  	_ =	shalt  }
0x44: {  	_ =	shalt  }
0x45: {  	_ =	shalt  }
0x46: {  	_ =	shalt  }
0x47: {  	_ =	shalt  }
0x48: {  	_ =	shalt  }
0x49: {  	_ =	shalt  }
0x4a: {  	_ =	shalt  }
0x4b: {  	_ =	shalt  }
0x4c: {  	_ =	shalt  }
0x4d: {  	_ =	shalt  }
0x4e: {  	_ =	shalt  }
0x4f: {  	_ =	shalt  }
0x50: {  	_ =	shalt  }
0x51: {  	_ =	shalt  }
0x52: {  	_ =	shalt  }
0x53: {  	_ =	shalt  }
0x54: {  	_ =	shalt  }
0x55: {  	_ =	shalt  }
0x56: {  	_ =	shalt  }
0x57: {  	_ =	shalt  }
0x58: {  	_ =	shalt  }
0x59: {  	_ =	shalt  }
0x5a: {  	_ =	shalt  }
0x5b: {  	_ =	shalt  }
0x5c: {  	_ =	shalt  }
0x5d: {  	_ =	shalt  }
0x5e: {  	_ =	shalt  }
0x5f: {  	_ =	shalt  }
0x60: {  	_ =	shalt  }
0x61: {  	_ =	shalt  }
0x62: {  	_ =	shalt  }
0x63: {  	_ =	shalt  }
0x64: {  	_ =	shalt  }
0x65: {  	_ =	shalt  }
0x66: {  	_ =	shalt  }
0x67: {  	_ =	shalt  }
0x68: {  	_ =	shalt  }
0x69: {  	_ =	shalt  }
0x6a: {  	_ =	shalt  }
0x6b: {  	_ =	shalt  }
0x6c: {  	_ =	shalt  }
0x6d: {  	_ =	shalt  }
0x6e: {  	_ =	shalt  }
0x6f: {  	_ =	shalt  }
0x70: {  	_ =	shalt  }
0x71: {  	_ =	shalt  }
0x72: {  	_ =	shalt  }
0x73: {  	_ =	shalt  }
0x74: {  	_ =	shalt  }
0x75: {  	_ =	shalt  }
0x76: {  	_ =	shalt  }
0x77: {  	_ =	shalt  }
0x78: {  	_ =	shalt  }
0x79: {  	_ =	shalt  }
0x7a: {  	_ =	shalt  }
0x7b: {  	_ =	shalt  }
0x7c: {  	_ =	shalt  }
0x7d: {  	_ =	shalt  }
0x7e: {  	_ =	shalt  }
0x7f: {  	_ =	shalt  }
0x80: {  	_ =	shalt  }
0x81: {  	_ =	shalt  }
0x82: {  	_ =	shalt  }
0x83: {  	_ =	shalt  }
0x84: {  	_ =	shalt  }
0x85: {  	_ =	shalt  }
0x86: {  	_ =	shalt  }
0x87: {  	_ =	shalt  }
.Lfunc_end0:
.L_simem_size_0:
called_computation_lowered:
.L_overlay_start_0:
0x88: {  	s2 =	sld [smem:$0x3FD9]  }
0x89: {  	s3 =	sld [smem:$0x3FFE];
	_ =	sdelay $0x1  }
0x8a: {  	s1 =	srdreg.scid  }
0x8b: {  	s0 =	sand.u32 $0x1, s1  }
0x8c: {  	s17 =	sshll.u32 s0, $0xA;
	s2 =	sadd.s32 s3, s2  }
0x8d: {  	s2 =	sadd.s32 s2, s17  }
0x8e: {  	[smem:$0x3FBA] =	sst s2  }
0x8f: {  	_ = 	snop  }
0x90: {  	s2 =	sld [smem:$0x3FD0];
	(tm) =	ssettm $0x1  }
0x91: {  	s18 =	sld [smem:$0x3FFB];
	_ =	sdelay $0x3  }
0x92: {  	_ =	strace s18  }
0x93: {  	s3 =	sld [smem:$0x3FFC];
	_ =	sdelay $0x3  }
0x94: {  	_ =	strace s3  }
0x95: {  	s3 =	sld [smem:$0x3FFD];
	_ =	sdelay $0x3  }
0x96: {  	_ =	strace s3  }
0x97: {  	_ =	strace $0x8FFFFFFF  }
0x98: {  	s19 =	sld [smem:$0x3FDB];
	_ =	sdelay $0x1  }
0x99: {  	s4 =	simm.s32 $_scs_section_size  }
0x9a: {  	s5 =	simm.s32 $_size__tile_overlayer_lowered;
	s6 =	simm.s32 $_tile_overlayer_lowered  }
0x9b: {  	s22 =	simm.s32 $0x1BFF;
	s21 =	sshll.u32 s6, $0x1;
	s3 =	sadd.s32 s4, s19  }
0x9c: {  	s7 =	simm.s32 $0x0;
	s20 =	sshll.u32 s5, $0x1;
	s5 =	sadd.s32 s21, s3  }
0x9d: {  	[timem:s7], [sflag:s22] =	dma.local [hbm:s5], s20  }
0x9e: {  	_ =	swait.ge [sflag:s22], s20  }
0x9f: {  	s4 =	ssub.s32 $0x0, s20;
	[sflag:s22] =	ssyncset.done $0x0  }
0xa0: {  	[sflag:s22] =	ssyncadd.s32 s4;
	_ =	sdelay $0x1  }
0xa1: {  	s23 =	simm.s32 $0x1B8B  }
0xa2: {  	_ =	swait.ge [sflag:s23], $0x1  }
0xa3: {  	[sflag:s23] =	ssyncset.done $0x0  }
0xa4: {  	s25 =	simm.s32 $0x1B8E;
	s24 =	sld [smem:$0x3FFE];
	[sflag:s23] =	ssyncadd.s32 $0xFFFFFFFF  }
0xa5: {  	s26 =	simm.s32 $execute0_lowered;
	[smem:$0x3FD2] =	sst s25  }
0xa6: {  	s5 =	sshll.u32 s26, $0x1;
	_ =	strace $0x80000046;
	[dreg:$0x1] =	wrdreg $0xFFFFFFFF  }
0xa7: {  	s28 =	simm.s32 $_size_execute0_lowered;
	s3 =	sadd.s32 s3, s5;
	[dreg:$0x0] =	wrdreg $0x0  }
0xa8: {  	s5 =	sshll.u32 s28, $0x1;
	[dreg:$0x2] =	wrdreg s3  }
0xa9: {  	[dreg:$0x3] =	wrdreg s5  }
0xaa: {  	[dreg:$0x4] =	wrdreg $0xC0  }
0xab: {  	_ =	task [dreg:s7], $0x5FFFF  }
0xac: {  	[dreg:$0x1] =	wrdreg $0xFFFFFFFF  }
0xad: {  	[dreg:$0x0] =	wrdreg $0x60  }
0xae: {  	[dreg:$0x2] =	wrdreg s24  }
0xaf: {  	[dreg:$0x3] =	wrdreg s2  }
0xb0: {  	[dreg:$0x4] =	wrdreg $0x54800  }
0xb1: {  	[dreg:$0x5] =	wrdreg $0x9  }
0xb2: {  	_ =	task.clear_ibuf [dreg:s7], $0x6FFFF;
	_ =	strace $0x90000046  }
0xb3: {  	s29 =	simm.s32 $0x9;
	_ =	strace $0x80000048  }
0xb4: {  	_ =	swait.ge [sflag:s29], $0x1  }
0xb5: {  	[sflag:s29] =	ssyncadd.s32 $0xFFFFFFFF  }
0xb6: {  	_ =	strace $0x90000048  }
0xb7: {  	_ =	sfence  }
0xb8: {  	s30 =	sld [smem:$0x0];
	_ =	sdelay $0x2  }
0xb9: {  	s31 =	sshll.u32 s1, $0xD;
	s1 =	sshrl.u32 s1, $0x2  }
0xba: {  	s3 =	sand.u32 $0x4000, s31;
	s1 =	sadd.s32 s1, s30  }
0xbb: {  	s0 =	sor.u32 s3, s0;
	s1 =	sshll.u32 s1, $0x11  }
0xbc: {  	s0 =	sor.u32 s1, s0  }
0xbd: {  	s0 =	sadd.s32 $0x8F2B, s0  }
0xbe: {  	[sflag:s0] =	ssyncadd.remote.s32 $0x1  }
0xbf: {  	_ =	sfence.sel $0xFFFF  }
0xc0: {  	[dreg:$0x0] =	wrdreg $0xFFFFFFFF;
	(pc) =	sbr.abs _section_cstart, $3  }
0xc1: {  	[dreg:$0x1] =	wrdreg $0xFFFFFFFF  }
0xc2: {  	_ =	task.clear_ibuf [dreg:s7], $0x2FFFF;
	_ =	strace $0x9FFFFFFF  }
0xc3: {  	(tm) =	ssettm $0x7FFFFFFF  }
tec
execute0_lowered:
.L_overlay_start_1:
0x0: {  	(tag) =	ssettag $0x1  }
0x1: {  	s9 =	rddreg [dreg:$0x0]  }
0x2: {  	s8 =	rddreg [dreg:$0x1]  }
0x3: {  	s2 =	rddreg [dreg:$0x2];
	s0 =	stileid.u32  }
0x4: {  	s4 =	srdreg.scid;
	s1 =	rddreg [dreg:$0x3]  }
0x5: {  	s3 =	simm.s32 $0x0;
	s16 =	simm.s32 $0x80;
	s17 =	simm.s32 $0x20  }
0x6: {  	s18 =	simm.s32 $0x10;
	s19 =	simm.s32 $0x0;
	s5 =	smul.u32 $0x280, s0  }
0x7: {  	s7 =	sand.u32 $0x1, s4;
	[smem:$0x7FF] =	sst s3;
	s12 =	smul.u32 $0x9C, s0  }
0x8: {  	s4 =	sadd.s32 $0x16A00, s9;
	s29 =	sshll.u32 s0, $0x6;
	s31 =	smul.u32 $0x500, s0  }
0x9: {  	s14 =	sshll.u32 s0, $0x9;
	s6 =	ssub.s32 $0x2, s7;
	_ =	strace $0x80000047  }
0xa: {  	p0 =	seq.s32 s7, $0x0;
	s7 =	sshll.u32 s7, $0x7;
	s28 =	sshrl.u32 s5, $0x3  }
0xb: {  	s11 =	sshrl.u32 s6, $0x1;
	s13 =	sadd.s32 s5, s2;
	s30 =	sand.u32 $0xFF8, s12  }
0xc: {  	s7 =	sor.u32 s7, s31;
	s12 =	simm.s32 $0xCC00;
	s10 =	sadd.s32 s28, s9  }
0xd: {  	s11 =	ssub.s32 s6, s11;
	s6 =	sor.u32 $0x1C01, s29;
	s15 =	sshrl.u32 s7, $0x3  }
0xe: {  	s12 =	simm.s32 @!p0 $0x2E00;
	s7 =	sshrl.u32 s14, $0x2;
	s13 =	sshrl.u32 s13, $0x3  }
0xf: {  	p0 =	sgt.u32 s0, $0x3;
	s5 =	sadd.s32 $0x16C00, s10;
	s10 =	smin.u32 s30, $0x920  }
0x10: {  	s8 =	sadd.s32 s8, s15;
	s12 =	sadd.s32 s12, s9;
	s9 =	smax.u32 s11, $0x1  }
0x11: {  	s15 =	simm.s32 $0x5400;
	s10 =	sshll.u32 s10, $0x4;
	s11 =	sadd.s32 $0x9C00, s12  }
0x12: {  	s10 =	sadd.s32 s12, s10;
	s12 =	sand.u32 $0x200, s14;
	s14 =	simm.s32 $0x1  }
.LBB2_1:
0x13: {  	[spmem:s13], [sflag:s6] =	dma.local [hbm:s5], $0x50  }
0x14: {  	_ =	swait.ge [sflag:s14], $0x50  }
0x15: {  	[sflag:s14] =	ssyncset.done $0x0  }
0x16: {  	[sflag:s14] =	ssyncadd.s32 $0xFFFFFFB0  }
0x17: {  	[tilespmem:s15], [sflag:$0x1] =	stream.linear.gather [hbm4b:s4+s3], $0x80, $0x38;
	[tilespmem:$0x5700] =	vst v63  }
0x18: {  	_ =	swait.ge [sflag:s14], $0x80  }
0x19: {  	[sflag:s14] =	ssyncset.done $0x0  }
0x1a: {  	[sflag:s14] =	ssyncadd.s32 $0xFFFFFF80  }
0x1b: {  	[tilespmem:s3], [sflag:$0x1] =	stream.linear.gather [hbm4b:s10+s3], $0x5400, $0x38;
	[tilespmem:$0x5700] =	vst v63  }
0x1c: {  	_ =	swait.ge [sflag:s14], $0x5400  }
0x1d: {  	[sflag:s14] =	ssyncset.done $0x0  }
0x1e: {  	[sflag:s14] =	ssyncadd.s32 $0xFFFFAC00  }
0x1f: {  	s20 =	sadd.s32 $0x0, s12;
	[bflag:$0x0] =	sbarrier.arrive $0xFFFF  }
0x20: {  	[spmem:s2] =	stream.indirect.scatter.add.f32 [tilespmem:s15], [sflag:$0x1], $0x1, s20, s16, $0xb8;
	[tilespmem:$0x5700] =	vst v63  }
0x21: {  	s20 =	simm.s32 $0x200;
	_ =	swait.ge [sflag:s14], $0x80  }
.LBB2_2:
0x22: {  	s21 =	sshra.s32 s20, $0x2;
	[sflag:s14] =	ssyncset.done $0x0;
	p1 =	sne.s32 s20, $0x13600  }
.Ltmp0:
0x23: {  	s21 =	sadd.s32 s21, s12;
	[sflag:s14] =	ssyncadd.s32 $0xFFFFFF80;
	(pc) =	sbr.rel @p1 .LBB2_2-.Ltmp0, $3  }
0x24: {  	[spmem:s2] =	stream.indirect.scatter.add.f32 [tilespmem:s15], [sflag:$0x1], $0x1, s21, s16, $0xb8;
	[tilespmem:$0x5700] =	vst v63  }
0x25: {  	s20 =	sadd.s32 $0x200, s20;
	_ =	sdelay $0x1  }
0x26: {  	_ =	swait.ge [sflag:s14], $0x80  }
0x27: {  	[sflag:s14] =	ssyncset.done $0x0  }
0x28: {  	s20 =	simm.s32 @!p0 $0x0;
	[sflag:s14] =	ssyncadd.s32 $0xFFFFFF80  }
0x29: {  	[tilespmem:s20], [sflag:$0x1] =	stream.linear.gather @!p0 [hbm4b:s11+s20], $0x400, $0x38;
	[tilespmem:$0x5700] =	vst v63  }
0x2a: {  	s20 =	simm.s32 @!p0 $0x1  }
0x2b: {  	_ =	swait.ge @!p0 [sflag:s20], $0x400  }
0x2c: {  	[sflag:s20] =	ssyncset.done @!p0 $0x0  }
0x2d: {  	s21 =	simm.s32 @!p0 $0x80;
	s22 =	simm.s32 @!p0 $0x5400;
	[sflag:s20] =	ssyncadd.s32 @!p0 $0xFFFFFC00  }
0x2e: {  	[spmem:s2] =	stream.indirect.scatter.add.f32 @!p0 [tilespmem:s22], [sflag:$0x1], $0x1, s7, s21, $0xb8;
	[tilespmem:$0x5700] =	vst v63  }
0x2f: {  	_ =	swait.ge @!p0 [sflag:s20], $0x80  }
0x30: {  	s19 =	sadd.s32 $0x1, s19;
	[sflag:s20] =	ssyncset.done @!p0 $0x0  }
0x31: {  	p1 =	sne.s32 s19, s9;
	[sflag:s20] =	ssyncadd.s32 @!p0 $0xFFFFFF80  }
.Ltmp1:
0x32: {  	[bflag:$0x0] =	sbarrier.arrive $0xFFFF;
	(pc) =	sbr.rel @p1 .LBB2_1-.Ltmp1, $4  }
0x33: {  	[hbm:s8@s17], [sflag:s6] =	dma.strided [spmem:s13@s18], $0x50, s14, $0x10   }
0x34: {  	_ =	swait.ge [sflag:s14], $0x50  }
0x35: {  	[sflag:s14] =	ssyncset.done $0x0  }
0x36: {  	[sflag:s14] =	ssyncadd.s32 $0xFFFFFFB0  }
0x37: {  	_ =	sfence.sel $0x180000  }
0x38: {  	[bflag:$0x0] =	sbarrier.arrive $0xFFFF  }
0x39: {  	p0 =	sne.s32 s0, $0x0;
	_ =	strace $0x90000047  }
0x3a: {  	s0 =	sadd.s32 @!p0 $0x100000, s1;
	[bflag:$0x2] =	sbarrier.arrive $0xFFFF  }
0x3b: {  	[sflag:s0] =	ssyncadd.tile.s32 @!p0 $0x1;
	_ =	shalt  }
.Lfunc_end2:
_tile_overlayer_lowered:
.L_overlay_start_2:
0x3c: {  	(tag) =	ssettag $0x2  }
0x3d: {  	s0 =	rddreg [dreg:$0x0];
	s2 =	stileid.u32  }
0x3e: {  	s1 =	rddreg [dreg:$0x1];
	p0 =	sne.s32 s2, $0x0  }
0x3f: {  	s3 =	rddreg [dreg:$0x2];
	[bflag:$0x3] =	sbarrier.arrive $0xFFFF;
	s2 =	simm.s32 @!p0 $0x1C01  }
0x40: {  	[timem:s3], [sflag:s2] =	dma.local @!p0 [hbm:s0], s1  }
0x41: {  	s0 =	simm.s32 @!p0 $0x1  }
0x42: {  	_ =	swait.ge @!p0 [sflag:s0], s1  }
0x43: {  	s1 =	ssub.s32 @!p0 $0x0, s1;
	[sflag:s0] =	ssyncset.done @!p0 $0x0  }
0x44: {  	[sflag:s0] =	ssyncadd.s32 @!p0 s1  }
0x45: {  	[bflag:$0x3] =	sbarrier.arrive $0xFFFF  }
0x46: {  	_ =	shalt  }

</sc_bundles>
